<compile_context>
chip_gen: v7x
topology: tpu7x:2x2x1
jax: 0.10.2.dev20260603
libtpu: 0.0.44.dev20260713+nightly
codegen_flags: <defaults>
</compile_context>

<pallas_src>
import jax
import jax.numpy as jnp
from jax import lax
from jax.experimental import pallas as pl
from jax.experimental.pallas import tpu as pltpu
from jax.experimental.pallas import tpu_sc as plsc

NUM_EMB = 1000000
DIM = 64
NBLOCKS = NUM_EMB * DIM // 4096
NBLOCKS_PAD = 15632
NC = 2
NS = 16
NW = NC * NS
B = 16384 * 20
B_PER_W = B // NW
CHUNK = 256
N_CHUNKS = B_PER_W // CHUNK
SCALE = 1.0 / 127.0


def _sc_body(table_hbm, idx_hbm, absmax_hbm, out_hbm,
             idx_v, vidx_v, rows_v, scales_v, mshift_v, out_v, absmax_v,
             gsem, osem):
    wid = lax.axis_index("s") * NC + lax.axis_index("c")
    pltpu.sync_copy(absmax_hbm, absmax_v)
    pltpu.sync_copy(idx_hbm.at[wid], idx_v)

    def prepass(j, p):
        for i in range(CHUNK // 16):
            iv = idx_v[j, pl.ds(i * 16, 16)]
            vidx_v[p, pl.ds(i * 16, 16)] = ((iv >> 6) << 4) | (iv & 15)
            mshift_v[p, pl.ds(i * 16, 16)] = 24 - 8 * ((iv >> 4) & 3)
            sc = plsc.load_gather(absmax_v, [iv >> 6]) * SCALE
            scales_v[p, pl.ds(i * 16, 16)] = sc

    def gather(p):
        pltpu.async_copy(table_hbm.at[vidx_v.at[p]], rows_v.at[p], gsem)

    prepass(0, 0)
    gather(0)

    def chunk_body(j, carry):
        b = lax.rem(j, 2)
        nb = 1 - b

        @pl.when(j < N_CHUNKS - 1)
        def _():
            prepass(j + 1, nb)
            gather(nb)

        pltpu.make_async_copy(table_hbm.at[vidx_v.at[b]], rows_v.at[b],
                              gsem).wait()

        @pl.when(j >= 2)
        def _():
            pltpu.make_async_copy(out_v.at[b], out_hbm.at[wid, j - 2],
                                  osem).wait()

        def row_body(r, c):
            r16 = jnp.broadcast_to(r, (16,))
            s = plsc.load_gather(scales_v.at[b], [r16])
            lsh = plsc.load_gather(mshift_v.at[b], [r16])
            base = r * DIM
            for k in range(4):
                w = rows_v[b, r, pl.ds(k * 16, 16)]
                v = (w << lsh) >> 24
                out_v[b, pl.ds(base + k * 16, 16)] = \
                    v.astype(jnp.float32) * s
            return c

        lax.fori_loop(0, CHUNK, row_body, 0, unroll=4)
        pltpu.async_copy(out_v.at[b], out_hbm.at[wid, j], osem)
        return carry

    lax.fori_loop(0, N_CHUNKS, chunk_body, 0)
    pltpu.make_async_copy(out_v.at[0], out_hbm.at[wid, 0], osem).wait()
    pltpu.make_async_copy(out_v.at[1], out_hbm.at[wid, 0], osem).wait()


def _sc_call(table, idx, absmax_p):
    mesh = plsc.VectorSubcoreMesh(core_axis_name="c", subcore_axis_name="s",
                                  num_cores=NC, num_subcores=NS)
    return pl.kernel(
        _sc_body,
        out_type=jax.ShapeDtypeStruct((NW, N_CHUNKS, CHUNK * DIM), jnp.float32),
        mesh=mesh,
        scratch_types=[
            pltpu.VMEM((N_CHUNKS, CHUNK), jnp.int32),
            pltpu.VMEM((2, CHUNK), jnp.int32),
            pltpu.VMEM((2, CHUNK, DIM), jnp.int32),
            pltpu.VMEM((2, CHUNK), jnp.float32),
            pltpu.VMEM((2, CHUNK), jnp.int32),
            pltpu.VMEM((2, CHUNK * DIM), jnp.float32),
            pltpu.VMEM((NBLOCKS_PAD,), jnp.float32),
            pltpu.SemaphoreType.DMA,
            pltpu.SemaphoreType.DMA,
        ],
        compiler_params=pltpu.CompilerParams(
            needs_layout_passes=False, use_tc_tiling_on_sc=False,
            disable_bounds_checks=True, disable_semaphore_checks=True),
    )(table, idx, absmax_p)


@jax.jit
def kernel(q_weight, absmax, x):
    p0 = q_weight[:, 0:1024].astype(jnp.int32) & 0xFF
    p1 = q_weight[:, 1024:2048].astype(jnp.int32) & 0xFF
    p2 = q_weight[:, 2048:3072].astype(jnp.int32) & 0xFF
    p3 = q_weight[:, 3072:4096].astype(jnp.int32)
    packed = p0 | (p1 << 8) | (p2 << 16) | (p3 << 24)
    table = packed.reshape(NUM_EMB // 4, DIM)
    absmax_p = jnp.pad(absmax, (0, NBLOCKS_PAD - NBLOCKS))
    idx = x.reshape(NW, N_CHUNKS, CHUNK)
    out = _sc_call(table, idx, absmax_p)
    return out.reshape(x.shape[0], x.shape[1], DIM)

# --- scband reference (transcript-rebuilt; emitter-appended) ---
"""Pipeline reference for scband-bnb8bit-embedding-42992622633476 (READ-ONLY COPY).

The authoritative reference and input builder live on the scoring server;
editing this copy changes nothing except your own understanding.
"""

import jax, jax.numpy as jnp
import numpy as np

NUM_EMB = 1000000
DIM = 64
BLOCK = 4096  # bnb blockwise quantization blocksize


def setup_inputs(seed: int = 0) -> dict:
    key = jax.random.key(seed)
    k1, k2 = jax.random.split(key)
    # Original fp32 embedding table (source_layer.weight)
    W = jax.random.normal(k1, (NUM_EMB, DIM), dtype=jnp.float32) * 0.02
    # Blockwise 8-bit quantization (linear symmetric approximation of
    # bnb.functional.quantize_blockwise's dynamic code): per-block absmax scale.
    flat = W.reshape(-1, BLOCK)
    absmax = jnp.max(jnp.abs(flat), axis=1)
    q_weight = jnp.round(flat / jnp.maximum(absmax[:, None], 1e-8) * 127.0).astype(jnp.int8)
    # forward indices
    x = jax.random.randint(k2, (16384, 20), 0, NUM_EMB, dtype=jnp.int32)
    return {"q_weight": q_weight, "absmax": absmax, "x": x}


def reference(q_weight, absmax, x):
    # Faithful forward: dequantize the quantized buffers blockwise, then gather.
    # (The torch module dequantizes chunk-by-chunk; since quantization blocks
    # tile chunks exactly, dequantizing the whole table is mathematically
    # identical, followed by the embedding gather out[mask] = chunk_w_fp[idx].)
    deq = q_weight.astype(jnp.float32) / 127.0 * absmax[:, None]
    table = deq.reshape(NUM_EMB, DIM)
    out = jnp.take(table, x, axis=0)
    return out

if __name__ == "__main__":
    import jax
    _d = setup_inputs()
    print(jax.jit(kernel)(*tuple(_d.values())))

</pallas_src>

<mosaic_0001>
#map = affine_map<(d0, d1) -> (0, 0)>
#map1 = affine_map<(d0, d1) -> (0, 0, 0)>
#map2 = affine_map<(d0, d1) -> (0)>
module attributes {stable_mosaic.version = 14 : i64} {
  func.func @_sc_body(%arg0: i32, %arg1: i32, %arg2: memref<250000x64xi32, #tpu.memory_space<hbm>>, %arg3: memref<32x40x256xi32, #tpu.memory_space<hbm>>, %arg4: memref<15632xf32, #tpu.memory_space<hbm>>, %arg5: memref<32x40x16384xf32, #tpu.memory_space<hbm>>, %arg6: memref<40x256xi32, #tpu.memory_space<vmem>>, %arg7: memref<2x256xi32, #tpu.memory_space<vmem>>, %arg8: memref<2x256x64xi32, #tpu.memory_space<vmem>>, %arg9: memref<2x256xf32, #tpu.memory_space<vmem>>, %arg10: memref<2x256xi32, #tpu.memory_space<vmem>>, %arg11: memref<2x16384xf32, #tpu.memory_space<vmem>>, %arg12: memref<15632xf32, #tpu.memory_space<vmem>>, %arg13: memref<!tpu.dma_semaphore, #tpu.memory_space<semaphore_mem>>, %arg14: memref<!tpu.dma_semaphore, #tpu.memory_space<semaphore_mem>>) attributes {dimension_semantics = [#tpu.dimension_semantics<core_parallel>, #tpu.dimension_semantics<subcore_parallel>], iteration_bounds = array<i64: 2, 16>, scalar_prefetch = 0 : i64, scratch_operands = 9 : i64, tpu.core_type = #tpu.core_type<sc_vector_subcore>, window_params = [{transform_indices = #map}, {transform_indices = #map1}, {transform_indices = #map2}, {transform_indices = #map1}]} {
    %mul3A = arith.constant 2 : i32
    %mul3A_0 = arith.muli %arg1, %mul3A : i32
    %add3A = arith.addi %mul3A_0, %arg0 : i32
    "tpu.region"() ({
      %run_scoped3A = tpu.sem_alloc : memref<!tpu.dma_semaphore, #tpu.memory_space<semaphore_mem>>
      tpu.enqueue_dma source(%arg4 : memref<15632xf32, #tpu.memory_space<hbm>>) target(%arg12 : memref<15632xf32, #tpu.memory_space<vmem>>) target_semaphore(%run_scoped3A : memref<!tpu.dma_semaphore, #tpu.memory_space<semaphore_mem>>)
      tpu.wait_dma2 semaphore(%run_scoped3A : memref<!tpu.dma_semaphore, #tpu.memory_space<semaphore_mem>>) src(%arg4 : memref<15632xf32, #tpu.memory_space<hbm>>) dst(%arg12 : memref<15632xf32, #tpu.memory_space<vmem>>)
      tpu.yield
    }) : () -> ()
    "tpu.region"() ({
      %run_scoped3A = tpu.sem_alloc : memref<!tpu.dma_semaphore, #tpu.memory_space<semaphore_mem>>
      %dma_start3A_756 = arith.constant 0 : i32
      %dma_start3A_757 = arith.constant 0 : i32
      %dma_start3A_758 = tpu.memref_slice %arg3[%add3A, %dma_start3A_756, %dma_start3A_757] : memref<32x40x256xi32, #tpu.memory_space<hbm>> -> memref<1x40x256xi32, #tpu.memory_space<hbm>>
      %dma_start3A_759 = tpu.memref_squeeze %dma_start3A_758 : memref<1x40x256xi32, #tpu.memory_space<hbm>> -> memref<40x256xi32, #tpu.memory_space<hbm>>
      %dma_start3A_760 = arith.constant 0 : i32
      %dma_start3A_761 = arith.constant 0 : i32
      %dma_start3A_762 = tpu.memref_slice %arg3[%add3A, %dma_start3A_760, %dma_start3A_761] : memref<32x40x256xi32, #tpu.memory_space<hbm>> -> memref<1x40x256xi32, #tpu.memory_space<hbm>>
      %dma_start3A_763 = tpu.memref_squeeze %dma_start3A_762 : memref<1x40x256xi32, #tpu.memory_space<hbm>> -> memref<40x256xi32, #tpu.memory_space<hbm>>
      tpu.enqueue_dma source(%dma_start3A_763 : memref<40x256xi32, #tpu.memory_space<hbm>>) target(%arg6 : memref<40x256xi32, #tpu.memory_space<vmem>>) target_semaphore(%run_scoped3A : memref<!tpu.dma_semaphore, #tpu.memory_space<semaphore_mem>>)
      %dma_wait3A_764 = arith.constant 0 : i32
      %dma_wait3A_765 = arith.constant 0 : i32
      %dma_wait3A_766 = tpu.memref_slice %arg3[%add3A, %dma_wait3A_764, %dma_wait3A_765] : memref<32x40x256xi32, #tpu.memory_space<hbm>> -> memref<1x40x256xi32, #tpu.memory_space<hbm>>
      %dma_wait3A_767 = tpu.memref_squeeze %dma_wait3A_766 : memref<1x40x256xi32, #tpu.memory_space<hbm>> -> memref<40x256xi32, #tpu.memory_space<hbm>>
      %dma_wait3A_768 = arith.constant 0 : i32
      %dma_wait3A_769 = arith.constant 0 : i32
      %dma_wait3A_770 = tpu.memref_slice %arg3[%add3A, %dma_wait3A_768, %dma_wait3A_769] : memref<32x40x256xi32, #tpu.memory_space<hbm>> -> memref<1x40x256xi32, #tpu.memory_space<hbm>>
      %dma_wait3A_771 = tpu.memref_squeeze %dma_wait3A_770 : memref<1x40x256xi32, #tpu.memory_space<hbm>> -> memref<40x256xi32, #tpu.memory_space<hbm>>
      tpu.wait_dma2 semaphore(%run_scoped3A : memref<!tpu.dma_semaphore, #tpu.memory_space<semaphore_mem>>) src(%dma_wait3A_771 : memref<40x256xi32, #tpu.memory_space<hbm>>) dst(%arg6 : memref<40x256xi32, #tpu.memory_space<vmem>>)
      tpu.yield
    }) : () -> ()
    %get3A = arith.constant 0 : i32
    %get3A_1 = arith.index_cast %get3A : i32 to index
    %get3A_2 = arith.constant 0 : index
    %get3A_3 = tpu.vector_load %arg6[%get3A_1, %get3A_2] {strides = array<i32>} : memref<40x256xi32, #tpu.memory_space<vmem>>, vector<16xi32>,
    %shift_right_arithmetic3A = arith.constant 6 : i32
    %shift_right_arithmetic3A_4 = vector.broadcast %shift_right_arithmetic3A : i32 to vector<16xi32>
    %shift_right_arithmetic3A_5 = arith.shrsi %get3A_3, %shift_right_arithmetic3A_4 : vector<16xi32>
    %shift_left3A = arith.constant 4 : i32
    %shift_left3A_6 = vector.broadcast %shift_left3A : i32 to vector<16xi32>
    %shift_left3A_7 = arith.shli %shift_right_arithmetic3A_5, %shift_left3A_6 : vector<16xi32>
    %and3A = arith.constant 15 : i32
    %and3A_8 = vector.broadcast %and3A : i32 to vector<16xi32>
    %and3A_9 = arith.andi %get3A_3, %and3A_8 : vector<16xi32>
    %or3A = arith.ori %shift_left3A_7, %and3A_9 : vector<16xi32>
    %swap3A = arith.constant 0 : i32
    %swap3A_10 = arith.index_cast %swap3A : i32 to index
    %swap3A_11 = arith.constant 0 : index
    %swap3A_12 = tpu.vector_load %arg7[%swap3A_10, %swap3A_11] {strides = array<i32>} : memref<2x256xi32, #tpu.memory_space<vmem>>, vector<16xi32>,
    tpu.vector_store %arg7[%swap3A_10, %swap3A_11], %or3A {strides = array<i32>} : memref<2x256xi32, #tpu.memory_space<vmem>>, vector<16xi32>,
    %shift_right_arithmetic3A_13 = arith.constant 4 : i32
    %shift_right_arithmetic3A_14 = vector.broadcast %shift_right_arithmetic3A_13 : i32 to vector<16xi32>
    %shift_right_arithmetic3A_15 = arith.shrsi %get3A_3, %shift_right_arithmetic3A_14 : vector<16xi32>
    %and3A_16 = arith.constant 3 : i32
    %and3A_17 = vector.broadcast %and3A_16 : i32 to vector<16xi32>
    %and3A_18 = arith.andi %shift_right_arithmetic3A_15, %and3A_17 : vector<16xi32>
    %mul3A_19 = arith.constant 8 : i32
    %mul3A_20 = vector.broadcast %mul3A_19 : i32 to vector<16xi32>
    %mul3A_21 = arith.muli %mul3A_20, %and3A_18 : vector<16xi32>
    %sub3A = arith.constant 24 : i32
    %sub3A_22 = vector.broadcast %sub3A : i32 to vector<16xi32>
    %sub3A_23 = arith.subi %sub3A_22, %mul3A_21 : vector<16xi32>
    %swap3A_24 = arith.constant 0 : i32
    %swap3A_25 = arith.index_cast %swap3A_24 : i32 to index
    %swap3A_26 = arith.constant 0 : index
    %swap3A_27 = tpu.vector_load %arg10[%swap3A_25, %swap3A_26] {strides = array<i32>} : memref<2x256xi32, #tpu.memory_space<vmem>>, vector<16xi32>,
    tpu.vector_store %arg10[%swap3A_25, %swap3A_26], %sub3A_23 {strides = array<i32>} : memref<2x256xi32, #tpu.memory_space<vmem>>, vector<16xi32>,
    %shift_right_arithmetic3A_28 = arith.constant 6 : i32
    %shift_right_arithmetic3A_29 = vector.broadcast %shift_right_arithmetic3A_28 : i32 to vector<16xi32>
    %shift_right_arithmetic3A_30 = arith.shrsi %get3A_3, %shift_right_arithmetic3A_29 : vector<16xi32>
    %gather3A = tpu.vector_load_idx %arg12[%shift_right_arithmetic3A_30] : memref<15632xf32, #tpu.memory_space<vmem>>[vector<16xi32>], vector<16xf32>,
    %mul3A_31 = arith.constant 0.00787401571 : f32
    %mul3A_32 = vector.broadcast %mul3A_31 : f32 to vector<16xf32>
    %mul3A_33 = arith.mulf %gather3A, %mul3A_32 : vector<16xf32>
    %swap3A_34 = arith.constant 0 : i32
    %swap3A_35 = arith.index_cast %swap3A_34 : i32 to index
    %swap3A_36 = arith.constant 0 : index
    %swap3A_37 = tpu.vector_load %arg9[%swap3A_35, %swap3A_36] {strides = array<i32>} : memref<2x256xf32, #tpu.memory_space<vmem>>, vector<16xf32>,
    tpu.vector_store %arg9[%swap3A_35, %swap3A_36], %mul3A_33 {strides = array<i32>} : memref<2x256xf32, #tpu.memory_space<vmem>>, vector<16xf32>,
    %get3A_38 = arith.constant 0 : i32
    %get3A_39 = arith.index_cast %get3A_38 : i32 to index
    %get3A_40 = arith.constant 16 : index
    %get3A_41 = tpu.vector_load %arg6[%get3A_39, %get3A_40] {strides = array<i32>} : memref<40x256xi32, #tpu.memory_space<vmem>>, vector<16xi32>,
    %shift_right_arithmetic3A_42 = arith.constant 6 : i32
    %shift_right_arithmetic3A_43 = vector.broadcast %shift_right_arithmetic3A_42 : i32 to vector<16xi32>
    %shift_right_arithmetic3A_44 = arith.shrsi %get3A_41, %shift_right_arithmetic3A_43 : vector<16xi32>
    %shift_left3A_45 = arith.constant 4 : i32
    %shift_left3A_46 = vector.broadcast %shift_left3A_45 : i32 to vector<16xi32>
    %shift_left3A_47 = arith.shli %shift_right_arithmetic3A_44, %shift_left3A_46 : vector<16xi32>
    %and3A_48 = arith.constant 15 : i32
    %and3A_49 = vector.broadcast %and3A_48 : i32 to vector<16xi32>
    %and3A_50 = arith.andi %get3A_41, %and3A_49 : vector<16xi32>
    %or3A_51 = arith.ori %shift_left3A_47, %and3A_50 : vector<16xi32>
    %swap3A_52 = arith.constant 0 : i32
    %swap3A_53 = arith.index_cast %swap3A_52 : i32 to index
    %swap3A_54 = arith.constant 16 : index
    %swap3A_55 = tpu.vector_load %arg7[%swap3A_53, %swap3A_54] {strides = array<i32>} : memref<2x256xi32, #tpu.memory_space<vmem>>, vector<16xi32>,
    tpu.vector_store %arg7[%swap3A_53, %swap3A_54], %or3A_51 {strides = array<i32>} : memref<2x256xi32, #tpu.memory_space<vmem>>, vector<16xi32>,
    %shift_right_arithmetic3A_56 = arith.constant 4 : i32
    %shift_right_arithmetic3A_57 = vector.broadcast %shift_right_arithmetic3A_56 : i32 to vector<16xi32>
    %shift_right_arithmetic3A_58 = arith.shrsi %get3A_41, %shift_right_arithmetic3A_57 : vector<16xi32>
    %and3A_59 = arith.constant 3 : i32
    %and3A_60 = vector.broadcast %and3A_59 : i32 to vector<16xi32>
    %and3A_61 = arith.andi %shift_right_arithmetic3A_58, %and3A_60 : vector<16xi32>
    %mul3A_62 = arith.constant 8 : i32
    %mul3A_63 = vector.broadcast %mul3A_62 : i32 to vector<16xi32>
    %mul3A_64 = arith.muli %mul3A_63, %and3A_61 : vector<16xi32>
    %sub3A_65 = arith.constant 24 : i32
    %sub3A_66 = vector.broadcast %sub3A_65 : i32 to vector<16xi32>
    %sub3A_67 = arith.subi %sub3A_66, %mul3A_64 : vector<16xi32>
    %swap3A_68 = arith.constant 0 : i32
    %swap3A_69 = arith.index_cast %swap3A_68 : i32 to index
    %swap3A_70 = arith.constant 16 : index
    %swap3A_71 = tpu.vector_load %arg10[%swap3A_69, %swap3A_70] {strides = array<i32>} : memref<2x256xi32, #tpu.memory_space<vmem>>, vector<16xi32>,
    tpu.vector_store %arg10[%swap3A_69, %swap3A_70], %sub3A_67 {strides = array<i32>} : memref<2x256xi32, #tpu.memory_space<vmem>>, vector<16xi32>,
    %shift_right_arithmetic3A_72 = arith.constant 6 : i32
    %shift_right_arithmetic3A_73 = vector.broadcast %shift_right_arithmetic3A_72 : i32 to vector<16xi32>
    %shift_right_arithmetic3A_74 = arith.shrsi %get3A_41, %shift_right_arithmetic3A_73 : vector<16xi32>
    %gather3A_75 = tpu.vector_load_idx %arg12[%shift_right_arithmetic3A_74] : memref<15632xf32, #tpu.memory_space<vmem>>[vector<16xi32>], vector<16xf32>,
    %mul3A_76 = arith.constant 0.00787401571 : f32
    %mul3A_77 = vector.broadcast %mul3A_76 : f32 to vector<16xf32>
    %mul3A_78 = arith.mulf %gather3A_75, %mul3A_77 : vector<16xf32>
    %swap3A_79 = arith.constant 0 : i32
    %swap3A_80 = arith.index_cast %swap3A_79 : i32 to index
    %swap3A_81 = arith.constant 16 : index
    %swap3A_82 = tpu.vector_load %arg9[%swap3A_80, %swap3A_81] {strides = array<i32>} : memref<2x256xf32, #tpu.memory_space<vmem>>, vector<16xf32>,
    tpu.vector_store %arg9[%swap3A_80, %swap3A_81], %mul3A_78 {strides = array<i32>} : memref<2x256xf32, #tpu.memory_space<vmem>>, vector<16xf32>,
    %get3A_83 = arith.constant 0 : i32
    %get3A_84 = arith.index_cast %get3A_83 : i32 to index
    %get3A_85 = arith.constant 32 : index
    %get3A_86 = tpu.vector_load %arg6[%get3A_84, %get3A_85] {strides = array<i32>} : memref<40x256xi32, #tpu.memory_space<vmem>>, vector<16xi32>,
    %shift_right_arithmetic3A_87 = arith.constant 6 : i32
    %shift_right_arithmetic3A_88 = vector.broadcast %shift_right_arithmetic3A_87 : i32 to vector<16xi32>
    %shift_right_arithmetic3A_89 = arith.shrsi %get3A_86, %shift_right_arithmetic3A_88 : vector<16xi32>
    %shift_left3A_90 = arith.constant 4 : i32
    %shift_left3A_91 = vector.broadcast %shift_left3A_90 : i32 to vector<16xi32>
    %shift_left3A_92 = arith.shli %shift_right_arithmetic3A_89, %shift_left3A_91 : vector<16xi32>
    %and3A_93 = arith.constant 15 : i32
    %and3A_94 = vector.broadcast %and3A_93 : i32 to vector<16xi32>
    %and3A_95 = arith.andi %get3A_86, %and3A_94 : vector<16xi32>
    %or3A_96 = arith.ori %shift_left3A_92, %and3A_95 : vector<16xi32>
    %swap3A_97 = arith.constant 0 : i32
    %swap3A_98 = arith.index_cast %swap3A_97 : i32 to index
    %swap3A_99 = arith.constant 32 : index
    %swap3A_100 = tpu.vector_load %arg7[%swap3A_98, %swap3A_99] {strides = array<i32>} : memref<2x256xi32, #tpu.memory_space<vmem>>, vector<16xi32>,
    tpu.vector_store %arg7[%swap3A_98, %swap3A_99], %or3A_96 {strides = array<i32>} : memref<2x256xi32, #tpu.memory_space<vmem>>, vector<16xi32>,
    %shift_right_arithmetic3A_101 = arith.constant 4 : i32
    %shift_right_arithmetic3A_102 = vector.broadcast %shift_right_arithmetic3A_101 : i32 to vector<16xi32>
    %shift_right_arithmetic3A_103 = arith.shrsi %get3A_86, %shift_right_arithmetic3A_102 : vector<16xi32>
    %and3A_104 = arith.constant 3 : i32
    %and3A_105 = vector.broadcast %and3A_104 : i32 to vector<16xi32>
    %and3A_106 = arith.andi %shift_right_arithmetic3A_103, %and3A_105 : vector<16xi32>
    %mul3A_107 = arith.constant 8 : i32
    %mul3A_108 = vector.broadcast %mul3A_107 : i32 to vector<16xi32>
    %mul3A_109 = arith.muli %mul3A_108, %and3A_106 : vector<16xi32>
    %sub3A_110 = arith.constant 24 : i32
    %sub3A_111 = vector.broadcast %sub3A_110 : i32 to vector<16xi32>
    %sub3A_112 = arith.subi %sub3A_111, %mul3A_109 : vector<16xi32>
    %swap3A_113 = arith.constant 0 : i32
    %swap3A_114 = arith.index_cast %swap3A_113 : i32 to index
    %swap3A_115 = arith.constant 32 : index
    %swap3A_116 = tpu.vector_load %arg10[%swap3A_114, %swap3A_115] {strides = array<i32>} : memref<2x256xi32, #tpu.memory_space<vmem>>, vector<16xi32>,
    tpu.vector_store %arg10[%swap3A_114, %swap3A_115], %sub3A_112 {strides = array<i32>} : memref<2x256xi32, #tpu.memory_space<vmem>>, vector<16xi32>,
    %shift_right_arithmetic3A_117 = arith.constant 6 : i32
    %shift_right_arithmetic3A_118 = vector.broadcast %shift_right_arithmetic3A_117 : i32 to vector<16xi32>
    %shift_right_arithmetic3A_119 = arith.shrsi %get3A_86, %shift_right_arithmetic3A_118 : vector<16xi32>
    %gather3A_120 = tpu.vector_load_idx %arg12[%shift_right_arithmetic3A_119] : memref<15632xf32, #tpu.memory_space<vmem>>[vector<16xi32>], vector<16xf32>,
    %mul3A_121 = arith.constant 0.00787401571 : f32
    %mul3A_122 = vector.broadcast %mul3A_121 : f32 to vector<16xf32>
    %mul3A_123 = arith.mulf %gather3A_120, %mul3A_122 : vector<16xf32>
    %swap3A_124 = arith.constant 0 : i32
    %swap3A_125 = arith.index_cast %swap3A_124 : i32 to index
    %swap3A_126 = arith.constant 32 : index
    %swap3A_127 = tpu.vector_load %arg9[%swap3A_125, %swap3A_126] {strides = array<i32>} : memref<2x256xf32, #tpu.memory_space<vmem>>, vector<16xf32>,
    tpu.vector_store %arg9[%swap3A_125, %swap3A_126], %mul3A_123 {strides = array<i32>} : memref<2x256xf32, #tpu.memory_space<vmem>>, vector<16xf32>,
    %get3A_128 = arith.constant 0 : i32
    %get3A_129 = arith.index_cast %get3A_128 : i32 to index
    %get3A_130 = arith.constant 48 : index
    %get3A_131 = tpu.vector_load %arg6[%get3A_129, %get3A_130] {strides = array<i32>} : memref<40x256xi32, #tpu.memory_space<vmem>>, vector<16xi32>,
    %shift_right_arithmetic3A_132 = arith.constant 6 : i32
    %shift_right_arithmetic3A_133 = vector.broadcast %shift_right_arithmetic3A_132 : i32 to vector<16xi32>
    %shift_right_arithmetic3A_134 = arith.shrsi %get3A_131, %shift_right_arithmetic3A_133 : vector<16xi32>
    %shift_left3A_135 = arith.constant 4 : i32
    %shift_left3A_136 = vector.broadcast %shift_left3A_135 : i32 to vector<16xi32>
    %shift_left3A_137 = arith.shli %shift_right_arithmetic3A_134, %shift_left3A_136 : vector<16xi32>
    %and3A_138 = arith.constant 15 : i32
    %and3A_139 = vector.broadcast %and3A_138 : i32 to vector<16xi32>
    %and3A_140 = arith.andi %get3A_131, %and3A_139 : vector<16xi32>
    %or3A_141 = arith.ori %shift_left3A_137, %and3A_140 : vector<16xi32>
    %swap3A_142 = arith.constant 0 : i32
    %swap3A_143 = arith.index_cast %swap3A_142 : i32 to index
    %swap3A_144 = arith.constant 48 : index
    %swap3A_145 = tpu.vector_load %arg7[%swap3A_143, %swap3A_144] {strides = array<i32>} : memref<2x256xi32, #tpu.memory_space<vmem>>, vector<16xi32>,
    tpu.vector_store %arg7[%swap3A_143, %swap3A_144], %or3A_141 {strides = array<i32>} : memref<2x256xi32, #tpu.memory_space<vmem>>, vector<16xi32>,
    %shift_right_arithmetic3A_146 = arith.constant 4 : i32
    %shift_right_arithmetic3A_147 = vector.broadcast %shift_right_arithmetic3A_146 : i32 to vector<16xi32>
    %shift_right_arithmetic3A_148 = arith.shrsi %get3A_131, %shift_right_arithmetic3A_147 : vector<16xi32>
    %and3A_149 = arith.constant 3 : i32
    %and3A_150 = vector.broadcast %and3A_149 : i32 to vector<16xi32>
    %and3A_151 = arith.andi %shift_right_arithmetic3A_148, %and3A_150 : vector<16xi32>
    %mul3A_152 = arith.constant 8 : i32
    %mul3A_153 = vector.broadcast %mul3A_152 : i32 to vector<16xi32>
    %mul3A_154 = arith.muli %mul3A_153, %and3A_151 : vector<16xi32>
    %sub3A_155 = arith.constant 24 : i32
    %sub3A_156 = vector.broadcast %sub3A_155 : i32 to vector<16xi32>
    %sub3A_157 = arith.subi %sub3A_156, %mul3A_154 : vector<16xi32>
    %swap3A_158 = arith.constant 0 : i32
    %swap3A_159 = arith.index_cast %swap3A_158 : i32 to index
    %swap3A_160 = arith.constant 48 : index
    %swap3A_161 = tpu.vector_load %arg10[%swap3A_159, %swap3A_160] {strides = array<i32>} : memref<2x256xi32, #tpu.memory_space<vmem>>, vector<16xi32>,
    tpu.vector_store %arg10[%swap3A_159, %swap3A_160], %sub3A_157 {strides = array<i32>} : memref<2x256xi32, #tpu.memory_space<vmem>>, vector<16xi32>,
    %shift_right_arithmetic3A_162 = arith.constant 6 : i32
    %shift_right_arithmetic3A_163 = vector.broadcast %shift_right_arithmetic3A_162 : i32 to vector<16xi32>
    %shift_right_arithmetic3A_164 = arith.shrsi %get3A_131, %shift_right_arithmetic3A_163 : vector<16xi32>
    %gather3A_165 = tpu.vector_load_idx %arg12[%shift_right_arithmetic3A_164] : memref<15632xf32, #tpu.memory_space<vmem>>[vector<16xi32>], vector<16xf32>,
    %mul3A_166 = arith.constant 0.00787401571 : f32
    %mul3A_167 = vector.broadcast %mul3A_166 : f32 to vector<16xf32>
    %mul3A_168 = arith.mulf %gather3A_165, %mul3A_167 : vector<16xf32>
    %swap3A_169 = arith.constant 0 : i32
    %swap3A_170 = arith.index_cast %swap3A_169 : i32 to index
    %swap3A_171 = arith.constant 48 : index
    %swap3A_172 = tpu.vector_load %arg9[%swap3A_170, %swap3A_171] {strides = array<i32>} : memref<2x256xf32, #tpu.memory_space<vmem>>, vector<16xf32>,
    tpu.vector_store %arg9[%swap3A_170, %swap3A_171], %mul3A_168 {strides = array<i32>} : memref<2x256xf32, #tpu.memory_space<vmem>>, vector<16xf32>,
    %get3A_173 = arith.constant 0 : i32
    %get3A_174 = arith.index_cast %get3A_173 : i32 to index
    %get3A_175 = arith.constant 64 : index
    %get3A_176 = tpu.vector_load %arg6[%get3A_174, %get3A_175] {strides = array<i32>} : memref<40x256xi32, #tpu.memory_space<vmem>>, vector<16xi32>,
    %shift_right_arithmetic3A_177 = arith.constant 6 : i32
    %shift_right_arithmetic3A_178 = vector.broadcast %shift_right_arithmetic3A_177 : i32 to vector<16xi32>
    %shift_right_arithmetic3A_179 = arith.shrsi %get3A_176, %shift_right_arithmetic3A_178 : vector<16xi32>
    %shift_left3A_180 = arith.constant 4 : i32
    %shift_left3A_181 = vector.broadcast %shift_left3A_180 : i32 to vector<16xi32>
    %shift_left3A_182 = arith.shli %shift_right_arithmetic3A_179, %shift_left3A_181 : vector<16xi32>
    %and3A_183 = arith.constant 15 : i32
    %and3A_184 = vector.broadcast %and3A_183 : i32 to vector<16xi32>
    %and3A_185 = arith.andi %get3A_176, %and3A_184 : vector<16xi32>
    %or3A_186 = arith.ori %shift_left3A_182, %and3A_185 : vector<16xi32>
    %swap3A_187 = arith.constant 0 : i32
    %swap3A_188 = arith.index_cast %swap3A_187 : i32 to index
    %swap3A_189 = arith.constant 64 : index
    %swap3A_190 = tpu.vector_load %arg7[%swap3A_188, %swap3A_189] {strides = array<i32>} : memref<2x256xi32, #tpu.memory_space<vmem>>, vector<16xi32>,
    tpu.vector_store %arg7[%swap3A_188, %swap3A_189], %or3A_186 {strides = array<i32>} : memref<2x256xi32, #tpu.memory_space<vmem>>, vector<16xi32>,
    %shift_right_arithmetic3A_191 = arith.constant 4 : i32
    %shift_right_arithmetic3A_192 = vector.broadcast %shift_right_arithmetic3A_191 : i32 to vector<16xi32>
    %shift_right_arithmetic3A_193 = arith.shrsi %get3A_176, %shift_right_arithmetic3A_192 : vector<16xi32>
    %and3A_194 = arith.constant 3 : i32
    %and3A_195 = vector.broadcast %and3A_194 : i32 to vector<16xi32>
    %and3A_196 = arith.andi %shift_right_arithmetic3A_193, %and3A_195 : vector<16xi32>
    %mul3A_197 = arith.constant 8 : i32
    %mul3A_198 = vector.broadcast %mul3A_197 : i32 to vector<16xi32>
    %mul3A_199 = arith.muli %mul3A_198, %and3A_196 : vector<16xi32>
    %sub3A_200 = arith.constant 24 : i32
    %sub3A_201 = vector.broadcast %sub3A_200 : i32 to vector<16xi32>
    %sub3A_202 = arith.subi %sub3A_201, %mul3A_199 : vector<16xi32>
    %swap3A_203 = arith.constant 0 : i32
    %swap3A_204 = arith.index_cast %swap3A_203 : i32 to index
    %swap3A_205 = arith.constant 64 : index
    %swap3A_206 = tpu.vector_load %arg10[%swap3A_204, %swap3A_205] {strides = array<i32>} : memref<2x256xi32, #tpu.memory_space<vmem>>, vector<16xi32>,
    tpu.vector_store %arg10[%swap3A_204, %swap3A_205], %sub3A_202 {strides = array<i32>} : memref<2x256xi32, #tpu.memory_space<vmem>>, vector<16xi32>,
    %shift_right_arithmetic3A_207 = arith.constant 6 : i32
    %shift_right_arithmetic3A_208 = vector.broadcast %shift_right_arithmetic3A_207 : i32 to vector<16xi32>
    %shift_right_arithmetic3A_209 = arith.shrsi %get3A_176, %shift_right_arithmetic3A_208 : vector<16xi32>
    %gather3A_210 = tpu.vector_load_idx %arg12[%shift_right_arithmetic3A_209] : memref<15632xf32, #tpu.memory_space<vmem>>[vector<16xi32>], vector<16xf32>,
    %mul3A_211 = arith.constant 0.00787401571 : f32
    %mul3A_212 = vector.broadcast %mul3A_211 : f32 to vector<16xf32>
    %mul3A_213 = arith.mulf %gather3A_210, %mul3A_212 : vector<16xf32>
    %swap3A_214 = arith.constant 0 : i32
    %swap3A_215 = arith.index_cast %swap3A_214 : i32 to index
    %swap3A_216 = arith.constant 64 : index
    %swap3A_217 = tpu.vector_load %arg9[%swap3A_215, %swap3A_216] {strides = array<i32>} : memref<2x256xf32, #tpu.memory_space<vmem>>, vector<16xf32>,
    tpu.vector_store %arg9[%swap3A_215, %swap3A_216], %mul3A_213 {strides = array<i32>} : memref<2x256xf32, #tpu.memory_space<vmem>>, vector<16xf32>,
    %get3A_218 = arith.constant 0 : i32
    %get3A_219 = arith.index_cast %get3A_218 : i32 to index
    %get3A_220 = arith.constant 80 : index
    %get3A_221 = tpu.vector_load %arg6[%get3A_219, %get3A_220] {strides = array<i32>} : memref<40x256xi32, #tpu.memory_space<vmem>>, vector<16xi32>,
    %shift_right_arithmetic3A_222 = arith.constant 6 : i32
    %shift_right_arithmetic3A_223 = vector.broadcast %shift_right_arithmetic3A_222 : i32 to vector<16xi32>
    %shift_right_arithmetic3A_224 = arith.shrsi %get3A_221, %shift_right_arithmetic3A_223 : vector<16xi32>
    %shift_left3A_225 = arith.constant 4 : i32
    %shift_left3A_226 = vector.broadcast %shift_left3A_225 : i32 to vector<16xi32>
    %shift_left3A_227 = arith.shli %shift_right_arithmetic3A_224, %shift_left3A_226 : vector<16xi32>
    %and3A_228 = arith.constant 15 : i32
    %and3A_229 = vector.broadcast %and3A_228 : i32 to vector<16xi32>
    %and3A_230 = arith.andi %get3A_221, %and3A_229 : vector<16xi32>
    %or3A_231 = arith.ori %shift_left3A_227, %and3A_230 : vector<16xi32>
    %swap3A_232 = arith.constant 0 : i32
    %swap3A_233 = arith.index_cast %swap3A_232 : i32 to index
    %swap3A_234 = arith.constant 80 : index
    %swap3A_235 = tpu.vector_load %arg7[%swap3A_233, %swap3A_234] {strides = array<i32>} : memref<2x256xi32, #tpu.memory_space<vmem>>, vector<16xi32>,
    tpu.vector_store %arg7[%swap3A_233, %swap3A_234], %or3A_231 {strides = array<i32>} : memref<2x256xi32, #tpu.memory_space<vmem>>, vector<16xi32>,
    %shift_right_arithmetic3A_236 = arith.constant 4 : i32
    %shift_right_arithmetic3A_237 = vector.broadcast %shift_right_arithmetic3A_236 : i32 to vector<16xi32>
    %shift_right_arithmetic3A_238 = arith.shrsi %get3A_221, %shift_right_arithmetic3A_237 : vector<16xi32>
    %and3A_239 = arith.constant 3 : i32
    %and3A_240 = vector.broadcast %and3A_239 : i32 to vector<16xi32>
    %and3A_241 = arith.andi %shift_right_arithmetic3A_238, %and3A_240 : vector<16xi32>
    %mul3A_242 = arith.constant 8 : i32
    %mul3A_243 = vector.broadcast %mul3A_242 : i32 to vector<16xi32>
    %mul3A_244 = arith.muli %mul3A_243, %and3A_241 : vector<16xi32>
    %sub3A_245 = arith.constant 24 : i32
    %sub3A_246 = vector.broadcast %sub3A_245 : i32 to vector<16xi32>
    %sub3A_247 = arith.subi %sub3A_246, %mul3A_244 : vector<16xi32>
    %swap3A_248 = arith.constant 0 : i32
    %swap3A_249 = arith.index_cast %swap3A_248 : i32 to index
    %swap3A_250 = arith.constant 80 : index
    %swap3A_251 = tpu.vector_load %arg10[%swap3A_249, %swap3A_250] {strides = array<i32>} : memref<2x256xi32, #tpu.memory_space<vmem>>, vector<16xi32>,
    tpu.vector_store %arg10[%swap3A_249, %swap3A_250], %sub3A_247 {strides = array<i32>} : memref<2x256xi32, #tpu.memory_space<vmem>>, vector<16xi32>,
    %shift_right_arithmetic3A_252 = arith.constant 6 : i32
    %shift_right_arithmetic3A_253 = vector.broadcast %shift_right_arithmetic3A_252 : i32 to vector<16xi32>
    %shift_right_arithmetic3A_254 = arith.shrsi %get3A_221, %shift_right_arithmetic3A_253 : vector<16xi32>
    %gather3A_255 = tpu.vector_load_idx %arg12[%shift_right_arithmetic3A_254] : memref<15632xf32, #tpu.memory_space<vmem>>[vector<16xi32>], vector<16xf32>,
    %mul3A_256 = arith.constant 0.00787401571 : f32
    %mul3A_257 = vector.broadcast %mul3A_256 : f32 to vector<16xf32>
    %mul3A_258 = arith.mulf %gather3A_255, %mul3A_257 : vector<16xf32>
    %swap3A_259 = arith.constant 0 : i32
    %swap3A_260 = arith.index_cast %swap3A_259 : i32 to index
    %swap3A_261 = arith.constant 80 : index
    %swap3A_262 = tpu.vector_load %arg9[%swap3A_260, %swap3A_261] {strides = array<i32>} : memref<2x256xf32, #tpu.memory_space<vmem>>, vector<16xf32>,
    tpu.vector_store %arg9[%swap3A_260, %swap3A_261], %mul3A_258 {strides = array<i32>} : memref<2x256xf32, #tpu.memory_space<vmem>>, vector<16xf32>,
    %get3A_263 = arith.constant 0 : i32
    %get3A_264 = arith.index_cast %get3A_263 : i32 to index
    %get3A_265 = arith.constant 96 : index
    %get3A_266 = tpu.vector_load %arg6[%get3A_264, %get3A_265] {strides = array<i32>} : memref<40x256xi32, #tpu.memory_space<vmem>>, vector<16xi32>,
    %shift_right_arithmetic3A_267 = arith.constant 6 : i32
    %shift_right_arithmetic3A_268 = vector.broadcast %shift_right_arithmetic3A_267 : i32 to vector<16xi32>
    %shift_right_arithmetic3A_269 = arith.shrsi %get3A_266, %shift_right_arithmetic3A_268 : vector<16xi32>
    %shift_left3A_270 = arith.constant 4 : i32
    %shift_left3A_271 = vector.broadcast %shift_left3A_270 : i32 to vector<16xi32>
    %shift_left3A_272 = arith.shli %shift_right_arithmetic3A_269, %shift_left3A_271 : vector<16xi32>
    %and3A_273 = arith.constant 15 : i32
    %and3A_274 = vector.broadcast %and3A_273 : i32 to vector<16xi32>
    %and3A_275 = arith.andi %get3A_266, %and3A_274 : vector<16xi32>
    %or3A_276 = arith.ori %shift_left3A_272, %and3A_275 : vector<16xi32>
    %swap3A_277 = arith.constant 0 : i32
    %swap3A_278 = arith.index_cast %swap3A_277 : i32 to index
    %swap3A_279 = arith.constant 96 : index
    %swap3A_280 = tpu.vector_load %arg7[%swap3A_278, %swap3A_279] {strides = array<i32>} : memref<2x256xi32, #tpu.memory_space<vmem>>, vector<16xi32>,
    tpu.vector_store %arg7[%swap3A_278, %swap3A_279], %or3A_276 {strides = array<i32>} : memref<2x256xi32, #tpu.memory_space<vmem>>, vector<16xi32>,
    %shift_right_arithmetic3A_281 = arith.constant 4 : i32
    %shift_right_arithmetic3A_282 = vector.broadcast %shift_right_arithmetic3A_281 : i32 to vector<16xi32>
    %shift_right_arithmetic3A_283 = arith.shrsi %get3A_266, %shift_right_arithmetic3A_282 : vector<16xi32>
    %and3A_284 = arith.constant 3 : i32
    %and3A_285 = vector.broadcast %and3A_284 : i32 to vector<16xi32>
    %and3A_286 = arith.andi %shift_right_arithmetic3A_283, %and3A_285 : vector<16xi32>
    %mul3A_287 = arith.constant 8 : i32
    %mul3A_288 = vector.broadcast %mul3A_287 : i32 to vector<16xi32>
    %mul3A_289 = arith.muli %mul3A_288, %and3A_286 : vector<16xi32>
    %sub3A_290 = arith.constant 24 : i32
    %sub3A_291 = vector.broadcast %sub3A_290 : i32 to vector<16xi32>
    %sub3A_292 = arith.subi %sub3A_291, %mul3A_289 : vector<16xi32>
    %swap3A_293 = arith.constant 0 : i32
    %swap3A_294 = arith.index_cast %swap3A_293 : i32 to index
    %swap3A_295 = arith.constant 96 : index
    %swap3A_296 = tpu.vector_load %arg10[%swap3A_294, %swap3A_295] {strides = array<i32>} : memref<2x256xi32, #tpu.memory_space<vmem>>, vector<16xi32>,
    tpu.vector_store %arg10[%swap3A_294, %swap3A_295], %sub3A_292 {strides = array<i32>} : memref<2x256xi32, #tpu.memory_space<vmem>>, vector<16xi32>,
    %shift_right_arithmetic3A_297 = arith.constant 6 : i32
    %shift_right_arithmetic3A_298 = vector.broadcast %shift_right_arithmetic3A_297 : i32 to vector<16xi32>
    %shift_right_arithmetic3A_299 = arith.shrsi %get3A_266, %shift_right_arithmetic3A_298 : vector<16xi32>
    %gather3A_300 = tpu.vector_load_idx %arg12[%shift_right_arithmetic3A_299] : memref<15632xf32, #tpu.memory_space<vmem>>[vector<16xi32>], vector<16xf32>,
    %mul3A_301 = arith.constant 0.00787401571 : f32
    %mul3A_302 = vector.broadcast %mul3A_301 : f32 to vector<16xf32>
    %mul3A_303 = arith.mulf %gather3A_300, %mul3A_302 : vector<16xf32>
    %swap3A_304 = arith.constant 0 : i32
    %swap3A_305 = arith.index_cast %swap3A_304 : i32 to index
    %swap3A_306 = arith.constant 96 : index
    %swap3A_307 = tpu.vector_load %arg9[%swap3A_305, %swap3A_306] {strides = array<i32>} : memref<2x256xf32, #tpu.memory_space<vmem>>, vector<16xf32>,
    tpu.vector_store %arg9[%swap3A_305, %swap3A_306], %mul3A_303 {strides = array<i32>} : memref<2x256xf32, #tpu.memory_space<vmem>>, vector<16xf32>,
    %get3A_308 = arith.constant 0 : i32
    %get3A_309 = arith.index_cast %get3A_308 : i32 to index
    %get3A_310 = arith.constant 112 : index
    %get3A_311 = tpu.vector_load %arg6[%get3A_309, %get3A_310] {strides = array<i32>} : memref<40x256xi32, #tpu.memory_space<vmem>>, vector<16xi32>,
    %shift_right_arithmetic3A_312 = arith.constant 6 : i32
    %shift_right_arithmetic3A_313 = vector.broadcast %shift_right_arithmetic3A_312 : i32 to vector<16xi32>
    %shift_right_arithmetic3A_314 = arith.shrsi %get3A_311, %shift_right_arithmetic3A_313 : vector<16xi32>
    %shift_left3A_315 = arith.constant 4 : i32
    %shift_left3A_316 = vector.broadcast %shift_left3A_315 : i32 to vector<16xi32>
    %shift_left3A_317 = arith.shli %shift_right_arithmetic3A_314, %shift_left3A_316 : vector<16xi32>
    %and3A_318 = arith.constant 15 : i32
    %and3A_319 = vector.broadcast %and3A_318 : i32 to vector<16xi32>
    %and3A_320 = arith.andi %get3A_311, %and3A_319 : vector<16xi32>
    %or3A_321 = arith.ori %shift_left3A_317, %and3A_320 : vector<16xi32>
    %swap3A_322 = arith.constant 0 : i32
    %swap3A_323 = arith.index_cast %swap3A_322 : i32 to index
    %swap3A_324 = arith.constant 112 : index
    %swap3A_325 = tpu.vector_load %arg7[%swap3A_323, %swap3A_324] {strides = array<i32>} : memref<2x256xi32, #tpu.memory_space<vmem>>, vector<16xi32>,
    tpu.vector_store %arg7[%swap3A_323, %swap3A_324], %or3A_321 {strides = array<i32>} : memref<2x256xi32, #tpu.memory_space<vmem>>, vector<16xi32>,
    %shift_right_arithmetic3A_326 = arith.constant 4 : i32
    %shift_right_arithmetic3A_327 = vector.broadcast %shift_right_arithmetic3A_326 : i32 to vector<16xi32>
    %shift_right_arithmetic3A_328 = arith.shrsi %get3A_311, %shift_right_arithmetic3A_327 : vector<16xi32>
    %and3A_329 = arith.constant 3 : i32
    %and3A_330 = vector.broadcast %and3A_329 : i32 to vector<16xi32>
    %and3A_331 = arith.andi %shift_right_arithmetic3A_328, %and3A_330 : vector<16xi32>
    %mul3A_332 = arith.constant 8 : i32
    %mul3A_333 = vector.broadcast %mul3A_332 : i32 to vector<16xi32>
    %mul3A_334 = arith.muli %mul3A_333, %and3A_331 : vector<16xi32>
    %sub3A_335 = arith.constant 24 : i32
    %sub3A_336 = vector.broadcast %sub3A_335 : i32 to vector<16xi32>
    %sub3A_337 = arith.subi %sub3A_336, %mul3A_334 : vector<16xi32>
    %swap3A_338 = arith.constant 0 : i32
    %swap3A_339 = arith.index_cast %swap3A_338 : i32 to index
    %swap3A_340 = arith.constant 112 : index
    %swap3A_341 = tpu.vector_load %arg10[%swap3A_339, %swap3A_340] {strides = array<i32>} : memref<2x256xi32, #tpu.memory_space<vmem>>, vector<16xi32>,
    tpu.vector_store %arg10[%swap3A_339, %swap3A_340], %sub3A_337 {strides = array<i32>} : memref<2x256xi32, #tpu.memory_space<vmem>>, vector<16xi32>,
    %shift_right_arithmetic3A_342 = arith.constant 6 : i32
    %shift_right_arithmetic3A_343 = vector.broadcast %shift_right_arithmetic3A_342 : i32 to vector<16xi32>
    %shift_right_arithmetic3A_344 = arith.shrsi %get3A_311, %shift_right_arithmetic3A_343 : vector<16xi32>
    %gather3A_345 = tpu.vector_load_idx %arg12[%shift_right_arithmetic3A_344] : memref<15632xf32, #tpu.memory_space<vmem>>[vector<16xi32>], vector<16xf32>,
    %mul3A_346 = arith.constant 0.00787401571 : f32
    %mul3A_347 = vector.broadcast %mul3A_346 : f32 to vector<16xf32>
    %mul3A_348 = arith.mulf %gather3A_345, %mul3A_347 : vector<16xf32>
    %swap3A_349 = arith.constant 0 : i32
    %swap3A_350 = arith.index_cast %swap3A_349 : i32 to index
    %swap3A_351 = arith.constant 112 : index
    %swap3A_352 = tpu.vector_load %arg9[%swap3A_350, %swap3A_351] {strides = array<i32>} : memref<2x256xf32, #tpu.memory_space<vmem>>, vector<16xf32>,
    tpu.vector_store %arg9[%swap3A_350, %swap3A_351], %mul3A_348 {strides = array<i32>} : memref<2x256xf32, #tpu.memory_space<vmem>>, vector<16xf32>,
    %get3A_353 = arith.constant 0 : i32
    %get3A_354 = arith.index_cast %get3A_353 : i32 to index
    %get3A_355 = arith.constant 128 : index
    %get3A_356 = tpu.vector_load %arg6[%get3A_354, %get3A_355] {strides = array<i32>} : memref<40x256xi32, #tpu.memory_space<vmem>>, vector<16xi32>,
    %shift_right_arithmetic3A_357 = arith.constant 6 : i32
    %shift_right_arithmetic3A_358 = vector.broadcast %shift_right_arithmetic3A_357 : i32 to vector<16xi32>
    %shift_right_arithmetic3A_359 = arith.shrsi %get3A_356, %shift_right_arithmetic3A_358 : vector<16xi32>
    %shift_left3A_360 = arith.constant 4 : i32
    %shift_left3A_361 = vector.broadcast %shift_left3A_360 : i32 to vector<16xi32>
    %shift_left3A_362 = arith.shli %shift_right_arithmetic3A_359, %shift_left3A_361 : vector<16xi32>
    %and3A_363 = arith.constant 15 : i32
    %and3A_364 = vector.broadcast %and3A_363 : i32 to vector<16xi32>
    %and3A_365 = arith.andi %get3A_356, %and3A_364 : vector<16xi32>
    %or3A_366 = arith.ori %shift_left3A_362, %and3A_365 : vector<16xi32>
    %swap3A_367 = arith.constant 0 : i32
    %swap3A_368 = arith.index_cast %swap3A_367 : i32 to index
    %swap3A_369 = arith.constant 128 : index
    %swap3A_370 = tpu.vector_load %arg7[%swap3A_368, %swap3A_369] {strides = array<i32>} : memref<2x256xi32, #tpu.memory_space<vmem>>, vector<16xi32>,
    tpu.vector_store %arg7[%swap3A_368, %swap3A_369], %or3A_366 {strides = array<i32>} : memref<2x256xi32, #tpu.memory_space<vmem>>, vector<16xi32>,
    %shift_right_arithmetic3A_371 = arith.constant 4 : i32
    %shift_right_arithmetic3A_372 = vector.broadcast %shift_right_arithmetic3A_371 : i32 to vector<16xi32>
    %shift_right_arithmetic3A_373 = arith.shrsi %get3A_356, %shift_right_arithmetic3A_372 : vector<16xi32>
    %and3A_374 = arith.constant 3 : i32
    %and3A_375 = vector.broadcast %and3A_374 : i32 to vector<16xi32>
    %and3A_376 = arith.andi %shift_right_arithmetic3A_373, %and3A_375 : vector<16xi32>
    %mul3A_377 = arith.constant 8 : i32
    %mul3A_378 = vector.broadcast %mul3A_377 : i32 to vector<16xi32>
    %mul3A_379 = arith.muli %mul3A_378, %and3A_376 : vector<16xi32>
    %sub3A_380 = arith.constant 24 : i32
    %sub3A_381 = vector.broadcast %sub3A_380 : i32 to vector<16xi32>
    %sub3A_382 = arith.subi %sub3A_381, %mul3A_379 : vector<16xi32>
    %swap3A_383 = arith.constant 0 : i32
    %swap3A_384 = arith.index_cast %swap3A_383 : i32 to index
    %swap3A_385 = arith.constant 128 : index
    %swap3A_386 = tpu.vector_load %arg10[%swap3A_384, %swap3A_385] {strides = array<i32>} : memref<2x256xi32, #tpu.memory_space<vmem>>, vector<16xi32>,
    tpu.vector_store %arg10[%swap3A_384, %swap3A_385], %sub3A_382 {strides = array<i32>} : memref<2x256xi32, #tpu.memory_space<vmem>>, vector<16xi32>,
    %shift_right_arithmetic3A_387 = arith.constant 6 : i32
    %shift_right_arithmetic3A_388 = vector.broadcast %shift_right_arithmetic3A_387 : i32 to vector<16xi32>
    %shift_right_arithmetic3A_389 = arith.shrsi %get3A_356, %shift_right_arithmetic3A_388 : vector<16xi32>
    %gather3A_390 = tpu.vector_load_idx %arg12[%shift_right_arithmetic3A_389] : memref<15632xf32, #tpu.memory_space<vmem>>[vector<16xi32>], vector<16xf32>,
    %mul3A_391 = arith.constant 0.00787401571 : f32
    %mul3A_392 = vector.broadcast %mul3A_391 : f32 to vector<16xf32>
    %mul3A_393 = arith.mulf %gather3A_390, %mul3A_392 : vector<16xf32>
    %swap3A_394 = arith.constant 0 : i32
    %swap3A_395 = arith.index_cast %swap3A_394 : i32 to index
    %swap3A_396 = arith.constant 128 : index
    %swap3A_397 = tpu.vector_load %arg9[%swap3A_395, %swap3A_396] {strides = array<i32>} : memref<2x256xf32, #tpu.memory_space<vmem>>, vector<16xf32>,
    tpu.vector_store %arg9[%swap3A_395, %swap3A_396], %mul3A_393 {strides = array<i32>} : memref<2x256xf32, #tpu.memory_space<vmem>>, vector<16xf32>,
    %get3A_398 = arith.constant 0 : i32
    %get3A_399 = arith.index_cast %get3A_398 : i32 to index
    %get3A_400 = arith.constant 144 : index
    %get3A_401 = tpu.vector_load %arg6[%get3A_399, %get3A_400] {strides = array<i32>} : memref<40x256xi32, #tpu.memory_space<vmem>>, vector<16xi32>,
    %shift_right_arithmetic3A_402 = arith.constant 6 : i32
    %shift_right_arithmetic3A_403 = vector.broadcast %shift_right_arithmetic3A_402 : i32 to vector<16xi32>
    %shift_right_arithmetic3A_404 = arith.shrsi %get3A_401, %shift_right_arithmetic3A_403 : vector<16xi32>
    %shift_left3A_405 = arith.constant 4 : i32
    %shift_left3A_406 = vector.broadcast %shift_left3A_405 : i32 to vector<16xi32>
    %shift_left3A_407 = arith.shli %shift_right_arithmetic3A_404, %shift_left3A_406 : vector<16xi32>
    %and3A_408 = arith.constant 15 : i32
    %and3A_409 = vector.broadcast %and3A_408 : i32 to vector<16xi32>
    %and3A_410 = arith.andi %get3A_401, %and3A_409 : vector<16xi32>
    %or3A_411 = arith.ori %shift_left3A_407, %and3A_410 : vector<16xi32>
    %swap3A_412 = arith.constant 0 : i32
    %swap3A_413 = arith.index_cast %swap3A_412 : i32 to index
    %swap3A_414 = arith.constant 144 : index
    %swap3A_415 = tpu.vector_load %arg7[%swap3A_413, %swap3A_414] {strides = array<i32>} : memref<2x256xi32, #tpu.memory_space<vmem>>, vector<16xi32>,
    tpu.vector_store %arg7[%swap3A_413, %swap3A_414], %or3A_411 {strides = array<i32>} : memref<2x256xi32, #tpu.memory_space<vmem>>, vector<16xi32>,
    %shift_right_arithmetic3A_416 = arith.constant 4 : i32
    %shift_right_arithmetic3A_417 = vector.broadcast %shift_right_arithmetic3A_416 : i32 to vector<16xi32>
    %shift_right_arithmetic3A_418 = arith.shrsi %get3A_401, %shift_right_arithmetic3A_417 : vector<16xi32>
    %and3A_419 = arith.constant 3 : i32
    %and3A_420 = vector.broadcast %and3A_419 : i32 to vector<16xi32>
    %and3A_421 = arith.andi %shift_right_arithmetic3A_418, %and3A_420 : vector<16xi32>
    %mul3A_422 = arith.constant 8 : i32
    %mul3A_423 = vector.broadcast %mul3A_422 : i32 to vector<16xi32>
    %mul3A_424 = arith.muli %mul3A_423, %and3A_421 : vector<16xi32>
    %sub3A_425 = arith.constant 24 : i32
    %sub3A_426 = vector.broadcast %sub3A_425 : i32 to vector<16xi32>
    %sub3A_427 = arith.subi %sub3A_426, %mul3A_424 : vector<16xi32>
    %swap3A_428 = arith.constant 0 : i32
    %swap3A_429 = arith.index_cast %swap3A_428 : i32 to index
    %swap3A_430 = arith.constant 144 : index
    %swap3A_431 = tpu.vector_load %arg10[%swap3A_429, %swap3A_430] {strides = array<i32>} : memref<2x256xi32, #tpu.memory_space<vmem>>, vector<16xi32>,
    tpu.vector_store %arg10[%swap3A_429, %swap3A_430], %sub3A_427 {strides = array<i32>} : memref<2x256xi32, #tpu.memory_space<vmem>>, vector<16xi32>,
    %shift_right_arithmetic3A_432 = arith.constant 6 : i32
    %shift_right_arithmetic3A_433 = vector.broadcast %shift_right_arithmetic3A_432 : i32 to vector<16xi32>
    %shift_right_arithmetic3A_434 = arith.shrsi %get3A_401, %shift_right_arithmetic3A_433 : vector<16xi32>
    %gather3A_435 = tpu.vector_load_idx %arg12[%shift_right_arithmetic3A_434] : memref<15632xf32, #tpu.memory_space<vmem>>[vector<16xi32>], vector<16xf32>,
    %mul3A_436 = arith.constant 0.00787401571 : f32
    %mul3A_437 = vector.broadcast %mul3A_436 : f32 to vector<16xf32>
    %mul3A_438 = arith.mulf %gather3A_435, %mul3A_437 : vector<16xf32>
    %swap3A_439 = arith.constant 0 : i32
    %swap3A_440 = arith.index_cast %swap3A_439 : i32 to index
    %swap3A_441 = arith.constant 144 : index
    %swap3A_442 = tpu.vector_load %arg9[%swap3A_440, %swap3A_441] {strides = array<i32>} : memref<2x256xf32, #tpu.memory_space<vmem>>, vector<16xf32>,
    tpu.vector_store %arg9[%swap3A_440, %swap3A_441], %mul3A_438 {strides = array<i32>} : memref<2x256xf32, #tpu.memory_space<vmem>>, vector<16xf32>,
    %get3A_443 = arith.constant 0 : i32
    %get3A_444 = arith.index_cast %get3A_443 : i32 to index
    %get3A_445 = arith.constant 160 : index
    %get3A_446 = tpu.vector_load %arg6[%get3A_444, %get3A_445] {strides = array<i32>} : memref<40x256xi32, #tpu.memory_space<vmem>>, vector<16xi32>,
    %shift_right_arithmetic3A_447 = arith.constant 6 : i32
    %shift_right_arithmetic3A_448 = vector.broadcast %shift_right_arithmetic3A_447 : i32 to vector<16xi32>
    %shift_right_arithmetic3A_449 = arith.shrsi %get3A_446, %shift_right_arithmetic3A_448 : vector<16xi32>
    %shift_left3A_450 = arith.constant 4 : i32
    %shift_left3A_451 = vector.broadcast %shift_left3A_450 : i32 to vector<16xi32>
    %shift_left3A_452 = arith.shli %shift_right_arithmetic3A_449, %shift_left3A_451 : vector<16xi32>
    %and3A_453 = arith.constant 15 : i32
    %and3A_454 = vector.broadcast %and3A_453 : i32 to vector<16xi32>
    %and3A_455 = arith.andi %get3A_446, %and3A_454 : vector<16xi32>
    %or3A_456 = arith.ori %shift_left3A_452, %and3A_455 : vector<16xi32>
    %swap3A_457 = arith.constant 0 : i32
    %swap3A_458 = arith.index_cast %swap3A_457 : i32 to index
    %swap3A_459 = arith.constant 160 : index
    %swap3A_460 = tpu.vector_load %arg7[%swap3A_458, %swap3A_459] {strides = array<i32>} : memref<2x256xi32, #tpu.memory_space<vmem>>, vector<16xi32>,
    tpu.vector_store %arg7[%swap3A_458, %swap3A_459], %or3A_456 {strides = array<i32>} : memref<2x256xi32, #tpu.memory_space<vmem>>, vector<16xi32>,
    %shift_right_arithmetic3A_461 = arith.constant 4 : i32
    %shift_right_arithmetic3A_462 = vector.broadcast %shift_right_arithmetic3A_461 : i32 to vector<16xi32>
    %shift_right_arithmetic3A_463 = arith.shrsi %get3A_446, %shift_right_arithmetic3A_462 : vector<16xi32>
    %and3A_464 = arith.constant 3 : i32
    %and3A_465 = vector.broadcast %and3A_464 : i32 to vector<16xi32>
    %and3A_466 = arith.andi %shift_right_arithmetic3A_463, %and3A_465 : vector<16xi32>
    %mul3A_467 = arith.constant 8 : i32
    %mul3A_468 = vector.broadcast %mul3A_467 : i32 to vector<16xi32>
    %mul3A_469 = arith.muli %mul3A_468, %and3A_466 : vector<16xi32>
    %sub3A_470 = arith.constant 24 : i32
    %sub3A_471 = vector.broadcast %sub3A_470 : i32 to vector<16xi32>
    %sub3A_472 = arith.subi %sub3A_471, %mul3A_469 : vector<16xi32>
    %swap3A_473 = arith.constant 0 : i32
    %swap3A_474 = arith.index_cast %swap3A_473 : i32 to index
    %swap3A_475 = arith.constant 160 : index
    %swap3A_476 = tpu.vector_load %arg10[%swap3A_474, %swap3A_475] {strides = array<i32>} : memref<2x256xi32, #tpu.memory_space<vmem>>, vector<16xi32>,
    tpu.vector_store %arg10[%swap3A_474, %swap3A_475], %sub3A_472 {strides = array<i32>} : memref<2x256xi32, #tpu.memory_space<vmem>>, vector<16xi32>,
    %shift_right_arithmetic3A_477 = arith.constant 6 : i32
    %shift_right_arithmetic3A_478 = vector.broadcast %shift_right_arithmetic3A_477 : i32 to vector<16xi32>
    %shift_right_arithmetic3A_479 = arith.shrsi %get3A_446, %shift_right_arithmetic3A_478 : vector<16xi32>
    %gather3A_480 = tpu.vector_load_idx %arg12[%shift_right_arithmetic3A_479] : memref<15632xf32, #tpu.memory_space<vmem>>[vector<16xi32>], vector<16xf32>,
    %mul3A_481 = arith.constant 0.00787401571 : f32
    %mul3A_482 = vector.broadcast %mul3A_481 : f32 to vector<16xf32>
    %mul3A_483 = arith.mulf %gather3A_480, %mul3A_482 : vector<16xf32>
    %swap3A_484 = arith.constant 0 : i32
    %swap3A_485 = arith.index_cast %swap3A_484 : i32 to index
    %swap3A_486 = arith.constant 160 : index
    %swap3A_487 = tpu.vector_load %arg9[%swap3A_485, %swap3A_486] {strides = array<i32>} : memref<2x256xf32, #tpu.memory_space<vmem>>, vector<16xf32>,
    tpu.vector_store %arg9[%swap3A_485, %swap3A_486], %mul3A_483 {strides = array<i32>} : memref<2x256xf32, #tpu.memory_space<vmem>>, vector<16xf32>,
    %get3A_488 = arith.constant 0 : i32
    %get3A_489 = arith.index_cast %get3A_488 : i32 to index
    %get3A_490 = arith.constant 176 : index
    %get3A_491 = tpu.vector_load %arg6[%get3A_489, %get3A_490] {strides = array<i32>} : memref<40x256xi32, #tpu.memory_space<vmem>>, vector<16xi32>,
    %shift_right_arithmetic3A_492 = arith.constant 6 : i32
    %shift_right_arithmetic3A_493 = vector.broadcast %shift_right_arithmetic3A_492 : i32 to vector<16xi32>
    %shift_right_arithmetic3A_494 = arith.shrsi %get3A_491, %shift_right_arithmetic3A_493 : vector<16xi32>
    %shift_left3A_495 = arith.constant 4 : i32
    %shift_left3A_496 = vector.broadcast %shift_left3A_495 : i32 to vector<16xi32>
    %shift_left3A_497 = arith.shli %shift_right_arithmetic3A_494, %shift_left3A_496 : vector<16xi32>
    %and3A_498 = arith.constant 15 : i32
    %and3A_499 = vector.broadcast %and3A_498 : i32 to vector<16xi32>
    %and3A_500 = arith.andi %get3A_491, %and3A_499 : vector<16xi32>
    %or3A_501 = arith.ori %shift_left3A_497, %and3A_500 : vector<16xi32>
    %swap3A_502 = arith.constant 0 : i32
    %swap3A_503 = arith.index_cast %swap3A_502 : i32 to index
    %swap3A_504 = arith.constant 176 : index
    %swap3A_505 = tpu.vector_load %arg7[%swap3A_503, %swap3A_504] {strides = array<i32>} : memref<2x256xi32, #tpu.memory_space<vmem>>, vector<16xi32>,
    tpu.vector_store %arg7[%swap3A_503, %swap3A_504], %or3A_501 {strides = array<i32>} : memref<2x256xi32, #tpu.memory_space<vmem>>, vector<16xi32>,
    %shift_right_arithmetic3A_506 = arith.constant 4 : i32
    %shift_right_arithmetic3A_507 = vector.broadcast %shift_right_arithmetic3A_506 : i32 to vector<16xi32>
    %shift_right_arithmetic3A_508 = arith.shrsi %get3A_491, %shift_right_arithmetic3A_507 : vector<16xi32>
    %and3A_509 = arith.constant 3 : i32
    %and3A_510 = vector.broadcast %and3A_509 : i32 to vector<16xi32>
    %and3A_511 = arith.andi %shift_right_arithmetic3A_508, %and3A_510 : vector<16xi32>
    %mul3A_512 = arith.constant 8 : i32
    %mul3A_513 = vector.broadcast %mul3A_512 : i32 to vector<16xi32>
    %mul3A_514 = arith.muli %mul3A_513, %and3A_511 : vector<16xi32>
    %sub3A_515 = arith.constant 24 : i32
    %sub3A_516 = vector.broadcast %sub3A_515 : i32 to vector<16xi32>
    %sub3A_517 = arith.subi %sub3A_516, %mul3A_514 : vector<16xi32>
    %swap3A_518 = arith.constant 0 : i32
    %swap3A_519 = arith.index_cast %swap3A_518 : i32 to index
    %swap3A_520 = arith.constant 176 : index
    %swap3A_521 = tpu.vector_load %arg10[%swap3A_519, %swap3A_520] {strides = array<i32>} : memref<2x256xi32, #tpu.memory_space<vmem>>, vector<16xi32>,
    tpu.vector_store %arg10[%swap3A_519, %swap3A_520], %sub3A_517 {strides = array<i32>} : memref<2x256xi32, #tpu.memory_space<vmem>>, vector<16xi32>,
    %shift_right_arithmetic3A_522 = arith.constant 6 : i32
    %shift_right_arithmetic3A_523 = vector.broadcast %shift_right_arithmetic3A_522 : i32 to vector<16xi32>
    %shift_right_arithmetic3A_524 = arith.shrsi %get3A_491, %shift_right_arithmetic3A_523 : vector<16xi32>
    %gather3A_525 = tpu.vector_load_idx %arg12[%shift_right_arithmetic3A_524] : memref<15632xf32, #tpu.memory_space<vmem>>[vector<16xi32>], vector<16xf32>,
    %mul3A_526 = arith.constant 0.00787401571 : f32
    %mul3A_527 = vector.broadcast %mul3A_526 : f32 to vector<16xf32>
    %mul3A_528 = arith.mulf %gather3A_525, %mul3A_527 : vector<16xf32>
    %swap3A_529 = arith.constant 0 : i32
    %swap3A_530 = arith.index_cast %swap3A_529 : i32 to index
    %swap3A_531 = arith.constant 176 : index
    %swap3A_532 = tpu.vector_load %arg9[%swap3A_530, %swap3A_531] {strides = array<i32>} : memref<2x256xf32, #tpu.memory_space<vmem>>, vector<16xf32>,
    tpu.vector_store %arg9[%swap3A_530, %swap3A_531], %mul3A_528 {strides = array<i32>} : memref<2x256xf32, #tpu.memory_space<vmem>>, vector<16xf32>,
    %get3A_533 = arith.constant 0 : i32
    %get3A_534 = arith.index_cast %get3A_533 : i32 to index
    %get3A_535 = arith.constant 192 : index
    %get3A_536 = tpu.vector_load %arg6[%get3A_534, %get3A_535] {strides = array<i32>} : memref<40x256xi32, #tpu.memory_space<vmem>>, vector<16xi32>,
    %shift_right_arithmetic3A_537 = arith.constant 6 : i32
    %shift_right_arithmetic3A_538 = vector.broadcast %shift_right_arithmetic3A_537 : i32 to vector<16xi32>
    %shift_right_arithmetic3A_539 = arith.shrsi %get3A_536, %shift_right_arithmetic3A_538 : vector<16xi32>
    %shift_left3A_540 = arith.constant 4 : i32
    %shift_left3A_541 = vector.broadcast %shift_left3A_540 : i32 to vector<16xi32>
    %shift_left3A_542 = arith.shli %shift_right_arithmetic3A_539, %shift_left3A_541 : vector<16xi32>
    %and3A_543 = arith.constant 15 : i32
    %and3A_544 = vector.broadcast %and3A_543 : i32 to vector<16xi32>
    %and3A_545 = arith.andi %get3A_536, %and3A_544 : vector<16xi32>
    %or3A_546 = arith.ori %shift_left3A_542, %and3A_545 : vector<16xi32>
    %swap3A_547 = arith.constant 0 : i32
    %swap3A_548 = arith.index_cast %swap3A_547 : i32 to index
    %swap3A_549 = arith.constant 192 : index
    %swap3A_550 = tpu.vector_load %arg7[%swap3A_548, %swap3A_549] {strides = array<i32>} : memref<2x256xi32, #tpu.memory_space<vmem>>, vector<16xi32>,
    tpu.vector_store %arg7[%swap3A_548, %swap3A_549], %or3A_546 {strides = array<i32>} : memref<2x256xi32, #tpu.memory_space<vmem>>, vector<16xi32>,
    %shift_right_arithmetic3A_551 = arith.constant 4 : i32
    %shift_right_arithmetic3A_552 = vector.broadcast %shift_right_arithmetic3A_551 : i32 to vector<16xi32>
    %shift_right_arithmetic3A_553 = arith.shrsi %get3A_536, %shift_right_arithmetic3A_552 : vector<16xi32>
    %and3A_554 = arith.constant 3 : i32
    %and3A_555 = vector.broadcast %and3A_554 : i32 to vector<16xi32>
    %and3A_556 = arith.andi %shift_right_arithmetic3A_553, %and3A_555 : vector<16xi32>
    %mul3A_557 = arith.constant 8 : i32
    %mul3A_558 = vector.broadcast %mul3A_557 : i32 to vector<16xi32>
    %mul3A_559 = arith.muli %mul3A_558, %and3A_556 : vector<16xi32>
    %sub3A_560 = arith.constant 24 : i32
    %sub3A_561 = vector.broadcast %sub3A_560 : i32 to vector<16xi32>
    %sub3A_562 = arith.subi %sub3A_561, %mul3A_559 : vector<16xi32>
    %swap3A_563 = arith.constant 0 : i32
    %swap3A_564 = arith.index_cast %swap3A_563 : i32 to index
    %swap3A_565 = arith.constant 192 : index
    %swap3A_566 = tpu.vector_load %arg10[%swap3A_564, %swap3A_565] {strides = array<i32>} : memref<2x256xi32, #tpu.memory_space<vmem>>, vector<16xi32>,
    tpu.vector_store %arg10[%swap3A_564, %swap3A_565], %sub3A_562 {strides = array<i32>} : memref<2x256xi32, #tpu.memory_space<vmem>>, vector<16xi32>,
    %shift_right_arithmetic3A_567 = arith.constant 6 : i32
    %shift_right_arithmetic3A_568 = vector.broadcast %shift_right_arithmetic3A_567 : i32 to vector<16xi32>
    %shift_right_arithmetic3A_569 = arith.shrsi %get3A_536, %shift_right_arithmetic3A_568 : vector<16xi32>
    %gather3A_570 = tpu.vector_load_idx %arg12[%shift_right_arithmetic3A_569] : memref<15632xf32, #tpu.memory_space<vmem>>[vector<16xi32>], vector<16xf32>,
    %mul3A_571 = arith.constant 0.00787401571 : f32
    %mul3A_572 = vector.broadcast %mul3A_571 : f32 to vector<16xf32>
    %mul3A_573 = arith.mulf %gather3A_570, %mul3A_572 : vector<16xf32>
    %swap3A_574 = arith.constant 0 : i32
    %swap3A_575 = arith.index_cast %swap3A_574 : i32 to index
    %swap3A_576 = arith.constant 192 : index
    %swap3A_577 = tpu.vector_load %arg9[%swap3A_575, %swap3A_576] {strides = array<i32>} : memref<2x256xf32, #tpu.memory_space<vmem>>, vector<16xf32>,
    tpu.vector_store %arg9[%swap3A_575, %swap3A_576], %mul3A_573 {strides = array<i32>} : memref<2x256xf32, #tpu.memory_space<vmem>>, vector<16xf32>,
    %get3A_578 = arith.constant 0 : i32
    %get3A_579 = arith.index_cast %get3A_578 : i32 to index
    %get3A_580 = arith.constant 208 : index
    %get3A_581 = tpu.vector_load %arg6[%get3A_579, %get3A_580] {strides = array<i32>} : memref<40x256xi32, #tpu.memory_space<vmem>>, vector<16xi32>,
    %shift_right_arithmetic3A_582 = arith.constant 6 : i32
    %shift_right_arithmetic3A_583 = vector.broadcast %shift_right_arithmetic3A_582 : i32 to vector<16xi32>
    %shift_right_arithmetic3A_584 = arith.shrsi %get3A_581, %shift_right_arithmetic3A_583 : vector<16xi32>
    %shift_left3A_585 = arith.constant 4 : i32
    %shift_left3A_586 = vector.broadcast %shift_left3A_585 : i32 to vector<16xi32>
    %shift_left3A_587 = arith.shli %shift_right_arithmetic3A_584, %shift_left3A_586 : vector<16xi32>
    %and3A_588 = arith.constant 15 : i32
    %and3A_589 = vector.broadcast %and3A_588 : i32 to vector<16xi32>
    %and3A_590 = arith.andi %get3A_581, %and3A_589 : vector<16xi32>
    %or3A_591 = arith.ori %shift_left3A_587, %and3A_590 : vector<16xi32>
    %swap3A_592 = arith.constant 0 : i32
    %swap3A_593 = arith.index_cast %swap3A_592 : i32 to index
    %swap3A_594 = arith.constant 208 : index
    %swap3A_595 = tpu.vector_load %arg7[%swap3A_593, %swap3A_594] {strides = array<i32>} : memref<2x256xi32, #tpu.memory_space<vmem>>, vector<16xi32>,
    tpu.vector_store %arg7[%swap3A_593, %swap3A_594], %or3A_591 {strides = array<i32>} : memref<2x256xi32, #tpu.memory_space<vmem>>, vector<16xi32>,
    %shift_right_arithmetic3A_596 = arith.constant 4 : i32
    %shift_right_arithmetic3A_597 = vector.broadcast %shift_right_arithmetic3A_596 : i32 to vector<16xi32>
    %shift_right_arithmetic3A_598 = arith.shrsi %get3A_581, %shift_right_arithmetic3A_597 : vector<16xi32>
    %and3A_599 = arith.constant 3 : i32
    %and3A_600 = vector.broadcast %and3A_599 : i32 to vector<16xi32>
    %and3A_601 = arith.andi %shift_right_arithmetic3A_598, %and3A_600 : vector<16xi32>
    %mul3A_602 = arith.constant 8 : i32
    %mul3A_603 = vector.broadcast %mul3A_602 : i32 to vector<16xi32>
    %mul3A_604 = arith.muli %mul3A_603, %and3A_601 : vector<16xi32>
    %sub3A_605 = arith.constant 24 : i32
    %sub3A_606 = vector.broadcast %sub3A_605 : i32 to vector<16xi32>
    %sub3A_607 = arith.subi %sub3A_606, %mul3A_604 : vector<16xi32>
    %swap3A_608 = arith.constant 0 : i32
    %swap3A_609 = arith.index_cast %swap3A_608 : i32 to index
    %swap3A_610 = arith.constant 208 : index
    %swap3A_611 = tpu.vector_load %arg10[%swap3A_609, %swap3A_610] {strides = array<i32>} : memref<2x256xi32, #tpu.memory_space<vmem>>, vector<16xi32>,
    tpu.vector_store %arg10[%swap3A_609, %swap3A_610], %sub3A_607 {strides = array<i32>} : memref<2x256xi32, #tpu.memory_space<vmem>>, vector<16xi32>,
    %shift_right_arithmetic3A_612 = arith.constant 6 : i32
    %shift_right_arithmetic3A_613 = vector.broadcast %shift_right_arithmetic3A_612 : i32 to vector<16xi32>
    %shift_right_arithmetic3A_614 = arith.shrsi %get3A_581, %shift_right_arithmetic3A_613 : vector<16xi32>
    %gather3A_615 = tpu.vector_load_idx %arg12[%shift_right_arithmetic3A_614] : memref<15632xf32, #tpu.memory_space<vmem>>[vector<16xi32>], vector<16xf32>,
    %mul3A_616 = arith.constant 0.00787401571 : f32
    %mul3A_617 = vector.broadcast %mul3A_616 : f32 to vector<16xf32>
    %mul3A_618 = arith.mulf %gather3A_615, %mul3A_617 : vector<16xf32>
    %swap3A_619 = arith.constant 0 : i32
    %swap3A_620 = arith.index_cast %swap3A_619 : i32 to index
    %swap3A_621 = arith.constant 208 : index
    %swap3A_622 = tpu.vector_load %arg9[%swap3A_620, %swap3A_621] {strides = array<i32>} : memref<2x256xf32, #tpu.memory_space<vmem>>, vector<16xf32>,
    tpu.vector_store %arg9[%swap3A_620, %swap3A_621], %mul3A_618 {strides = array<i32>} : memref<2x256xf32, #tpu.memory_space<vmem>>, vector<16xf32>,
    %get3A_623 = arith.constant 0 : i32
    %get3A_624 = arith.index_cast %get3A_623 : i32 to index
    %get3A_625 = arith.constant 224 : index
    %get3A_626 = tpu.vector_load %arg6[%get3A_624, %get3A_625] {strides = array<i32>} : memref<40x256xi32, #tpu.memory_space<vmem>>, vector<16xi32>,
    %shift_right_arithmetic3A_627 = arith.constant 6 : i32
    %shift_right_arithmetic3A_628 = vector.broadcast %shift_right_arithmetic3A_627 : i32 to vector<16xi32>
    %shift_right_arithmetic3A_629 = arith.shrsi %get3A_626, %shift_right_arithmetic3A_628 : vector<16xi32>
    %shift_left3A_630 = arith.constant 4 : i32
    %shift_left3A_631 = vector.broadcast %shift_left3A_630 : i32 to vector<16xi32>
    %shift_left3A_632 = arith.shli %shift_right_arithmetic3A_629, %shift_left3A_631 : vector<16xi32>
    %and3A_633 = arith.constant 15 : i32
    %and3A_634 = vector.broadcast %and3A_633 : i32 to vector<16xi32>
    %and3A_635 = arith.andi %get3A_626, %and3A_634 : vector<16xi32>
    %or3A_636 = arith.ori %shift_left3A_632, %and3A_635 : vector<16xi32>
    %swap3A_637 = arith.constant 0 : i32
    %swap3A_638 = arith.index_cast %swap3A_637 : i32 to index
    %swap3A_639 = arith.constant 224 : index
    %swap3A_640 = tpu.vector_load %arg7[%swap3A_638, %swap3A_639] {strides = array<i32>} : memref<2x256xi32, #tpu.memory_space<vmem>>, vector<16xi32>,
    tpu.vector_store %arg7[%swap3A_638, %swap3A_639], %or3A_636 {strides = array<i32>} : memref<2x256xi32, #tpu.memory_space<vmem>>, vector<16xi32>,
    %shift_right_arithmetic3A_641 = arith.constant 4 : i32
    %shift_right_arithmetic3A_642 = vector.broadcast %shift_right_arithmetic3A_641 : i32 to vector<16xi32>
    %shift_right_arithmetic3A_643 = arith.shrsi %get3A_626, %shift_right_arithmetic3A_642 : vector<16xi32>
    %and3A_644 = arith.constant 3 : i32
    %and3A_645 = vector.broadcast %and3A_644 : i32 to vector<16xi32>
    %and3A_646 = arith.andi %shift_right_arithmetic3A_643, %and3A_645 : vector<16xi32>
    %mul3A_647 = arith.constant 8 : i32
    %mul3A_648 = vector.broadcast %mul3A_647 : i32 to vector<16xi32>
    %mul3A_649 = arith.muli %mul3A_648, %and3A_646 : vector<16xi32>
    %sub3A_650 = arith.constant 24 : i32
    %sub3A_651 = vector.broadcast %sub3A_650 : i32 to vector<16xi32>
    %sub3A_652 = arith.subi %sub3A_651, %mul3A_649 : vector<16xi32>
    %swap3A_653 = arith.constant 0 : i32
    %swap3A_654 = arith.index_cast %swap3A_653 : i32 to index
    %swap3A_655 = arith.constant 224 : index
    %swap3A_656 = tpu.vector_load %arg10[%swap3A_654, %swap3A_655] {strides = array<i32>} : memref<2x256xi32, #tpu.memory_space<vmem>>, vector<16xi32>,
    tpu.vector_store %arg10[%swap3A_654, %swap3A_655], %sub3A_652 {strides = array<i32>} : memref<2x256xi32, #tpu.memory_space<vmem>>, vector<16xi32>,
    %shift_right_arithmetic3A_657 = arith.constant 6 : i32
    %shift_right_arithmetic3A_658 = vector.broadcast %shift_right_arithmetic3A_657 : i32 to vector<16xi32>
    %shift_right_arithmetic3A_659 = arith.shrsi %get3A_626, %shift_right_arithmetic3A_658 : vector<16xi32>
    %gather3A_660 = tpu.vector_load_idx %arg12[%shift_right_arithmetic3A_659] : memref<15632xf32, #tpu.memory_space<vmem>>[vector<16xi32>], vector<16xf32>,
    %mul3A_661 = arith.constant 0.00787401571 : f32
    %mul3A_662 = vector.broadcast %mul3A_661 : f32 to vector<16xf32>
    %mul3A_663 = arith.mulf %gather3A_660, %mul3A_662 : vector<16xf32>
    %swap3A_664 = arith.constant 0 : i32
    %swap3A_665 = arith.index_cast %swap3A_664 : i32 to index
    %swap3A_666 = arith.constant 224 : index
    %swap3A_667 = tpu.vector_load %arg9[%swap3A_665, %swap3A_666] {strides = array<i32>} : memref<2x256xf32, #tpu.memory_space<vmem>>, vector<16xf32>,
    tpu.vector_store %arg9[%swap3A_665, %swap3A_666], %mul3A_663 {strides = array<i32>} : memref<2x256xf32, #tpu.memory_space<vmem>>, vector<16xf32>,
    %get3A_668 = arith.constant 0 : i32
    %get3A_669 = arith.index_cast %get3A_668 : i32 to index
    %get3A_670 = arith.constant 240 : index
    %get3A_671 = tpu.vector_load %arg6[%get3A_669, %get3A_670] {strides = array<i32>} : memref<40x256xi32, #tpu.memory_space<vmem>>, vector<16xi32>,
    %shift_right_arithmetic3A_672 = arith.constant 6 : i32
    %shift_right_arithmetic3A_673 = vector.broadcast %shift_right_arithmetic3A_672 : i32 to vector<16xi32>
    %shift_right_arithmetic3A_674 = arith.shrsi %get3A_671, %shift_right_arithmetic3A_673 : vector<16xi32>
    %shift_left3A_675 = arith.constant 4 : i32
    %shift_left3A_676 = vector.broadcast %shift_left3A_675 : i32 to vector<16xi32>
    %shift_left3A_677 = arith.shli %shift_right_arithmetic3A_674, %shift_left3A_676 : vector<16xi32>
    %and3A_678 = arith.constant 15 : i32
    %and3A_679 = vector.broadcast %and3A_678 : i32 to vector<16xi32>
    %and3A_680 = arith.andi %get3A_671, %and3A_679 : vector<16xi32>
    %or3A_681 = arith.ori %shift_left3A_677, %and3A_680 : vector<16xi32>
    %swap3A_682 = arith.constant 0 : i32
    %swap3A_683 = arith.index_cast %swap3A_682 : i32 to index
    %swap3A_684 = arith.constant 240 : index
    %swap3A_685 = tpu.vector_load %arg7[%swap3A_683, %swap3A_684] {strides = array<i32>} : memref<2x256xi32, #tpu.memory_space<vmem>>, vector<16xi32>,
    tpu.vector_store %arg7[%swap3A_683, %swap3A_684], %or3A_681 {strides = array<i32>} : memref<2x256xi32, #tpu.memory_space<vmem>>, vector<16xi32>,
    %shift_right_arithmetic3A_686 = arith.constant 4 : i32
    %shift_right_arithmetic3A_687 = vector.broadcast %shift_right_arithmetic3A_686 : i32 to vector<16xi32>
    %shift_right_arithmetic3A_688 = arith.shrsi %get3A_671, %shift_right_arithmetic3A_687 : vector<16xi32>
    %and3A_689 = arith.constant 3 : i32
    %and3A_690 = vector.broadcast %and3A_689 : i32 to vector<16xi32>
    %and3A_691 = arith.andi %shift_right_arithmetic3A_688, %and3A_690 : vector<16xi32>
    %mul3A_692 = arith.constant 8 : i32
    %mul3A_693 = vector.broadcast %mul3A_692 : i32 to vector<16xi32>
    %mul3A_694 = arith.muli %mul3A_693, %and3A_691 : vector<16xi32>
    %sub3A_695 = arith.constant 24 : i32
    %sub3A_696 = vector.broadcast %sub3A_695 : i32 to vector<16xi32>
    %sub3A_697 = arith.subi %sub3A_696, %mul3A_694 : vector<16xi32>
    %swap3A_698 = arith.constant 0 : i32
    %swap3A_699 = arith.index_cast %swap3A_698 : i32 to index
    %swap3A_700 = arith.constant 240 : index
    %swap3A_701 = tpu.vector_load %arg10[%swap3A_699, %swap3A_700] {strides = array<i32>} : memref<2x256xi32, #tpu.memory_space<vmem>>, vector<16xi32>,
    tpu.vector_store %arg10[%swap3A_699, %swap3A_700], %sub3A_697 {strides = array<i32>} : memref<2x256xi32, #tpu.memory_space<vmem>>, vector<16xi32>,
    %shift_right_arithmetic3A_702 = arith.constant 6 : i32
    %shift_right_arithmetic3A_703 = vector.broadcast %shift_right_arithmetic3A_702 : i32 to vector<16xi32>
    %shift_right_arithmetic3A_704 = arith.shrsi %get3A_671, %shift_right_arithmetic3A_703 : vector<16xi32>
    %gather3A_705 = tpu.vector_load_idx %arg12[%shift_right_arithmetic3A_704] : memref<15632xf32, #tpu.memory_space<vmem>>[vector<16xi32>], vector<16xf32>,
    %mul3A_706 = arith.constant 0.00787401571 : f32
    %mul3A_707 = vector.broadcast %mul3A_706 : f32 to vector<16xf32>
    %mul3A_708 = arith.mulf %gather3A_705, %mul3A_707 : vector<16xf32>
    %swap3A_709 = arith.constant 0 : i32
    %swap3A_710 = arith.index_cast %swap3A_709 : i32 to index
    %swap3A_711 = arith.constant 240 : index
    %swap3A_712 = tpu.vector_load %arg9[%swap3A_710, %swap3A_711] {strides = array<i32>} : memref<2x256xf32, #tpu.memory_space<vmem>>, vector<16xf32>,
    tpu.vector_store %arg9[%swap3A_710, %swap3A_711], %mul3A_708 {strides = array<i32>} : memref<2x256xf32, #tpu.memory_space<vmem>>, vector<16xf32>,
    %dma_start3A = arith.constant 0 : i32
    %dma_start3A_713 = arith.constant 0 : i32
    %dma_start3A_714 = arith.constant 0 : i32
    %dma_start3A_715 = arith.constant 0 : i32
    %dma_start3A_716 = tpu.memref_slice %arg8[%dma_start3A_713, %dma_start3A_714, %dma_start3A_715] : memref<2x256x64xi32, #tpu.memory_space<vmem>> -> memref<1x256x64xi32, #tpu.memory_space<vmem>>
    %dma_start3A_717 = tpu.memref_squeeze %dma_start3A_716 : memref<1x256x64xi32, #tpu.memory_space<vmem>> -> memref<256x64xi32, #tpu.memory_space<vmem>>
    %dma_start3A_718 = arith.constant 0 : i32
    %dma_start3A_719 = tpu.memref_slice %arg7[%dma_start3A, %dma_start3A_718] : memref<2x256xi32, #tpu.memory_space<vmem>> -> memref<1x256xi32, #tpu.memory_space<vmem>>
    %dma_start3A_720 = tpu.memref_squeeze %dma_start3A_719 : memref<1x256xi32, #tpu.memory_space<vmem>> -> memref<256xi32, #tpu.memory_space<vmem>>
    %dma_start3A_721 = arith.constant 0 : i32
    %dma_start3A_722 = arith.constant 0 : i32
    %dma_start3A_723 = tpu.memref_slice %arg2[%dma_start3A_721, %dma_start3A_722] : memref<250000x64xi32, #tpu.memory_space<hbm>> -> memref<250000x64xi32, #tpu.memory_space<hbm>>
    tpu.enqueue_indirect_dma source(%dma_start3A_723 : memref<250000x64xi32, #tpu.memory_space<hbm>>) target(%dma_start3A_717 : memref<256x64xi32, #tpu.memory_space<vmem>>) offsets(%dma_start3A_720 : memref<256xi32, #tpu.memory_space<vmem>>) semaphore(%arg13 : memref<!tpu.dma_semaphore, #tpu.memory_space<semaphore_mem>>)
    %scan3A = arith.constant 0 : i32
    %scan3A_724 = arith.constant 0 : i32
    %scan3A_725 = arith.constant 40 : i32
    %scan3A_726 = arith.addi %scan3A_724, %scan3A_725 : i32
    %scan3A_727 = arith.constant 1 : i32
    scf.for %scan3A_756 = %scan3A_724 to %scan3A_726 step %scan3A_727  : i32 {
      %rem3A = arith.constant 2 : i32
      %rem3A_757 = arith.remsi %scan3A_756, %rem3A : i32
      %sub3A_758 = arith.constant 1 : i32
      %sub3A_759 = arith.subi %sub3A_758, %rem3A_757 : i32
      %lt3A = arith.constant 39 : i32
      %lt3A_760 = arith.cmpi slt, %scan3A_756, %lt3A : i32
      %convert_element_type3A = arith.extui %lt3A_760 : i1 to i32
      %cond3A = arith.constant 0 : i32
      %cond3A_761 = arith.cmpi ne, %convert_element_type3A, %cond3A : i32
      scf.if %cond3A_761 {
        %add3A_794 = arith.constant 1 : i32
        %add3A_795 = arith.addi %scan3A_756, %add3A_794 : i32
        %get3A_796 = arith.index_cast %add3A_795 : i32 to index
        %get3A_797 = arith.constant 0 : index
        %get3A_798 = tpu.vector_load %arg6[%get3A_796, %get3A_797] {strides = array<i32>} : memref<40x256xi32, #tpu.memory_space<vmem>>, vector<16xi32>,
        %shift_right_arithmetic3A_799 = arith.constant 6 : i32
        %shift_right_arithmetic3A_800 = vector.broadcast %shift_right_arithmetic3A_799 : i32 to vector<16xi32>
        %shift_right_arithmetic3A_801 = arith.shrsi %get3A_798, %shift_right_arithmetic3A_800 : vector<16xi32>
        %shift_left3A_802 = arith.constant 4 : i32
        %shift_left3A_803 = vector.broadcast %shift_left3A_802 : i32 to vector<16xi32>
        %shift_left3A_804 = arith.shli %shift_right_arithmetic3A_801, %shift_left3A_803 : vector<16xi32>
        %and3A_805 = arith.constant 15 : i32
        %and3A_806 = vector.broadcast %and3A_805 : i32 to vector<16xi32>
        %and3A_807 = arith.andi %get3A_798, %and3A_806 : vector<16xi32>
        %or3A_808 = arith.ori %shift_left3A_804, %and3A_807 : vector<16xi32>
        %swap3A_809 = arith.index_cast %sub3A_759 : i32 to index
        %swap3A_810 = arith.constant 0 : index
        %swap3A_811 = tpu.vector_load %arg7[%swap3A_809, %swap3A_810] {strides = array<i32>} : memref<2x256xi32, #tpu.memory_space<vmem>>, vector<16xi32>,
        tpu.vector_store %arg7[%swap3A_809, %swap3A_810], %or3A_808 {strides = array<i32>} : memref<2x256xi32, #tpu.memory_space<vmem>>, vector<16xi32>,
        %shift_right_arithmetic3A_812 = arith.constant 4 : i32
        %shift_right_arithmetic3A_813 = vector.broadcast %shift_right_arithmetic3A_812 : i32 to vector<16xi32>
        %shift_right_arithmetic3A_814 = arith.shrsi %get3A_798, %shift_right_arithmetic3A_813 : vector<16xi32>
        %and3A_815 = arith.constant 3 : i32
        %and3A_816 = vector.broadcast %and3A_815 : i32 to vector<16xi32>
        %and3A_817 = arith.andi %shift_right_arithmetic3A_814, %and3A_816 : vector<16xi32>
        %mul3A_818 = arith.constant 8 : i32
        %mul3A_819 = vector.broadcast %mul3A_818 : i32 to vector<16xi32>
        %mul3A_820 = arith.muli %mul3A_819, %and3A_817 : vector<16xi32>
        %sub3A_821 = arith.constant 24 : i32
        %sub3A_822 = vector.broadcast %sub3A_821 : i32 to vector<16xi32>
        %sub3A_823 = arith.subi %sub3A_822, %mul3A_820 : vector<16xi32>
        %swap3A_824 = arith.index_cast %sub3A_759 : i32 to index
        %swap3A_825 = arith.constant 0 : index
        %swap3A_826 = tpu.vector_load %arg10[%swap3A_824, %swap3A_825] {strides = array<i32>} : memref<2x256xi32, #tpu.memory_space<vmem>>, vector<16xi32>,
        tpu.vector_store %arg10[%swap3A_824, %swap3A_825], %sub3A_823 {strides = array<i32>} : memref<2x256xi32, #tpu.memory_space<vmem>>, vector<16xi32>,
        %shift_right_arithmetic3A_827 = arith.constant 6 : i32
        %shift_right_arithmetic3A_828 = vector.broadcast %shift_right_arithmetic3A_827 : i32 to vector<16xi32>
        %shift_right_arithmetic3A_829 = arith.shrsi %get3A_798, %shift_right_arithmetic3A_828 : vector<16xi32>
        %gather3A_830 = tpu.vector_load_idx %arg12[%shift_right_arithmetic3A_829] : memref<15632xf32, #tpu.memory_space<vmem>>[vector<16xi32>], vector<16xf32>,
        %mul3A_831 = arith.constant 0.00787401571 : f32
        %mul3A_832 = vector.broadcast %mul3A_831 : f32 to vector<16xf32>
        %mul3A_833 = arith.mulf %gather3A_830, %mul3A_832 : vector<16xf32>
        %swap3A_834 = arith.index_cast %sub3A_759 : i32 to index
        %swap3A_835 = arith.constant 0 : index
        %swap3A_836 = tpu.vector_load %arg9[%swap3A_834, %swap3A_835] {strides = array<i32>} : memref<2x256xf32, #tpu.memory_space<vmem>>, vector<16xf32>,
        tpu.vector_store %arg9[%swap3A_834, %swap3A_835], %mul3A_833 {strides = array<i32>} : memref<2x256xf32, #tpu.memory_space<vmem>>, vector<16xf32>,
        %get3A_837 = arith.index_cast %add3A_795 : i32 to index
        %get3A_838 = arith.constant 16 : index
        %get3A_839 = tpu.vector_load %arg6[%get3A_837, %get3A_838] {strides = array<i32>} : memref<40x256xi32, #tpu.memory_space<vmem>>, vector<16xi32>,
        %shift_right_arithmetic3A_840 = arith.constant 6 : i32
        %shift_right_arithmetic3A_841 = vector.broadcast %shift_right_arithmetic3A_840 : i32 to vector<16xi32>
        %shift_right_arithmetic3A_842 = arith.shrsi %get3A_839, %shift_right_arithmetic3A_841 : vector<16xi32>
        %shift_left3A_843 = arith.constant 4 : i32
        %shift_left3A_844 = vector.broadcast %shift_left3A_843 : i32 to vector<16xi32>
        %shift_left3A_845 = arith.shli %shift_right_arithmetic3A_842, %shift_left3A_844 : vector<16xi32>
        %and3A_846 = arith.constant 15 : i32
        %and3A_847 = vector.broadcast %and3A_846 : i32 to vector<16xi32>
        %and3A_848 = arith.andi %get3A_839, %and3A_847 : vector<16xi32>
        %or3A_849 = arith.ori %shift_left3A_845, %and3A_848 : vector<16xi32>
        %swap3A_850 = arith.index_cast %sub3A_759 : i32 to index
        %swap3A_851 = arith.constant 16 : index
        %swap3A_852 = tpu.vector_load %arg7[%swap3A_850, %swap3A_851] {strides = array<i32>} : memref<2x256xi32, #tpu.memory_space<vmem>>, vector<16xi32>,
        tpu.vector_store %arg7[%swap3A_850, %swap3A_851], %or3A_849 {strides = array<i32>} : memref<2x256xi32, #tpu.memory_space<vmem>>, vector<16xi32>,
        %shift_right_arithmetic3A_853 = arith.constant 4 : i32
        %shift_right_arithmetic3A_854 = vector.broadcast %shift_right_arithmetic3A_853 : i32 to vector<16xi32>
        %shift_right_arithmetic3A_855 = arith.shrsi %get3A_839, %shift_right_arithmetic3A_854 : vector<16xi32>
        %and3A_856 = arith.constant 3 : i32
        %and3A_857 = vector.broadcast %and3A_856 : i32 to vector<16xi32>
        %and3A_858 = arith.andi %shift_right_arithmetic3A_855, %and3A_857 : vector<16xi32>
        %mul3A_859 = arith.constant 8 : i32
        %mul3A_860 = vector.broadcast %mul3A_859 : i32 to vector<16xi32>
        %mul3A_861 = arith.muli %mul3A_860, %and3A_858 : vector<16xi32>
        %sub3A_862 = arith.constant 24 : i32
        %sub3A_863 = vector.broadcast %sub3A_862 : i32 to vector<16xi32>
        %sub3A_864 = arith.subi %sub3A_863, %mul3A_861 : vector<16xi32>
        %swap3A_865 = arith.index_cast %sub3A_759 : i32 to index
        %swap3A_866 = arith.constant 16 : index
        %swap3A_867 = tpu.vector_load %arg10[%swap3A_865, %swap3A_866] {strides = array<i32>} : memref<2x256xi32, #tpu.memory_space<vmem>>, vector<16xi32>,
        tpu.vector_store %arg10[%swap3A_865, %swap3A_866], %sub3A_864 {strides = array<i32>} : memref<2x256xi32, #tpu.memory_space<vmem>>, vector<16xi32>,
        %shift_right_arithmetic3A_868 = arith.constant 6 : i32
        %shift_right_arithmetic3A_869 = vector.broadcast %shift_right_arithmetic3A_868 : i32 to vector<16xi32>
        %shift_right_arithmetic3A_870 = arith.shrsi %get3A_839, %shift_right_arithmetic3A_869 : vector<16xi32>
        %gather3A_871 = tpu.vector_load_idx %arg12[%shift_right_arithmetic3A_870] : memref<15632xf32, #tpu.memory_space<vmem>>[vector<16xi32>], vector<16xf32>,
        %mul3A_872 = arith.constant 0.00787401571 : f32
        %mul3A_873 = vector.broadcast %mul3A_872 : f32 to vector<16xf32>
        %mul3A_874 = arith.mulf %gather3A_871, %mul3A_873 : vector<16xf32>
        %swap3A_875 = arith.index_cast %sub3A_759 : i32 to index
        %swap3A_876 = arith.constant 16 : index
        %swap3A_877 = tpu.vector_load %arg9[%swap3A_875, %swap3A_876] {strides = array<i32>} : memref<2x256xf32, #tpu.memory_space<vmem>>, vector<16xf32>,
        tpu.vector_store %arg9[%swap3A_875, %swap3A_876], %mul3A_874 {strides = array<i32>} : memref<2x256xf32, #tpu.memory_space<vmem>>, vector<16xf32>,
        %get3A_878 = arith.index_cast %add3A_795 : i32 to index
        %get3A_879 = arith.constant 32 : index
        %get3A_880 = tpu.vector_load %arg6[%get3A_878, %get3A_879] {strides = array<i32>} : memref<40x256xi32, #tpu.memory_space<vmem>>, vector<16xi32>,
        %shift_right_arithmetic3A_881 = arith.constant 6 : i32
        %shift_right_arithmetic3A_882 = vector.broadcast %shift_right_arithmetic3A_881 : i32 to vector<16xi32>
        %shift_right_arithmetic3A_883 = arith.shrsi %get3A_880, %shift_right_arithmetic3A_882 : vector<16xi32>
        %shift_left3A_884 = arith.constant 4 : i32
        %shift_left3A_885 = vector.broadcast %shift_left3A_884 : i32 to vector<16xi32>
        %shift_left3A_886 = arith.shli %shift_right_arithmetic3A_883, %shift_left3A_885 : vector<16xi32>
        %and3A_887 = arith.constant 15 : i32
        %and3A_888 = vector.broadcast %and3A_887 : i32 to vector<16xi32>
        %and3A_889 = arith.andi %get3A_880, %and3A_888 : vector<16xi32>
        %or3A_890 = arith.ori %shift_left3A_886, %and3A_889 : vector<16xi32>
        %swap3A_891 = arith.index_cast %sub3A_759 : i32 to index
        %swap3A_892 = arith.constant 32 : index
        %swap3A_893 = tpu.vector_load %arg7[%swap3A_891, %swap3A_892] {strides = array<i32>} : memref<2x256xi32, #tpu.memory_space<vmem>>, vector<16xi32>,
        tpu.vector_store %arg7[%swap3A_891, %swap3A_892], %or3A_890 {strides = array<i32>} : memref<2x256xi32, #tpu.memory_space<vmem>>, vector<16xi32>,
        %shift_right_arithmetic3A_894 = arith.constant 4 : i32
        %shift_right_arithmetic3A_895 = vector.broadcast %shift_right_arithmetic3A_894 : i32 to vector<16xi32>
        %shift_right_arithmetic3A_896 = arith.shrsi %get3A_880, %shift_right_arithmetic3A_895 : vector<16xi32>
        %and3A_897 = arith.constant 3 : i32
        %and3A_898 = vector.broadcast %and3A_897 : i32 to vector<16xi32>
        %and3A_899 = arith.andi %shift_right_arithmetic3A_896, %and3A_898 : vector<16xi32>
        %mul3A_900 = arith.constant 8 : i32
        %mul3A_901 = vector.broadcast %mul3A_900 : i32 to vector<16xi32>
        %mul3A_902 = arith.muli %mul3A_901, %and3A_899 : vector<16xi32>
        %sub3A_903 = arith.constant 24 : i32
        %sub3A_904 = vector.broadcast %sub3A_903 : i32 to vector<16xi32>
        %sub3A_905 = arith.subi %sub3A_904, %mul3A_902 : vector<16xi32>
        %swap3A_906 = arith.index_cast %sub3A_759 : i32 to index
        %swap3A_907 = arith.constant 32 : index
        %swap3A_908 = tpu.vector_load %arg10[%swap3A_906, %swap3A_907] {strides = array<i32>} : memref<2x256xi32, #tpu.memory_space<vmem>>, vector<16xi32>,
        tpu.vector_store %arg10[%swap3A_906, %swap3A_907], %sub3A_905 {strides = array<i32>} : memref<2x256xi32, #tpu.memory_space<vmem>>, vector<16xi32>,
        %shift_right_arithmetic3A_909 = arith.constant 6 : i32
        %shift_right_arithmetic3A_910 = vector.broadcast %shift_right_arithmetic3A_909 : i32 to vector<16xi32>
        %shift_right_arithmetic3A_911 = arith.shrsi %get3A_880, %shift_right_arithmetic3A_910 : vector<16xi32>
        %gather3A_912 = tpu.vector_load_idx %arg12[%shift_right_arithmetic3A_911] : memref<15632xf32, #tpu.memory_space<vmem>>[vector<16xi32>], vector<16xf32>,
        %mul3A_913 = arith.constant 0.00787401571 : f32
        %mul3A_914 = vector.broadcast %mul3A_913 : f32 to vector<16xf32>
        %mul3A_915 = arith.mulf %gather3A_912, %mul3A_914 : vector<16xf32>
        %swap3A_916 = arith.index_cast %sub3A_759 : i32 to index
        %swap3A_917 = arith.constant 32 : index
        %swap3A_918 = tpu.vector_load %arg9[%swap3A_916, %swap3A_917] {strides = array<i32>} : memref<2x256xf32, #tpu.memory_space<vmem>>, vector<16xf32>,
        tpu.vector_store %arg9[%swap3A_916, %swap3A_917], %mul3A_915 {strides = array<i32>} : memref<2x256xf32, #tpu.memory_space<vmem>>, vector<16xf32>,
        %get3A_919 = arith.index_cast %add3A_795 : i32 to index
        %get3A_920 = arith.constant 48 : index
        %get3A_921 = tpu.vector_load %arg6[%get3A_919, %get3A_920] {strides = array<i32>} : memref<40x256xi32, #tpu.memory_space<vmem>>, vector<16xi32>,
        %shift_right_arithmetic3A_922 = arith.constant 6 : i32
        %shift_right_arithmetic3A_923 = vector.broadcast %shift_right_arithmetic3A_922 : i32 to vector<16xi32>
        %shift_right_arithmetic3A_924 = arith.shrsi %get3A_921, %shift_right_arithmetic3A_923 : vector<16xi32>
        %shift_left3A_925 = arith.constant 4 : i32
        %shift_left3A_926 = vector.broadcast %shift_left3A_925 : i32 to vector<16xi32>
        %shift_left3A_927 = arith.shli %shift_right_arithmetic3A_924, %shift_left3A_926 : vector<16xi32>
        %and3A_928 = arith.constant 15 : i32
        %and3A_929 = vector.broadcast %and3A_928 : i32 to vector<16xi32>
        %and3A_930 = arith.andi %get3A_921, %and3A_929 : vector<16xi32>
        %or3A_931 = arith.ori %shift_left3A_927, %and3A_930 : vector<16xi32>
        %swap3A_932 = arith.index_cast %sub3A_759 : i32 to index
        %swap3A_933 = arith.constant 48 : index
        %swap3A_934 = tpu.vector_load %arg7[%swap3A_932, %swap3A_933] {strides = array<i32>} : memref<2x256xi32, #tpu.memory_space<vmem>>, vector<16xi32>,
        tpu.vector_store %arg7[%swap3A_932, %swap3A_933], %or3A_931 {strides = array<i32>} : memref<2x256xi32, #tpu.memory_space<vmem>>, vector<16xi32>,
        %shift_right_arithmetic3A_935 = arith.constant 4 : i32
        %shift_right_arithmetic3A_936 = vector.broadcast %shift_right_arithmetic3A_935 : i32 to vector<16xi32>
        %shift_right_arithmetic3A_937 = arith.shrsi %get3A_921, %shift_right_arithmetic3A_936 : vector<16xi32>
        %and3A_938 = arith.constant 3 : i32
        %and3A_939 = vector.broadcast %and3A_938 : i32 to vector<16xi32>
        %and3A_940 = arith.andi %shift_right_arithmetic3A_937, %and3A_939 : vector<16xi32>
        %mul3A_941 = arith.constant 8 : i32
        %mul3A_942 = vector.broadcast %mul3A_941 : i32 to vector<16xi32>
        %mul3A_943 = arith.muli %mul3A_942, %and3A_940 : vector<16xi32>
        %sub3A_944 = arith.constant 24 : i32
        %sub3A_945 = vector.broadcast %sub3A_944 : i32 to vector<16xi32>
        %sub3A_946 = arith.subi %sub3A_945, %mul3A_943 : vector<16xi32>
        %swap3A_947 = arith.index_cast %sub3A_759 : i32 to index
        %swap3A_948 = arith.constant 48 : index
        %swap3A_949 = tpu.vector_load %arg10[%swap3A_947, %swap3A_948] {strides = array<i32>} : memref<2x256xi32, #tpu.memory_space<vmem>>, vector<16xi32>,
        tpu.vector_store %arg10[%swap3A_947, %swap3A_948], %sub3A_946 {strides = array<i32>} : memref<2x256xi32, #tpu.memory_space<vmem>>, vector<16xi32>,
        %shift_right_arithmetic3A_950 = arith.constant 6 : i32
        %shift_right_arithmetic3A_951 = vector.broadcast %shift_right_arithmetic3A_950 : i32 to vector<16xi32>
        %shift_right_arithmetic3A_952 = arith.shrsi %get3A_921, %shift_right_arithmetic3A_951 : vector<16xi32>
        %gather3A_953 = tpu.vector_load_idx %arg12[%shift_right_arithmetic3A_952] : memref<15632xf32, #tpu.memory_space<vmem>>[vector<16xi32>], vector<16xf32>,
        %mul3A_954 = arith.constant 0.00787401571 : f32
        %mul3A_955 = vector.broadcast %mul3A_954 : f32 to vector<16xf32>
        %mul3A_956 = arith.mulf %gather3A_953, %mul3A_955 : vector<16xf32>
        %swap3A_957 = arith.index_cast %sub3A_759 : i32 to index
        %swap3A_958 = arith.constant 48 : index
        %swap3A_959 = tpu.vector_load %arg9[%swap3A_957, %swap3A_958] {strides = array<i32>} : memref<2x256xf32, #tpu.memory_space<vmem>>, vector<16xf32>,
        tpu.vector_store %arg9[%swap3A_957, %swap3A_958], %mul3A_956 {strides = array<i32>} : memref<2x256xf32, #tpu.memory_space<vmem>>, vector<16xf32>,
        %get3A_960 = arith.index_cast %add3A_795 : i32 to index
        %get3A_961 = arith.constant 64 : index
        %get3A_962 = tpu.vector_load %arg6[%get3A_960, %get3A_961] {strides = array<i32>} : memref<40x256xi32, #tpu.memory_space<vmem>>, vector<16xi32>,
        %shift_right_arithmetic3A_963 = arith.constant 6 : i32
        %shift_right_arithmetic3A_964 = vector.broadcast %shift_right_arithmetic3A_963 : i32 to vector<16xi32>
        %shift_right_arithmetic3A_965 = arith.shrsi %get3A_962, %shift_right_arithmetic3A_964 : vector<16xi32>
        %shift_left3A_966 = arith.constant 4 : i32
        %shift_left3A_967 = vector.broadcast %shift_left3A_966 : i32 to vector<16xi32>
        %shift_left3A_968 = arith.shli %shift_right_arithmetic3A_965, %shift_left3A_967 : vector<16xi32>
        %and3A_969 = arith.constant 15 : i32
        %and3A_970 = vector.broadcast %and3A_969 : i32 to vector<16xi32>
        %and3A_971 = arith.andi %get3A_962, %and3A_970 : vector<16xi32>
        %or3A_972 = arith.ori %shift_left3A_968, %and3A_971 : vector<16xi32>
        %swap3A_973 = arith.index_cast %sub3A_759 : i32 to index
        %swap3A_974 = arith.constant 64 : index
        %swap3A_975 = tpu.vector_load %arg7[%swap3A_973, %swap3A_974] {strides = array<i32>} : memref<2x256xi32, #tpu.memory_space<vmem>>, vector<16xi32>,
        tpu.vector_store %arg7[%swap3A_973, %swap3A_974], %or3A_972 {strides = array<i32>} : memref<2x256xi32, #tpu.memory_space<vmem>>, vector<16xi32>,
        %shift_right_arithmetic3A_976 = arith.constant 4 : i32
        %shift_right_arithmetic3A_977 = vector.broadcast %shift_right_arithmetic3A_976 : i32 to vector<16xi32>
        %shift_right_arithmetic3A_978 = arith.shrsi %get3A_962, %shift_right_arithmetic3A_977 : vector<16xi32>
        %and3A_979 = arith.constant 3 : i32
        %and3A_980 = vector.broadcast %and3A_979 : i32 to vector<16xi32>
        %and3A_981 = arith.andi %shift_right_arithmetic3A_978, %and3A_980 : vector<16xi32>
        %mul3A_982 = arith.constant 8 : i32
        %mul3A_983 = vector.broadcast %mul3A_982 : i32 to vector<16xi32>
        %mul3A_984 = arith.muli %mul3A_983, %and3A_981 : vector<16xi32>
        %sub3A_985 = arith.constant 24 : i32
        %sub3A_986 = vector.broadcast %sub3A_985 : i32 to vector<16xi32>
        %sub3A_987 = arith.subi %sub3A_986, %mul3A_984 : vector<16xi32>
        %swap3A_988 = arith.index_cast %sub3A_759 : i32 to index
        %swap3A_989 = arith.constant 64 : index
        %swap3A_990 = tpu.vector_load %arg10[%swap3A_988, %swap3A_989] {strides = array<i32>} : memref<2x256xi32, #tpu.memory_space<vmem>>, vector<16xi32>,
        tpu.vector_store %arg10[%swap3A_988, %swap3A_989], %sub3A_987 {strides = array<i32>} : memref<2x256xi32, #tpu.memory_space<vmem>>, vector<16xi32>,
        %shift_right_arithmetic3A_991 = arith.constant 6 : i32
        %shift_right_arithmetic3A_992 = vector.broadcast %shift_right_arithmetic3A_991 : i32 to vector<16xi32>
        %shift_right_arithmetic3A_993 = arith.shrsi %get3A_962, %shift_right_arithmetic3A_992 : vector<16xi32>
        %gather3A_994 = tpu.vector_load_idx %arg12[%shift_right_arithmetic3A_993] : memref<15632xf32, #tpu.memory_space<vmem>>[vector<16xi32>], vector<16xf32>,
        %mul3A_995 = arith.constant 0.00787401571 : f32
        %mul3A_996 = vector.broadcast %mul3A_995 : f32 to vector<16xf32>
        %mul3A_997 = arith.mulf %gather3A_994, %mul3A_996 : vector<16xf32>
        %swap3A_998 = arith.index_cast %sub3A_759 : i32 to index
        %swap3A_999 = arith.constant 64 : index
        %swap3A_1000 = tpu.vector_load %arg9[%swap3A_998, %swap3A_999] {strides = array<i32>} : memref<2x256xf32, #tpu.memory_space<vmem>>, vector<16xf32>,
        tpu.vector_store %arg9[%swap3A_998, %swap3A_999], %mul3A_997 {strides = array<i32>} : memref<2x256xf32, #tpu.memory_space<vmem>>, vector<16xf32>,
        %get3A_1001 = arith.index_cast %add3A_795 : i32 to index
        %get3A_1002 = arith.constant 80 : index
        %get3A_1003 = tpu.vector_load %arg6[%get3A_1001, %get3A_1002] {strides = array<i32>} : memref<40x256xi32, #tpu.memory_space<vmem>>, vector<16xi32>,
        %shift_right_arithmetic3A_1004 = arith.constant 6 : i32
        %shift_right_arithmetic3A_1005 = vector.broadcast %shift_right_arithmetic3A_1004 : i32 to vector<16xi32>
        %shift_right_arithmetic3A_1006 = arith.shrsi %get3A_1003, %shift_right_arithmetic3A_1005 : vector<16xi32>
        %shift_left3A_1007 = arith.constant 4 : i32
        %shift_left3A_1008 = vector.broadcast %shift_left3A_1007 : i32 to vector<16xi32>
        %shift_left3A_1009 = arith.shli %shift_right_arithmetic3A_1006, %shift_left3A_1008 : vector<16xi32>
        %and3A_1010 = arith.constant 15 : i32
        %and3A_1011 = vector.broadcast %and3A_1010 : i32 to vector<16xi32>
        %and3A_1012 = arith.andi %get3A_1003, %and3A_1011 : vector<16xi32>
        %or3A_1013 = arith.ori %shift_left3A_1009, %and3A_1012 : vector<16xi32>
        %swap3A_1014 = arith.index_cast %sub3A_759 : i32 to index
        %swap3A_1015 = arith.constant 80 : index
        %swap3A_1016 = tpu.vector_load %arg7[%swap3A_1014, %swap3A_1015] {strides = array<i32>} : memref<2x256xi32, #tpu.memory_space<vmem>>, vector<16xi32>,
        tpu.vector_store %arg7[%swap3A_1014, %swap3A_1015], %or3A_1013 {strides = array<i32>} : memref<2x256xi32, #tpu.memory_space<vmem>>, vector<16xi32>,
        %shift_right_arithmetic3A_1017 = arith.constant 4 : i32
        %shift_right_arithmetic3A_1018 = vector.broadcast %shift_right_arithmetic3A_1017 : i32 to vector<16xi32>
        %shift_right_arithmetic3A_1019 = arith.shrsi %get3A_1003, %shift_right_arithmetic3A_1018 : vector<16xi32>
        %and3A_1020 = arith.constant 3 : i32
        %and3A_1021 = vector.broadcast %and3A_1020 : i32 to vector<16xi32>
        %and3A_1022 = arith.andi %shift_right_arithmetic3A_1019, %and3A_1021 : vector<16xi32>
        %mul3A_1023 = arith.constant 8 : i32
        %mul3A_1024 = vector.broadcast %mul3A_1023 : i32 to vector<16xi32>
        %mul3A_1025 = arith.muli %mul3A_1024, %and3A_1022 : vector<16xi32>
        %sub3A_1026 = arith.constant 24 : i32
        %sub3A_1027 = vector.broadcast %sub3A_1026 : i32 to vector<16xi32>
        %sub3A_1028 = arith.subi %sub3A_1027, %mul3A_1025 : vector<16xi32>
        %swap3A_1029 = arith.index_cast %sub3A_759 : i32 to index
        %swap3A_1030 = arith.constant 80 : index
        %swap3A_1031 = tpu.vector_load %arg10[%swap3A_1029, %swap3A_1030] {strides = array<i32>} : memref<2x256xi32, #tpu.memory_space<vmem>>, vector<16xi32>,
        tpu.vector_store %arg10[%swap3A_1029, %swap3A_1030], %sub3A_1028 {strides = array<i32>} : memref<2x256xi32, #tpu.memory_space<vmem>>, vector<16xi32>,
        %shift_right_arithmetic3A_1032 = arith.constant 6 : i32
        %shift_right_arithmetic3A_1033 = vector.broadcast %shift_right_arithmetic3A_1032 : i32 to vector<16xi32>
        %shift_right_arithmetic3A_1034 = arith.shrsi %get3A_1003, %shift_right_arithmetic3A_1033 : vector<16xi32>
        %gather3A_1035 = tpu.vector_load_idx %arg12[%shift_right_arithmetic3A_1034] : memref<15632xf32, #tpu.memory_space<vmem>>[vector<16xi32>], vector<16xf32>,
        %mul3A_1036 = arith.constant 0.00787401571 : f32
        %mul3A_1037 = vector.broadcast %mul3A_1036 : f32 to vector<16xf32>
        %mul3A_1038 = arith.mulf %gather3A_1035, %mul3A_1037 : vector<16xf32>
        %swap3A_1039 = arith.index_cast %sub3A_759 : i32 to index
        %swap3A_1040 = arith.constant 80 : index
        %swap3A_1041 = tpu.vector_load %arg9[%swap3A_1039, %swap3A_1040] {strides = array<i32>} : memref<2x256xf32, #tpu.memory_space<vmem>>, vector<16xf32>,
        tpu.vector_store %arg9[%swap3A_1039, %swap3A_1040], %mul3A_1038 {strides = array<i32>} : memref<2x256xf32, #tpu.memory_space<vmem>>, vector<16xf32>,
        %get3A_1042 = arith.index_cast %add3A_795 : i32 to index
        %get3A_1043 = arith.constant 96 : index
        %get3A_1044 = tpu.vector_load %arg6[%get3A_1042, %get3A_1043] {strides = array<i32>} : memref<40x256xi32, #tpu.memory_space<vmem>>, vector<16xi32>,
        %shift_right_arithmetic3A_1045 = arith.constant 6 : i32
        %shift_right_arithmetic3A_1046 = vector.broadcast %shift_right_arithmetic3A_1045 : i32 to vector<16xi32>
        %shift_right_arithmetic3A_1047 = arith.shrsi %get3A_1044, %shift_right_arithmetic3A_1046 : vector<16xi32>
        %shift_left3A_1048 = arith.constant 4 : i32
        %shift_left3A_1049 = vector.broadcast %shift_left3A_1048 : i32 to vector<16xi32>
        %shift_left3A_1050 = arith.shli %shift_right_arithmetic3A_1047, %shift_left3A_1049 : vector<16xi32>
        %and3A_1051 = arith.constant 15 : i32
        %and3A_1052 = vector.broadcast %and3A_1051 : i32 to vector<16xi32>
        %and3A_1053 = arith.andi %get3A_1044, %and3A_1052 : vector<16xi32>
        %or3A_1054 = arith.ori %shift_left3A_1050, %and3A_1053 : vector<16xi32>
        %swap3A_1055 = arith.index_cast %sub3A_759 : i32 to index
        %swap3A_1056 = arith.constant 96 : index
        %swap3A_1057 = tpu.vector_load %arg7[%swap3A_1055, %swap3A_1056] {strides = array<i32>} : memref<2x256xi32, #tpu.memory_space<vmem>>, vector<16xi32>,
        tpu.vector_store %arg7[%swap3A_1055, %swap3A_1056], %or3A_1054 {strides = array<i32>} : memref<2x256xi32, #tpu.memory_space<vmem>>, vector<16xi32>,
        %shift_right_arithmetic3A_1058 = arith.constant 4 : i32
        %shift_right_arithmetic3A_1059 = vector.broadcast %shift_right_arithmetic3A_1058 : i32 to vector<16xi32>
        %shift_right_arithmetic3A_1060 = arith.shrsi %get3A_1044, %shift_right_arithmetic3A_1059 : vector<16xi32>
        %and3A_1061 = arith.constant 3 : i32
        %and3A_1062 = vector.broadcast %and3A_1061 : i32 to vector<16xi32>
        %and3A_1063 = arith.andi %shift_right_arithmetic3A_1060, %and3A_1062 : vector<16xi32>
        %mul3A_1064 = arith.constant 8 : i32
        %mul3A_1065 = vector.broadcast %mul3A_1064 : i32 to vector<16xi32>
        %mul3A_1066 = arith.muli %mul3A_1065, %and3A_1063 : vector<16xi32>
        %sub3A_1067 = arith.constant 24 : i32
        %sub3A_1068 = vector.broadcast %sub3A_1067 : i32 to vector<16xi32>
        %sub3A_1069 = arith.subi %sub3A_1068, %mul3A_1066 : vector<16xi32>
        %swap3A_1070 = arith.index_cast %sub3A_759 : i32 to index
        %swap3A_1071 = arith.constant 96 : index
        %swap3A_1072 = tpu.vector_load %arg10[%swap3A_1070, %swap3A_1071] {strides = array<i32>} : memref<2x256xi32, #tpu.memory_space<vmem>>, vector<16xi32>,
        tpu.vector_store %arg10[%swap3A_1070, %swap3A_1071], %sub3A_1069 {strides = array<i32>} : memref<2x256xi32, #tpu.memory_space<vmem>>, vector<16xi32>,
        %shift_right_arithmetic3A_1073 = arith.constant 6 : i32
        %shift_right_arithmetic3A_1074 = vector.broadcast %shift_right_arithmetic3A_1073 : i32 to vector<16xi32>
        %shift_right_arithmetic3A_1075 = arith.shrsi %get3A_1044, %shift_right_arithmetic3A_1074 : vector<16xi32>
        %gather3A_1076 = tpu.vector_load_idx %arg12[%shift_right_arithmetic3A_1075] : memref<15632xf32, #tpu.memory_space<vmem>>[vector<16xi32>], vector<16xf32>,
        %mul3A_1077 = arith.constant 0.00787401571 : f32
        %mul3A_1078 = vector.broadcast %mul3A_1077 : f32 to vector<16xf32>
        %mul3A_1079 = arith.mulf %gather3A_1076, %mul3A_1078 : vector<16xf32>
        %swap3A_1080 = arith.index_cast %sub3A_759 : i32 to index
        %swap3A_1081 = arith.constant 96 : index
        %swap3A_1082 = tpu.vector_load %arg9[%swap3A_1080, %swap3A_1081] {strides = array<i32>} : memref<2x256xf32, #tpu.memory_space<vmem>>, vector<16xf32>,
        tpu.vector_store %arg9[%swap3A_1080, %swap3A_1081], %mul3A_1079 {strides = array<i32>} : memref<2x256xf32, #tpu.memory_space<vmem>>, vector<16xf32>,
        %get3A_1083 = arith.index_cast %add3A_795 : i32 to index
        %get3A_1084 = arith.constant 112 : index
        %get3A_1085 = tpu.vector_load %arg6[%get3A_1083, %get3A_1084] {strides = array<i32>} : memref<40x256xi32, #tpu.memory_space<vmem>>, vector<16xi32>,
        %shift_right_arithmetic3A_1086 = arith.constant 6 : i32
        %shift_right_arithmetic3A_1087 = vector.broadcast %shift_right_arithmetic3A_1086 : i32 to vector<16xi32>
        %shift_right_arithmetic3A_1088 = arith.shrsi %get3A_1085, %shift_right_arithmetic3A_1087 : vector<16xi32>
        %shift_left3A_1089 = arith.constant 4 : i32
        %shift_left3A_1090 = vector.broadcast %shift_left3A_1089 : i32 to vector<16xi32>
        %shift_left3A_1091 = arith.shli %shift_right_arithmetic3A_1088, %shift_left3A_1090 : vector<16xi32>
        %and3A_1092 = arith.constant 15 : i32
        %and3A_1093 = vector.broadcast %and3A_1092 : i32 to vector<16xi32>
        %and3A_1094 = arith.andi %get3A_1085, %and3A_1093 : vector<16xi32>
        %or3A_1095 = arith.ori %shift_left3A_1091, %and3A_1094 : vector<16xi32>
        %swap3A_1096 = arith.index_cast %sub3A_759 : i32 to index
        %swap3A_1097 = arith.constant 112 : index
        %swap3A_1098 = tpu.vector_load %arg7[%swap3A_1096, %swap3A_1097] {strides = array<i32>} : memref<2x256xi32, #tpu.memory_space<vmem>>, vector<16xi32>,
        tpu.vector_store %arg7[%swap3A_1096, %swap3A_1097], %or3A_1095 {strides = array<i32>} : memref<2x256xi32, #tpu.memory_space<vmem>>, vector<16xi32>,
        %shift_right_arithmetic3A_1099 = arith.constant 4 : i32
        %shift_right_arithmetic3A_1100 = vector.broadcast %shift_right_arithmetic3A_1099 : i32 to vector<16xi32>
        %shift_right_arithmetic3A_1101 = arith.shrsi %get3A_1085, %shift_right_arithmetic3A_1100 : vector<16xi32>
        %and3A_1102 = arith.constant 3 : i32
        %and3A_1103 = vector.broadcast %and3A_1102 : i32 to vector<16xi32>
        %and3A_1104 = arith.andi %shift_right_arithmetic3A_1101, %and3A_1103 : vector<16xi32>
        %mul3A_1105 = arith.constant 8 : i32
        %mul3A_1106 = vector.broadcast %mul3A_1105 : i32 to vector<16xi32>
        %mul3A_1107 = arith.muli %mul3A_1106, %and3A_1104 : vector<16xi32>
        %sub3A_1108 = arith.constant 24 : i32
        %sub3A_1109 = vector.broadcast %sub3A_1108 : i32 to vector<16xi32>
        %sub3A_1110 = arith.subi %sub3A_1109, %mul3A_1107 : vector<16xi32>
        %swap3A_1111 = arith.index_cast %sub3A_759 : i32 to index
        %swap3A_1112 = arith.constant 112 : index
        %swap3A_1113 = tpu.vector_load %arg10[%swap3A_1111, %swap3A_1112] {strides = array<i32>} : memref<2x256xi32, #tpu.memory_space<vmem>>, vector<16xi32>,
        tpu.vector_store %arg10[%swap3A_1111, %swap3A_1112], %sub3A_1110 {strides = array<i32>} : memref<2x256xi32, #tpu.memory_space<vmem>>, vector<16xi32>,
        %shift_right_arithmetic3A_1114 = arith.constant 6 : i32
        %shift_right_arithmetic3A_1115 = vector.broadcast %shift_right_arithmetic3A_1114 : i32 to vector<16xi32>
        %shift_right_arithmetic3A_1116 = arith.shrsi %get3A_1085, %shift_right_arithmetic3A_1115 : vector<16xi32>
        %gather3A_1117 = tpu.vector_load_idx %arg12[%shift_right_arithmetic3A_1116] : memref<15632xf32, #tpu.memory_space<vmem>>[vector<16xi32>], vector<16xf32>,
        %mul3A_1118 = arith.constant 0.00787401571 : f32
        %mul3A_1119 = vector.broadcast %mul3A_1118 : f32 to vector<16xf32>
        %mul3A_1120 = arith.mulf %gather3A_1117, %mul3A_1119 : vector<16xf32>
        %swap3A_1121 = arith.index_cast %sub3A_759 : i32 to index
        %swap3A_1122 = arith.constant 112 : index
        %swap3A_1123 = tpu.vector_load %arg9[%swap3A_1121, %swap3A_1122] {strides = array<i32>} : memref<2x256xf32, #tpu.memory_space<vmem>>, vector<16xf32>,
        tpu.vector_store %arg9[%swap3A_1121, %swap3A_1122], %mul3A_1120 {strides = array<i32>} : memref<2x256xf32, #tpu.memory_space<vmem>>, vector<16xf32>,
        %get3A_1124 = arith.index_cast %add3A_795 : i32 to index
        %get3A_1125 = arith.constant 128 : index
        %get3A_1126 = tpu.vector_load %arg6[%get3A_1124, %get3A_1125] {strides = array<i32>} : memref<40x256xi32, #tpu.memory_space<vmem>>, vector<16xi32>,
        %shift_right_arithmetic3A_1127 = arith.constant 6 : i32
        %shift_right_arithmetic3A_1128 = vector.broadcast %shift_right_arithmetic3A_1127 : i32 to vector<16xi32>
        %shift_right_arithmetic3A_1129 = arith.shrsi %get3A_1126, %shift_right_arithmetic3A_1128 : vector<16xi32>
        %shift_left3A_1130 = arith.constant 4 : i32
        %shift_left3A_1131 = vector.broadcast %shift_left3A_1130 : i32 to vector<16xi32>
        %shift_left3A_1132 = arith.shli %shift_right_arithmetic3A_1129, %shift_left3A_1131 : vector<16xi32>
        %and3A_1133 = arith.constant 15 : i32
        %and3A_1134 = vector.broadcast %and3A_1133 : i32 to vector<16xi32>
        %and3A_1135 = arith.andi %get3A_1126, %and3A_1134 : vector<16xi32>
        %or3A_1136 = arith.ori %shift_left3A_1132, %and3A_1135 : vector<16xi32>
        %swap3A_1137 = arith.index_cast %sub3A_759 : i32 to index
        %swap3A_1138 = arith.constant 128 : index
        %swap3A_1139 = tpu.vector_load %arg7[%swap3A_1137, %swap3A_1138] {strides = array<i32>} : memref<2x256xi32, #tpu.memory_space<vmem>>, vector<16xi32>,
        tpu.vector_store %arg7[%swap3A_1137, %swap3A_1138], %or3A_1136 {strides = array<i32>} : memref<2x256xi32, #tpu.memory_space<vmem>>, vector<16xi32>,
        %shift_right_arithmetic3A_1140 = arith.constant 4 : i32
        %shift_right_arithmetic3A_1141 = vector.broadcast %shift_right_arithmetic3A_1140 : i32 to vector<16xi32>
        %shift_right_arithmetic3A_1142 = arith.shrsi %get3A_1126, %shift_right_arithmetic3A_1141 : vector<16xi32>
        %and3A_1143 = arith.constant 3 : i32
        %and3A_1144 = vector.broadcast %and3A_1143 : i32 to vector<16xi32>
        %and3A_1145 = arith.andi %shift_right_arithmetic3A_1142, %and3A_1144 : vector<16xi32>
        %mul3A_1146 = arith.constant 8 : i32
        %mul3A_1147 = vector.broadcast %mul3A_1146 : i32 to vector<16xi32>
        %mul3A_1148 = arith.muli %mul3A_1147, %and3A_1145 : vector<16xi32>
        %sub3A_1149 = arith.constant 24 : i32
        %sub3A_1150 = vector.broadcast %sub3A_1149 : i32 to vector<16xi32>
        %sub3A_1151 = arith.subi %sub3A_1150, %mul3A_1148 : vector<16xi32>
        %swap3A_1152 = arith.index_cast %sub3A_759 : i32 to index
        %swap3A_1153 = arith.constant 128 : index
        %swap3A_1154 = tpu.vector_load %arg10[%swap3A_1152, %swap3A_1153] {strides = array<i32>} : memref<2x256xi32, #tpu.memory_space<vmem>>, vector<16xi32>,
        tpu.vector_store %arg10[%swap3A_1152, %swap3A_1153], %sub3A_1151 {strides = array<i32>} : memref<2x256xi32, #tpu.memory_space<vmem>>, vector<16xi32>,
        %shift_right_arithmetic3A_1155 = arith.constant 6 : i32
        %shift_right_arithmetic3A_1156 = vector.broadcast %shift_right_arithmetic3A_1155 : i32 to vector<16xi32>
        %shift_right_arithmetic3A_1157 = arith.shrsi %get3A_1126, %shift_right_arithmetic3A_1156 : vector<16xi32>
        %gather3A_1158 = tpu.vector_load_idx %arg12[%shift_right_arithmetic3A_1157] : memref<15632xf32, #tpu.memory_space<vmem>>[vector<16xi32>], vector<16xf32>,
        %mul3A_1159 = arith.constant 0.00787401571 : f32
        %mul3A_1160 = vector.broadcast %mul3A_1159 : f32 to vector<16xf32>
        %mul3A_1161 = arith.mulf %gather3A_1158, %mul3A_1160 : vector<16xf32>
        %swap3A_1162 = arith.index_cast %sub3A_759 : i32 to index
        %swap3A_1163 = arith.constant 128 : index
        %swap3A_1164 = tpu.vector_load %arg9[%swap3A_1162, %swap3A_1163] {strides = array<i32>} : memref<2x256xf32, #tpu.memory_space<vmem>>, vector<16xf32>,
        tpu.vector_store %arg9[%swap3A_1162, %swap3A_1163], %mul3A_1161 {strides = array<i32>} : memref<2x256xf32, #tpu.memory_space<vmem>>, vector<16xf32>,
        %get3A_1165 = arith.index_cast %add3A_795 : i32 to index
        %get3A_1166 = arith.constant 144 : index
        %get3A_1167 = tpu.vector_load %arg6[%get3A_1165, %get3A_1166] {strides = array<i32>} : memref<40x256xi32, #tpu.memory_space<vmem>>, vector<16xi32>,
        %shift_right_arithmetic3A_1168 = arith.constant 6 : i32
        %shift_right_arithmetic3A_1169 = vector.broadcast %shift_right_arithmetic3A_1168 : i32 to vector<16xi32>
        %shift_right_arithmetic3A_1170 = arith.shrsi %get3A_1167, %shift_right_arithmetic3A_1169 : vector<16xi32>
        %shift_left3A_1171 = arith.constant 4 : i32
        %shift_left3A_1172 = vector.broadcast %shift_left3A_1171 : i32 to vector<16xi32>
        %shift_left3A_1173 = arith.shli %shift_right_arithmetic3A_1170, %shift_left3A_1172 : vector<16xi32>
        %and3A_1174 = arith.constant 15 : i32
        %and3A_1175 = vector.broadcast %and3A_1174 : i32 to vector<16xi32>
        %and3A_1176 = arith.andi %get3A_1167, %and3A_1175 : vector<16xi32>
        %or3A_1177 = arith.ori %shift_left3A_1173, %and3A_1176 : vector<16xi32>
        %swap3A_1178 = arith.index_cast %sub3A_759 : i32 to index
        %swap3A_1179 = arith.constant 144 : index
        %swap3A_1180 = tpu.vector_load %arg7[%swap3A_1178, %swap3A_1179] {strides = array<i32>} : memref<2x256xi32, #tpu.memory_space<vmem>>, vector<16xi32>,
        tpu.vector_store %arg7[%swap3A_1178, %swap3A_1179], %or3A_1177 {strides = array<i32>} : memref<2x256xi32, #tpu.memory_space<vmem>>, vector<16xi32>,
        %shift_right_arithmetic3A_1181 = arith.constant 4 : i32
        %shift_right_arithmetic3A_1182 = vector.broadcast %shift_right_arithmetic3A_1181 : i32 to vector<16xi32>
        %shift_right_arithmetic3A_1183 = arith.shrsi %get3A_1167, %shift_right_arithmetic3A_1182 : vector<16xi32>
        %and3A_1184 = arith.constant 3 : i32
        %and3A_1185 = vector.broadcast %and3A_1184 : i32 to vector<16xi32>
        %and3A_1186 = arith.andi %shift_right_arithmetic3A_1183, %and3A_1185 : vector<16xi32>
        %mul3A_1187 = arith.constant 8 : i32
        %mul3A_1188 = vector.broadcast %mul3A_1187 : i32 to vector<16xi32>
        %mul3A_1189 = arith.muli %mul3A_1188, %and3A_1186 : vector<16xi32>
        %sub3A_1190 = arith.constant 24 : i32
        %sub3A_1191 = vector.broadcast %sub3A_1190 : i32 to vector<16xi32>
        %sub3A_1192 = arith.subi %sub3A_1191, %mul3A_1189 : vector<16xi32>
        %swap3A_1193 = arith.index_cast %sub3A_759 : i32 to index
        %swap3A_1194 = arith.constant 144 : index
        %swap3A_1195 = tpu.vector_load %arg10[%swap3A_1193, %swap3A_1194] {strides = array<i32>} : memref<2x256xi32, #tpu.memory_space<vmem>>, vector<16xi32>,
        tpu.vector_store %arg10[%swap3A_1193, %swap3A_1194], %sub3A_1192 {strides = array<i32>} : memref<2x256xi32, #tpu.memory_space<vmem>>, vector<16xi32>,
        %shift_right_arithmetic3A_1196 = arith.constant 6 : i32
        %shift_right_arithmetic3A_1197 = vector.broadcast %shift_right_arithmetic3A_1196 : i32 to vector<16xi32>
        %shift_right_arithmetic3A_1198 = arith.shrsi %get3A_1167, %shift_right_arithmetic3A_1197 : vector<16xi32>
        %gather3A_1199 = tpu.vector_load_idx %arg12[%shift_right_arithmetic3A_1198] : memref<15632xf32, #tpu.memory_space<vmem>>[vector<16xi32>], vector<16xf32>,
        %mul3A_1200 = arith.constant 0.00787401571 : f32
        %mul3A_1201 = vector.broadcast %mul3A_1200 : f32 to vector<16xf32>
        %mul3A_1202 = arith.mulf %gather3A_1199, %mul3A_1201 : vector<16xf32>
        %swap3A_1203 = arith.index_cast %sub3A_759 : i32 to index
        %swap3A_1204 = arith.constant 144 : index
        %swap3A_1205 = tpu.vector_load %arg9[%swap3A_1203, %swap3A_1204] {strides = array<i32>} : memref<2x256xf32, #tpu.memory_space<vmem>>, vector<16xf32>,
        tpu.vector_store %arg9[%swap3A_1203, %swap3A_1204], %mul3A_1202 {strides = array<i32>} : memref<2x256xf32, #tpu.memory_space<vmem>>, vector<16xf32>,
        %get3A_1206 = arith.index_cast %add3A_795 : i32 to index
        %get3A_1207 = arith.constant 160 : index
        %get3A_1208 = tpu.vector_load %arg6[%get3A_1206, %get3A_1207] {strides = array<i32>} : memref<40x256xi32, #tpu.memory_space<vmem>>, vector<16xi32>,
        %shift_right_arithmetic3A_1209 = arith.constant 6 : i32
        %shift_right_arithmetic3A_1210 = vector.broadcast %shift_right_arithmetic3A_1209 : i32 to vector<16xi32>
        %shift_right_arithmetic3A_1211 = arith.shrsi %get3A_1208, %shift_right_arithmetic3A_1210 : vector<16xi32>
        %shift_left3A_1212 = arith.constant 4 : i32
        %shift_left3A_1213 = vector.broadcast %shift_left3A_1212 : i32 to vector<16xi32>
        %shift_left3A_1214 = arith.shli %shift_right_arithmetic3A_1211, %shift_left3A_1213 : vector<16xi32>
        %and3A_1215 = arith.constant 15 : i32
        %and3A_1216 = vector.broadcast %and3A_1215 : i32 to vector<16xi32>
        %and3A_1217 = arith.andi %get3A_1208, %and3A_1216 : vector<16xi32>
        %or3A_1218 = arith.ori %shift_left3A_1214, %and3A_1217 : vector<16xi32>
        %swap3A_1219 = arith.index_cast %sub3A_759 : i32 to index
        %swap3A_1220 = arith.constant 160 : index
        %swap3A_1221 = tpu.vector_load %arg7[%swap3A_1219, %swap3A_1220] {strides = array<i32>} : memref<2x256xi32, #tpu.memory_space<vmem>>, vector<16xi32>,
        tpu.vector_store %arg7[%swap3A_1219, %swap3A_1220], %or3A_1218 {strides = array<i32>} : memref<2x256xi32, #tpu.memory_space<vmem>>, vector<16xi32>,
        %shift_right_arithmetic3A_1222 = arith.constant 4 : i32
        %shift_right_arithmetic3A_1223 = vector.broadcast %shift_right_arithmetic3A_1222 : i32 to vector<16xi32>
        %shift_right_arithmetic3A_1224 = arith.shrsi %get3A_1208, %shift_right_arithmetic3A_1223 : vector<16xi32>
        %and3A_1225 = arith.constant 3 : i32
        %and3A_1226 = vector.broadcast %and3A_1225 : i32 to vector<16xi32>
        %and3A_1227 = arith.andi %shift_right_arithmetic3A_1224, %and3A_1226 : vector<16xi32>
        %mul3A_1228 = arith.constant 8 : i32
        %mul3A_1229 = vector.broadcast %mul3A_1228 : i32 to vector<16xi32>
        %mul3A_1230 = arith.muli %mul3A_1229, %and3A_1227 : vector<16xi32>
        %sub3A_1231 = arith.constant 24 : i32
        %sub3A_1232 = vector.broadcast %sub3A_1231 : i32 to vector<16xi32>
        %sub3A_1233 = arith.subi %sub3A_1232, %mul3A_1230 : vector<16xi32>
        %swap3A_1234 = arith.index_cast %sub3A_759 : i32 to index
        %swap3A_1235 = arith.constant 160 : index
        %swap3A_1236 = tpu.vector_load %arg10[%swap3A_1234, %swap3A_1235] {strides = array<i32>} : memref<2x256xi32, #tpu.memory_space<vmem>>, vector<16xi32>,
        tpu.vector_store %arg10[%swap3A_1234, %swap3A_1235], %sub3A_1233 {strides = array<i32>} : memref<2x256xi32, #tpu.memory_space<vmem>>, vector<16xi32>,
        %shift_right_arithmetic3A_1237 = arith.constant 6 : i32
        %shift_right_arithmetic3A_1238 = vector.broadcast %shift_right_arithmetic3A_1237 : i32 to vector<16xi32>
        %shift_right_arithmetic3A_1239 = arith.shrsi %get3A_1208, %shift_right_arithmetic3A_1238 : vector<16xi32>
        %gather3A_1240 = tpu.vector_load_idx %arg12[%shift_right_arithmetic3A_1239] : memref<15632xf32, #tpu.memory_space<vmem>>[vector<16xi32>], vector<16xf32>,
        %mul3A_1241 = arith.constant 0.00787401571 : f32
        %mul3A_1242 = vector.broadcast %mul3A_1241 : f32 to vector<16xf32>
        %mul3A_1243 = arith.mulf %gather3A_1240, %mul3A_1242 : vector<16xf32>
        %swap3A_1244 = arith.index_cast %sub3A_759 : i32 to index
        %swap3A_1245 = arith.constant 160 : index
        %swap3A_1246 = tpu.vector_load %arg9[%swap3A_1244, %swap3A_1245] {strides = array<i32>} : memref<2x256xf32, #tpu.memory_space<vmem>>, vector<16xf32>,
        tpu.vector_store %arg9[%swap3A_1244, %swap3A_1245], %mul3A_1243 {strides = array<i32>} : memref<2x256xf32, #tpu.memory_space<vmem>>, vector<16xf32>,
        %get3A_1247 = arith.index_cast %add3A_795 : i32 to index
        %get3A_1248 = arith.constant 176 : index
        %get3A_1249 = tpu.vector_load %arg6[%get3A_1247, %get3A_1248] {strides = array<i32>} : memref<40x256xi32, #tpu.memory_space<vmem>>, vector<16xi32>,
        %shift_right_arithmetic3A_1250 = arith.constant 6 : i32
        %shift_right_arithmetic3A_1251 = vector.broadcast %shift_right_arithmetic3A_1250 : i32 to vector<16xi32>
        %shift_right_arithmetic3A_1252 = arith.shrsi %get3A_1249, %shift_right_arithmetic3A_1251 : vector<16xi32>
        %shift_left3A_1253 = arith.constant 4 : i32
        %shift_left3A_1254 = vector.broadcast %shift_left3A_1253 : i32 to vector<16xi32>
        %shift_left3A_1255 = arith.shli %shift_right_arithmetic3A_1252, %shift_left3A_1254 : vector<16xi32>
        %and3A_1256 = arith.constant 15 : i32
        %and3A_1257 = vector.broadcast %and3A_1256 : i32 to vector<16xi32>
        %and3A_1258 = arith.andi %get3A_1249, %and3A_1257 : vector<16xi32>
        %or3A_1259 = arith.ori %shift_left3A_1255, %and3A_1258 : vector<16xi32>
        %swap3A_1260 = arith.index_cast %sub3A_759 : i32 to index
        %swap3A_1261 = arith.constant 176 : index
        %swap3A_1262 = tpu.vector_load %arg7[%swap3A_1260, %swap3A_1261] {strides = array<i32>} : memref<2x256xi32, #tpu.memory_space<vmem>>, vector<16xi32>,
        tpu.vector_store %arg7[%swap3A_1260, %swap3A_1261], %or3A_1259 {strides = array<i32>} : memref<2x256xi32, #tpu.memory_space<vmem>>, vector<16xi32>,
        %shift_right_arithmetic3A_1263 = arith.constant 4 : i32
        %shift_right_arithmetic3A_1264 = vector.broadcast %shift_right_arithmetic3A_1263 : i32 to vector<16xi32>
        %shift_right_arithmetic3A_1265 = arith.shrsi %get3A_1249, %shift_right_arithmetic3A_1264 : vector<16xi32>
        %and3A_1266 = arith.constant 3 : i32
        %and3A_1267 = vector.broadcast %and3A_1266 : i32 to vector<16xi32>
        %and3A_1268 = arith.andi %shift_right_arithmetic3A_1265, %and3A_1267 : vector<16xi32>
        %mul3A_1269 = arith.constant 8 : i32
        %mul3A_1270 = vector.broadcast %mul3A_1269 : i32 to vector<16xi32>
        %mul3A_1271 = arith.muli %mul3A_1270, %and3A_1268 : vector<16xi32>
        %sub3A_1272 = arith.constant 24 : i32
        %sub3A_1273 = vector.broadcast %sub3A_1272 : i32 to vector<16xi32>
        %sub3A_1274 = arith.subi %sub3A_1273, %mul3A_1271 : vector<16xi32>
        %swap3A_1275 = arith.index_cast %sub3A_759 : i32 to index
        %swap3A_1276 = arith.constant 176 : index
        %swap3A_1277 = tpu.vector_load %arg10[%swap3A_1275, %swap3A_1276] {strides = array<i32>} : memref<2x256xi32, #tpu.memory_space<vmem>>, vector<16xi32>,
        tpu.vector_store %arg10[%swap3A_1275, %swap3A_1276], %sub3A_1274 {strides = array<i32>} : memref<2x256xi32, #tpu.memory_space<vmem>>, vector<16xi32>,
        %shift_right_arithmetic3A_1278 = arith.constant 6 : i32
        %shift_right_arithmetic3A_1279 = vector.broadcast %shift_right_arithmetic3A_1278 : i32 to vector<16xi32>
        %shift_right_arithmetic3A_1280 = arith.shrsi %get3A_1249, %shift_right_arithmetic3A_1279 : vector<16xi32>
        %gather3A_1281 = tpu.vector_load_idx %arg12[%shift_right_arithmetic3A_1280] : memref<15632xf32, #tpu.memory_space<vmem>>[vector<16xi32>], vector<16xf32>,
        %mul3A_1282 = arith.constant 0.00787401571 : f32
        %mul3A_1283 = vector.broadcast %mul3A_1282 : f32 to vector<16xf32>
        %mul3A_1284 = arith.mulf %gather3A_1281, %mul3A_1283 : vector<16xf32>
        %swap3A_1285 = arith.index_cast %sub3A_759 : i32 to index
        %swap3A_1286 = arith.constant 176 : index
        %swap3A_1287 = tpu.vector_load %arg9[%swap3A_1285, %swap3A_1286] {strides = array<i32>} : memref<2x256xf32, #tpu.memory_space<vmem>>, vector<16xf32>,
        tpu.vector_store %arg9[%swap3A_1285, %swap3A_1286], %mul3A_1284 {strides = array<i32>} : memref<2x256xf32, #tpu.memory_space<vmem>>, vector<16xf32>,
        %get3A_1288 = arith.index_cast %add3A_795 : i32 to index
        %get3A_1289 = arith.constant 192 : index
        %get3A_1290 = tpu.vector_load %arg6[%get3A_1288, %get3A_1289] {strides = array<i32>} : memref<40x256xi32, #tpu.memory_space<vmem>>, vector<16xi32>,
        %shift_right_arithmetic3A_1291 = arith.constant 6 : i32
        %shift_right_arithmetic3A_1292 = vector.broadcast %shift_right_arithmetic3A_1291 : i32 to vector<16xi32>
        %shift_right_arithmetic3A_1293 = arith.shrsi %get3A_1290, %shift_right_arithmetic3A_1292 : vector<16xi32>
        %shift_left3A_1294 = arith.constant 4 : i32
        %shift_left3A_1295 = vector.broadcast %shift_left3A_1294 : i32 to vector<16xi32>
        %shift_left3A_1296 = arith.shli %shift_right_arithmetic3A_1293, %shift_left3A_1295 : vector<16xi32>
        %and3A_1297 = arith.constant 15 : i32
        %and3A_1298 = vector.broadcast %and3A_1297 : i32 to vector<16xi32>
        %and3A_1299 = arith.andi %get3A_1290, %and3A_1298 : vector<16xi32>
        %or3A_1300 = arith.ori %shift_left3A_1296, %and3A_1299 : vector<16xi32>
        %swap3A_1301 = arith.index_cast %sub3A_759 : i32 to index
        %swap3A_1302 = arith.constant 192 : index
        %swap3A_1303 = tpu.vector_load %arg7[%swap3A_1301, %swap3A_1302] {strides = array<i32>} : memref<2x256xi32, #tpu.memory_space<vmem>>, vector<16xi32>,
        tpu.vector_store %arg7[%swap3A_1301, %swap3A_1302], %or3A_1300 {strides = array<i32>} : memref<2x256xi32, #tpu.memory_space<vmem>>, vector<16xi32>,
        %shift_right_arithmetic3A_1304 = arith.constant 4 : i32
        %shift_right_arithmetic3A_1305 = vector.broadcast %shift_right_arithmetic3A_1304 : i32 to vector<16xi32>
        %shift_right_arithmetic3A_1306 = arith.shrsi %get3A_1290, %shift_right_arithmetic3A_1305 : vector<16xi32>
        %and3A_1307 = arith.constant 3 : i32
        %and3A_1308 = vector.broadcast %and3A_1307 : i32 to vector<16xi32>
        %and3A_1309 = arith.andi %shift_right_arithmetic3A_1306, %and3A_1308 : vector<16xi32>
        %mul3A_1310 = arith.constant 8 : i32
        %mul3A_1311 = vector.broadcast %mul3A_1310 : i32 to vector<16xi32>
        %mul3A_1312 = arith.muli %mul3A_1311, %and3A_1309 : vector<16xi32>
        %sub3A_1313 = arith.constant 24 : i32
        %sub3A_1314 = vector.broadcast %sub3A_1313 : i32 to vector<16xi32>
        %sub3A_1315 = arith.subi %sub3A_1314, %mul3A_1312 : vector<16xi32>
        %swap3A_1316 = arith.index_cast %sub3A_759 : i32 to index
        %swap3A_1317 = arith.constant 192 : index
        %swap3A_1318 = tpu.vector_load %arg10[%swap3A_1316, %swap3A_1317] {strides = array<i32>} : memref<2x256xi32, #tpu.memory_space<vmem>>, vector<16xi32>,
        tpu.vector_store %arg10[%swap3A_1316, %swap3A_1317], %sub3A_1315 {strides = array<i32>} : memref<2x256xi32, #tpu.memory_space<vmem>>, vector<16xi32>,
        %shift_right_arithmetic3A_1319 = arith.constant 6 : i32
        %shift_right_arithmetic3A_1320 = vector.broadcast %shift_right_arithmetic3A_1319 : i32 to vector<16xi32>
        %shift_right_arithmetic3A_1321 = arith.shrsi %get3A_1290, %shift_right_arithmetic3A_1320 : vector<16xi32>
        %gather3A_1322 = tpu.vector_load_idx %arg12[%shift_right_arithmetic3A_1321] : memref<15632xf32, #tpu.memory_space<vmem>>[vector<16xi32>], vector<16xf32>,
        %mul3A_1323 = arith.constant 0.00787401571 : f32
        %mul3A_1324 = vector.broadcast %mul3A_1323 : f32 to vector<16xf32>
        %mul3A_1325 = arith.mulf %gather3A_1322, %mul3A_1324 : vector<16xf32>
        %swap3A_1326 = arith.index_cast %sub3A_759 : i32 to index
        %swap3A_1327 = arith.constant 192 : index
        %swap3A_1328 = tpu.vector_load %arg9[%swap3A_1326, %swap3A_1327] {strides = array<i32>} : memref<2x256xf32, #tpu.memory_space<vmem>>, vector<16xf32>,
        tpu.vector_store %arg9[%swap3A_1326, %swap3A_1327], %mul3A_1325 {strides = array<i32>} : memref<2x256xf32, #tpu.memory_space<vmem>>, vector<16xf32>,
        %get3A_1329 = arith.index_cast %add3A_795 : i32 to index
        %get3A_1330 = arith.constant 208 : index
        %get3A_1331 = tpu.vector_load %arg6[%get3A_1329, %get3A_1330] {strides = array<i32>} : memref<40x256xi32, #tpu.memory_space<vmem>>, vector<16xi32>,
        %shift_right_arithmetic3A_1332 = arith.constant 6 : i32
        %shift_right_arithmetic3A_1333 = vector.broadcast %shift_right_arithmetic3A_1332 : i32 to vector<16xi32>
        %shift_right_arithmetic3A_1334 = arith.shrsi %get3A_1331, %shift_right_arithmetic3A_1333 : vector<16xi32>
        %shift_left3A_1335 = arith.constant 4 : i32
        %shift_left3A_1336 = vector.broadcast %shift_left3A_1335 : i32 to vector<16xi32>
        %shift_left3A_1337 = arith.shli %shift_right_arithmetic3A_1334, %shift_left3A_1336 : vector<16xi32>
        %and3A_1338 = arith.constant 15 : i32
        %and3A_1339 = vector.broadcast %and3A_1338 : i32 to vector<16xi32>
        %and3A_1340 = arith.andi %get3A_1331, %and3A_1339 : vector<16xi32>
        %or3A_1341 = arith.ori %shift_left3A_1337, %and3A_1340 : vector<16xi32>
        %swap3A_1342 = arith.index_cast %sub3A_759 : i32 to index
        %swap3A_1343 = arith.constant 208 : index
        %swap3A_1344 = tpu.vector_load %arg7[%swap3A_1342, %swap3A_1343] {strides = array<i32>} : memref<2x256xi32, #tpu.memory_space<vmem>>, vector<16xi32>,
        tpu.vector_store %arg7[%swap3A_1342, %swap3A_1343], %or3A_1341 {strides = array<i32>} : memref<2x256xi32, #tpu.memory_space<vmem>>, vector<16xi32>,
        %shift_right_arithmetic3A_1345 = arith.constant 4 : i32
        %shift_right_arithmetic3A_1346 = vector.broadcast %shift_right_arithmetic3A_1345 : i32 to vector<16xi32>
        %shift_right_arithmetic3A_1347 = arith.shrsi %get3A_1331, %shift_right_arithmetic3A_1346 : vector<16xi32>
        %and3A_1348 = arith.constant 3 : i32
        %and3A_1349 = vector.broadcast %and3A_1348 : i32 to vector<16xi32>
        %and3A_1350 = arith.andi %shift_right_arithmetic3A_1347, %and3A_1349 : vector<16xi32>
        %mul3A_1351 = arith.constant 8 : i32
        %mul3A_1352 = vector.broadcast %mul3A_1351 : i32 to vector<16xi32>
        %mul3A_1353 = arith.muli %mul3A_1352, %and3A_1350 : vector<16xi32>
        %sub3A_1354 = arith.constant 24 : i32
        %sub3A_1355 = vector.broadcast %sub3A_1354 : i32 to vector<16xi32>
        %sub3A_1356 = arith.subi %sub3A_1355, %mul3A_1353 : vector<16xi32>
        %swap3A_1357 = arith.index_cast %sub3A_759 : i32 to index
        %swap3A_1358 = arith.constant 208 : index
        %swap3A_1359 = tpu.vector_load %arg10[%swap3A_1357, %swap3A_1358] {strides = array<i32>} : memref<2x256xi32, #tpu.memory_space<vmem>>, vector<16xi32>,
        tpu.vector_store %arg10[%swap3A_1357, %swap3A_1358], %sub3A_1356 {strides = array<i32>} : memref<2x256xi32, #tpu.memory_space<vmem>>, vector<16xi32>,
        %shift_right_arithmetic3A_1360 = arith.constant 6 : i32
        %shift_right_arithmetic3A_1361 = vector.broadcast %shift_right_arithmetic3A_1360 : i32 to vector<16xi32>
        %shift_right_arithmetic3A_1362 = arith.shrsi %get3A_1331, %shift_right_arithmetic3A_1361 : vector<16xi32>
        %gather3A_1363 = tpu.vector_load_idx %arg12[%shift_right_arithmetic3A_1362] : memref<15632xf32, #tpu.memory_space<vmem>>[vector<16xi32>], vector<16xf32>,
        %mul3A_1364 = arith.constant 0.00787401571 : f32
        %mul3A_1365 = vector.broadcast %mul3A_1364 : f32 to vector<16xf32>
        %mul3A_1366 = arith.mulf %gather3A_1363, %mul3A_1365 : vector<16xf32>
        %swap3A_1367 = arith.index_cast %sub3A_759 : i32 to index
        %swap3A_1368 = arith.constant 208 : index
        %swap3A_1369 = tpu.vector_load %arg9[%swap3A_1367, %swap3A_1368] {strides = array<i32>} : memref<2x256xf32, #tpu.memory_space<vmem>>, vector<16xf32>,
        tpu.vector_store %arg9[%swap3A_1367, %swap3A_1368], %mul3A_1366 {strides = array<i32>} : memref<2x256xf32, #tpu.memory_space<vmem>>, vector<16xf32>,
        %get3A_1370 = arith.index_cast %add3A_795 : i32 to index
        %get3A_1371 = arith.constant 224 : index
        %get3A_1372 = tpu.vector_load %arg6[%get3A_1370, %get3A_1371] {strides = array<i32>} : memref<40x256xi32, #tpu.memory_space<vmem>>, vector<16xi32>,
        %shift_right_arithmetic3A_1373 = arith.constant 6 : i32
        %shift_right_arithmetic3A_1374 = vector.broadcast %shift_right_arithmetic3A_1373 : i32 to vector<16xi32>
        %shift_right_arithmetic3A_1375 = arith.shrsi %get3A_1372, %shift_right_arithmetic3A_1374 : vector<16xi32>
        %shift_left3A_1376 = arith.constant 4 : i32
        %shift_left3A_1377 = vector.broadcast %shift_left3A_1376 : i32 to vector<16xi32>
        %shift_left3A_1378 = arith.shli %shift_right_arithmetic3A_1375, %shift_left3A_1377 : vector<16xi32>
        %and3A_1379 = arith.constant 15 : i32
        %and3A_1380 = vector.broadcast %and3A_1379 : i32 to vector<16xi32>
        %and3A_1381 = arith.andi %get3A_1372, %and3A_1380 : vector<16xi32>
        %or3A_1382 = arith.ori %shift_left3A_1378, %and3A_1381 : vector<16xi32>
        %swap3A_1383 = arith.index_cast %sub3A_759 : i32 to index
        %swap3A_1384 = arith.constant 224 : index
        %swap3A_1385 = tpu.vector_load %arg7[%swap3A_1383, %swap3A_1384] {strides = array<i32>} : memref<2x256xi32, #tpu.memory_space<vmem>>, vector<16xi32>,
        tpu.vector_store %arg7[%swap3A_1383, %swap3A_1384], %or3A_1382 {strides = array<i32>} : memref<2x256xi32, #tpu.memory_space<vmem>>, vector<16xi32>,
        %shift_right_arithmetic3A_1386 = arith.constant 4 : i32
        %shift_right_arithmetic3A_1387 = vector.broadcast %shift_right_arithmetic3A_1386 : i32 to vector<16xi32>
        %shift_right_arithmetic3A_1388 = arith.shrsi %get3A_1372, %shift_right_arithmetic3A_1387 : vector<16xi32>
        %and3A_1389 = arith.constant 3 : i32
        %and3A_1390 = vector.broadcast %and3A_1389 : i32 to vector<16xi32>
        %and3A_1391 = arith.andi %shift_right_arithmetic3A_1388, %and3A_1390 : vector<16xi32>
        %mul3A_1392 = arith.constant 8 : i32
        %mul3A_1393 = vector.broadcast %mul3A_1392 : i32 to vector<16xi32>
        %mul3A_1394 = arith.muli %mul3A_1393, %and3A_1391 : vector<16xi32>
        %sub3A_1395 = arith.constant 24 : i32
        %sub3A_1396 = vector.broadcast %sub3A_1395 : i32 to vector<16xi32>
        %sub3A_1397 = arith.subi %sub3A_1396, %mul3A_1394 : vector<16xi32>
        %swap3A_1398 = arith.index_cast %sub3A_759 : i32 to index
        %swap3A_1399 = arith.constant 224 : index
        %swap3A_1400 = tpu.vector_load %arg10[%swap3A_1398, %swap3A_1399] {strides = array<i32>} : memref<2x256xi32, #tpu.memory_space<vmem>>, vector<16xi32>,
        tpu.vector_store %arg10[%swap3A_1398, %swap3A_1399], %sub3A_1397 {strides = array<i32>} : memref<2x256xi32, #tpu.memory_space<vmem>>, vector<16xi32>,
        %shift_right_arithmetic3A_1401 = arith.constant 6 : i32
        %shift_right_arithmetic3A_1402 = vector.broadcast %shift_right_arithmetic3A_1401 : i32 to vector<16xi32>
        %shift_right_arithmetic3A_1403 = arith.shrsi %get3A_1372, %shift_right_arithmetic3A_1402 : vector<16xi32>
        %gather3A_1404 = tpu.vector_load_idx %arg12[%shift_right_arithmetic3A_1403] : memref<15632xf32, #tpu.memory_space<vmem>>[vector<16xi32>], vector<16xf32>,
        %mul3A_1405 = arith.constant 0.00787401571 : f32
        %mul3A_1406 = vector.broadcast %mul3A_1405 : f32 to vector<16xf32>
        %mul3A_1407 = arith.mulf %gather3A_1404, %mul3A_1406 : vector<16xf32>
        %swap3A_1408 = arith.index_cast %sub3A_759 : i32 to index
        %swap3A_1409 = arith.constant 224 : index
        %swap3A_1410 = tpu.vector_load %arg9[%swap3A_1408, %swap3A_1409] {strides = array<i32>} : memref<2x256xf32, #tpu.memory_space<vmem>>, vector<16xf32>,
        tpu.vector_store %arg9[%swap3A_1408, %swap3A_1409], %mul3A_1407 {strides = array<i32>} : memref<2x256xf32, #tpu.memory_space<vmem>>, vector<16xf32>,
        %get3A_1411 = arith.index_cast %add3A_795 : i32 to index
        %get3A_1412 = arith.constant 240 : index
        %get3A_1413 = tpu.vector_load %arg6[%get3A_1411, %get3A_1412] {strides = array<i32>} : memref<40x256xi32, #tpu.memory_space<vmem>>, vector<16xi32>,
        %shift_right_arithmetic3A_1414 = arith.constant 6 : i32
        %shift_right_arithmetic3A_1415 = vector.broadcast %shift_right_arithmetic3A_1414 : i32 to vector<16xi32>
        %shift_right_arithmetic3A_1416 = arith.shrsi %get3A_1413, %shift_right_arithmetic3A_1415 : vector<16xi32>
        %shift_left3A_1417 = arith.constant 4 : i32
        %shift_left3A_1418 = vector.broadcast %shift_left3A_1417 : i32 to vector<16xi32>
        %shift_left3A_1419 = arith.shli %shift_right_arithmetic3A_1416, %shift_left3A_1418 : vector<16xi32>
        %and3A_1420 = arith.constant 15 : i32
        %and3A_1421 = vector.broadcast %and3A_1420 : i32 to vector<16xi32>
        %and3A_1422 = arith.andi %get3A_1413, %and3A_1421 : vector<16xi32>
        %or3A_1423 = arith.ori %shift_left3A_1419, %and3A_1422 : vector<16xi32>
        %swap3A_1424 = arith.index_cast %sub3A_759 : i32 to index
        %swap3A_1425 = arith.constant 240 : index
        %swap3A_1426 = tpu.vector_load %arg7[%swap3A_1424, %swap3A_1425] {strides = array<i32>} : memref<2x256xi32, #tpu.memory_space<vmem>>, vector<16xi32>,
        tpu.vector_store %arg7[%swap3A_1424, %swap3A_1425], %or3A_1423 {strides = array<i32>} : memref<2x256xi32, #tpu.memory_space<vmem>>, vector<16xi32>,
        %shift_right_arithmetic3A_1427 = arith.constant 4 : i32
        %shift_right_arithmetic3A_1428 = vector.broadcast %shift_right_arithmetic3A_1427 : i32 to vector<16xi32>
        %shift_right_arithmetic3A_1429 = arith.shrsi %get3A_1413, %shift_right_arithmetic3A_1428 : vector<16xi32>
        %and3A_1430 = arith.constant 3 : i32
        %and3A_1431 = vector.broadcast %and3A_1430 : i32 to vector<16xi32>
        %and3A_1432 = arith.andi %shift_right_arithmetic3A_1429, %and3A_1431 : vector<16xi32>
        %mul3A_1433 = arith.constant 8 : i32
        %mul3A_1434 = vector.broadcast %mul3A_1433 : i32 to vector<16xi32>
        %mul3A_1435 = arith.muli %mul3A_1434, %and3A_1432 : vector<16xi32>
        %sub3A_1436 = arith.constant 24 : i32
        %sub3A_1437 = vector.broadcast %sub3A_1436 : i32 to vector<16xi32>
        %sub3A_1438 = arith.subi %sub3A_1437, %mul3A_1435 : vector<16xi32>
        %swap3A_1439 = arith.index_cast %sub3A_759 : i32 to index
        %swap3A_1440 = arith.constant 240 : index
        %swap3A_1441 = tpu.vector_load %arg10[%swap3A_1439, %swap3A_1440] {strides = array<i32>} : memref<2x256xi32, #tpu.memory_space<vmem>>, vector<16xi32>,
        tpu.vector_store %arg10[%swap3A_1439, %swap3A_1440], %sub3A_1438 {strides = array<i32>} : memref<2x256xi32, #tpu.memory_space<vmem>>, vector<16xi32>,
        %shift_right_arithmetic3A_1442 = arith.constant 6 : i32
        %shift_right_arithmetic3A_1443 = vector.broadcast %shift_right_arithmetic3A_1442 : i32 to vector<16xi32>
        %shift_right_arithmetic3A_1444 = arith.shrsi %get3A_1413, %shift_right_arithmetic3A_1443 : vector<16xi32>
        %gather3A_1445 = tpu.vector_load_idx %arg12[%shift_right_arithmetic3A_1444] : memref<15632xf32, #tpu.memory_space<vmem>>[vector<16xi32>], vector<16xf32>,
        %mul3A_1446 = arith.constant 0.00787401571 : f32
        %mul3A_1447 = vector.broadcast %mul3A_1446 : f32 to vector<16xf32>
        %mul3A_1448 = arith.mulf %gather3A_1445, %mul3A_1447 : vector<16xf32>
        %swap3A_1449 = arith.index_cast %sub3A_759 : i32 to index
        %swap3A_1450 = arith.constant 240 : index
        %swap3A_1451 = tpu.vector_load %arg9[%swap3A_1449, %swap3A_1450] {strides = array<i32>} : memref<2x256xf32, #tpu.memory_space<vmem>>, vector<16xf32>,
        tpu.vector_store %arg9[%swap3A_1449, %swap3A_1450], %mul3A_1448 {strides = array<i32>} : memref<2x256xf32, #tpu.memory_space<vmem>>, vector<16xf32>,
        %dma_start3A_1452 = arith.constant 0 : i32
        %dma_start3A_1453 = arith.constant 0 : i32
        %dma_start3A_1454 = tpu.memref_slice %arg8[%sub3A_759, %dma_start3A_1452, %dma_start3A_1453] : memref<2x256x64xi32, #tpu.memory_space<vmem>> -> memref<1x256x64xi32, #tpu.memory_space<vmem>>
        %dma_start3A_1455 = tpu.memref_squeeze %dma_start3A_1454 : memref<1x256x64xi32, #tpu.memory_space<vmem>> -> memref<256x64xi32, #tpu.memory_space<vmem>>
        %dma_start3A_1456 = arith.constant 0 : i32
        %dma_start3A_1457 = tpu.memref_slice %arg7[%sub3A_759, %dma_start3A_1456] : memref<2x256xi32, #tpu.memory_space<vmem>> -> memref<1x256xi32, #tpu.memory_space<vmem>>
        %dma_start3A_1458 = tpu.memref_squeeze %dma_start3A_1457 : memref<1x256xi32, #tpu.memory_space<vmem>> -> memref<256xi32, #tpu.memory_space<vmem>>
        %dma_start3A_1459 = arith.constant 0 : i32
        %dma_start3A_1460 = arith.constant 0 : i32
        %dma_start3A_1461 = tpu.memref_slice %arg2[%dma_start3A_1459, %dma_start3A_1460] : memref<250000x64xi32, #tpu.memory_space<hbm>> -> memref<250000x64xi32, #tpu.memory_space<hbm>>
        tpu.enqueue_indirect_dma source(%dma_start3A_1461 : memref<250000x64xi32, #tpu.memory_space<hbm>>) target(%dma_start3A_1455 : memref<256x64xi32, #tpu.memory_space<vmem>>) offsets(%dma_start3A_1458 : memref<256xi32, #tpu.memory_space<vmem>>) semaphore(%arg13 : memref<!tpu.dma_semaphore, #tpu.memory_space<semaphore_mem>>)
      } else {
      }
      %dma_wait3A_762 = arith.constant 0 : i32
      %dma_wait3A_763 = arith.constant 0 : i32
      %dma_wait3A_764 = tpu.memref_slice %arg8[%rem3A_757, %dma_wait3A_762, %dma_wait3A_763] : memref<2x256x64xi32, #tpu.memory_space<vmem>> -> memref<1x256x64xi32, #tpu.memory_space<vmem>>
      %dma_wait3A_765 = tpu.memref_squeeze %dma_wait3A_764 : memref<1x256x64xi32, #tpu.memory_space<vmem>> -> memref<256x64xi32, #tpu.memory_space<vmem>>
      %dma_wait3A_766 = arith.constant 0 : i32
      %dma_wait3A_767 = tpu.memref_slice %arg7[%rem3A_757, %dma_wait3A_766] : memref<2x256xi32, #tpu.memory_space<vmem>> -> memref<1x256xi32, #tpu.memory_space<vmem>>
      %dma_wait3A_768 = tpu.memref_squeeze %dma_wait3A_767 : memref<1x256xi32, #tpu.memory_space<vmem>> -> memref<256xi32, #tpu.memory_space<vmem>>
      %dma_wait3A_769 = arith.constant 0 : i32
      %dma_wait3A_770 = arith.constant 0 : i32
      %dma_wait3A_771 = tpu.memref_slice %arg2[%dma_wait3A_769, %dma_wait3A_770] : memref<250000x64xi32, #tpu.memory_space<hbm>> -> memref<250000x64xi32, #tpu.memory_space<hbm>>
      tpu.wait_indirect_dma semaphore(%arg13 : memref<!tpu.dma_semaphore, #tpu.memory_space<semaphore_mem>>) src(%dma_wait3A_771 : memref<250000x64xi32, #tpu.memory_space<hbm>>) dst(%dma_wait3A_765 : memref<256x64xi32, #tpu.memory_space<vmem>>)
      %ge3A = arith.constant 2 : i32
      %ge3A_772 = arith.cmpi sge, %scan3A_756, %ge3A : i32
      %convert_element_type3A_773 = arith.extui %ge3A_772 : i1 to i32
      %cond3A_774 = arith.constant 0 : i32
      %cond3A_775 = arith.cmpi ne, %convert_element_type3A_773, %cond3A_774 : i32
      scf.if %cond3A_775 {
        %sub3A_794 = arith.constant 2 : i32
        %sub3A_795 = arith.subi %scan3A_756, %sub3A_794 : i32
        %dma_wait3A_796 = arith.constant 0 : i32
        %dma_wait3A_797 = tpu.memref_slice %arg11[%rem3A_757, %dma_wait3A_796] : memref<2x16384xf32, #tpu.memory_space<vmem>> -> memref<1x16384xf32, #tpu.memory_space<vmem>>
        %dma_wait3A_798 = tpu.memref_squeeze %dma_wait3A_797 : memref<1x16384xf32, #tpu.memory_space<vmem>> -> memref<16384xf32, #tpu.memory_space<vmem>>
        %dma_wait3A_799 = arith.constant 0 : i32
        %dma_wait3A_800 = tpu.memref_slice %arg5[%add3A, %sub3A_795, %dma_wait3A_799] : memref<32x40x16384xf32, #tpu.memory_space<hbm>> -> memref<1x1x16384xf32, #tpu.memory_space<hbm>>
        %dma_wait3A_801 = tpu.memref_squeeze %dma_wait3A_800 : memref<1x1x16384xf32, #tpu.memory_space<hbm>> -> memref<16384xf32, #tpu.memory_space<hbm>>
        %dma_wait3A_802 = arith.constant 0 : i32
        %dma_wait3A_803 = tpu.memref_slice %arg5[%add3A, %sub3A_795, %dma_wait3A_802] : memref<32x40x16384xf32, #tpu.memory_space<hbm>> -> memref<1x1x16384xf32, #tpu.memory_space<hbm>>
        %dma_wait3A_804 = tpu.memref_squeeze %dma_wait3A_803 : memref<1x1x16384xf32, #tpu.memory_space<hbm>> -> memref<16384xf32, #tpu.memory_space<hbm>>
        %dma_wait3A_805 = arith.constant 0 : i32
        %dma_wait3A_806 = tpu.memref_slice %arg11[%rem3A_757, %dma_wait3A_805] : memref<2x16384xf32, #tpu.memory_space<vmem>> -> memref<1x16384xf32, #tpu.memory_space<vmem>>
        %dma_wait3A_807 = tpu.memref_squeeze %dma_wait3A_806 : memref<1x16384xf32, #tpu.memory_space<vmem>> -> memref<16384xf32, #tpu.memory_space<vmem>>
        tpu.wait_dma2 semaphore(%arg14 : memref<!tpu.dma_semaphore, #tpu.memory_space<semaphore_mem>>) src(%dma_wait3A_807 : memref<16384xf32, #tpu.memory_space<vmem>>) dst(%dma_wait3A_804 : memref<16384xf32, #tpu.memory_space<hbm>>)
      } else {
      }
      %scan3A_776 = arith.constant 0 : i32
      %scan3A_777 = arith.constant 0 : i32
      %scan3A_778 = arith.constant 256 : i32
      %scan3A_779 = arith.addi %scan3A_777, %scan3A_778 : i32
      %scan3A_780 = arith.constant 4 : i32
      scf.for %scan3A_794 = %scan3A_777 to %scan3A_779 step %scan3A_780  : i32 {
        %broadcast_in_dim3A = vector.broadcast %scan3A_794 : i32 to vector<16xi32>
        %gather3A_795 = arith.constant 0 : i32
        %gather3A_796 = tpu.memref_slice %arg9[%rem3A_757, %gather3A_795] : memref<2x256xf32, #tpu.memory_space<vmem>> -> memref<1x256xf32, #tpu.memory_space<vmem>>
        %gather3A_797 = tpu.memref_squeeze %gather3A_796 : memref<1x256xf32, #tpu.memory_space<vmem>> -> memref<256xf32, #tpu.memory_space<vmem>>
        %gather3A_798 = tpu.vector_load_idx %gather3A_797[%broadcast_in_dim3A] : memref<256xf32, #tpu.memory_space<vmem>>[vector<16xi32>], vector<16xf32>,
        %gather3A_799 = arith.constant 0 : i32
        %gather3A_800 = tpu.memref_slice %arg10[%rem3A_757, %gather3A_799] : memref<2x256xi32, #tpu.memory_space<vmem>> -> memref<1x256xi32, #tpu.memory_space<vmem>>
        %gather3A_801 = tpu.memref_squeeze %gather3A_800 : memref<1x256xi32, #tpu.memory_space<vmem>> -> memref<256xi32, #tpu.memory_space<vmem>>
        %gather3A_802 = tpu.vector_load_idx %gather3A_801[%broadcast_in_dim3A] : memref<256xi32, #tpu.memory_space<vmem>>[vector<16xi32>], vector<16xi32>,
        %mul3A_803 = arith.constant 64 : i32
        %mul3A_804 = arith.muli %scan3A_794, %mul3A_803 : i32
        %get3A_805 = arith.index_cast %rem3A_757 : i32 to index
        %get3A_806 = arith.index_cast %scan3A_794 : i32 to index
        %get3A_807 = arith.constant 0 : index
        %get3A_808 = tpu.vector_load %arg8[%get3A_805, %get3A_806, %get3A_807] {strides = array<i32>} : memref<2x256x64xi32, #tpu.memory_space<vmem>>, vector<16xi32>,
        %shift_left3A_809 = arith.shli %get3A_808, %gather3A_802 : vector<16xi32>
        %shift_right_arithmetic3A_810 = arith.constant 24 : i32
        %shift_right_arithmetic3A_811 = vector.broadcast %shift_right_arithmetic3A_810 : i32 to vector<16xi32>
        %shift_right_arithmetic3A_812 = arith.shrsi %shift_left3A_809, %shift_right_arithmetic3A_811 : vector<16xi32>
        %convert_element_type3A_813 = arith.sitofp %shift_right_arithmetic3A_812 : vector<16xi32> to vector<16xf32>
        %mul3A_814 = arith.mulf %convert_element_type3A_813, %gather3A_798 : vector<16xf32>
        %add3A_815 = arith.constant 0 : i32
        %add3A_816 = arith.addi %mul3A_804, %add3A_815 : i32
        %swap3A_817 = arith.index_cast %rem3A_757 : i32 to index
        %swap3A_818 = arith.index_cast %add3A_816 : i32 to index
        %swap3A_819 = tpu.vector_load %arg11[%swap3A_817, %swap3A_818] {strides = array<i32>} : memref<2x16384xf32, #tpu.memory_space<vmem>>, vector<16xf32>,
        tpu.vector_store %arg11[%swap3A_817, %swap3A_818], %mul3A_814 {strides = array<i32>} : memref<2x16384xf32, #tpu.memory_space<vmem>>, vector<16xf32>,
        %get3A_820 = arith.index_cast %rem3A_757 : i32 to index
        %get3A_821 = arith.index_cast %scan3A_794 : i32 to index
        %get3A_822 = arith.constant 16 : index
        %get3A_823 = tpu.vector_load %arg8[%get3A_820, %get3A_821, %get3A_822] {strides = array<i32>} : memref<2x256x64xi32, #tpu.memory_space<vmem>>, vector<16xi32>,
        %shift_left3A_824 = arith.shli %get3A_823, %gather3A_802 : vector<16xi32>
        %shift_right_arithmetic3A_825 = arith.constant 24 : i32
        %shift_right_arithmetic3A_826 = vector.broadcast %shift_right_arithmetic3A_825 : i32 to vector<16xi32>
        %shift_right_arithmetic3A_827 = arith.shrsi %shift_left3A_824, %shift_right_arithmetic3A_826 : vector<16xi32>
        %convert_element_type3A_828 = arith.sitofp %shift_right_arithmetic3A_827 : vector<16xi32> to vector<16xf32>
        %mul3A_829 = arith.mulf %convert_element_type3A_828, %gather3A_798 : vector<16xf32>
        %add3A_830 = arith.constant 16 : i32
        %add3A_831 = arith.addi %mul3A_804, %add3A_830 : i32
        %swap3A_832 = arith.index_cast %rem3A_757 : i32 to index
        %swap3A_833 = arith.index_cast %add3A_831 : i32 to index
        %swap3A_834 = tpu.vector_load %arg11[%swap3A_832, %swap3A_833] {strides = array<i32>} : memref<2x16384xf32, #tpu.memory_space<vmem>>, vector<16xf32>,
        tpu.vector_store %arg11[%swap3A_832, %swap3A_833], %mul3A_829 {strides = array<i32>} : memref<2x16384xf32, #tpu.memory_space<vmem>>, vector<16xf32>,
        %get3A_835 = arith.index_cast %rem3A_757 : i32 to index
        %get3A_836 = arith.index_cast %scan3A_794 : i32 to index
        %get3A_837 = arith.constant 32 : index
        %get3A_838 = tpu.vector_load %arg8[%get3A_835, %get3A_836, %get3A_837] {strides = array<i32>} : memref<2x256x64xi32, #tpu.memory_space<vmem>>, vector<16xi32>,
        %shift_left3A_839 = arith.shli %get3A_838, %gather3A_802 : vector<16xi32>
        %shift_right_arithmetic3A_840 = arith.constant 24 : i32
        %shift_right_arithmetic3A_841 = vector.broadcast %shift_right_arithmetic3A_840 : i32 to vector<16xi32>
        %shift_right_arithmetic3A_842 = arith.shrsi %shift_left3A_839, %shift_right_arithmetic3A_841 : vector<16xi32>
        %convert_element_type3A_843 = arith.sitofp %shift_right_arithmetic3A_842 : vector<16xi32> to vector<16xf32>
        %mul3A_844 = arith.mulf %convert_element_type3A_843, %gather3A_798 : vector<16xf32>
        %add3A_845 = arith.constant 32 : i32
        %add3A_846 = arith.addi %mul3A_804, %add3A_845 : i32
        %swap3A_847 = arith.index_cast %rem3A_757 : i32 to index
        %swap3A_848 = arith.index_cast %add3A_846 : i32 to index
        %swap3A_849 = tpu.vector_load %arg11[%swap3A_847, %swap3A_848] {strides = array<i32>} : memref<2x16384xf32, #tpu.memory_space<vmem>>, vector<16xf32>,
        tpu.vector_store %arg11[%swap3A_847, %swap3A_848], %mul3A_844 {strides = array<i32>} : memref<2x16384xf32, #tpu.memory_space<vmem>>, vector<16xf32>,
        %get3A_850 = arith.index_cast %rem3A_757 : i32 to index
        %get3A_851 = arith.index_cast %scan3A_794 : i32 to index
        %get3A_852 = arith.constant 48 : index
        %get3A_853 = tpu.vector_load %arg8[%get3A_850, %get3A_851, %get3A_852] {strides = array<i32>} : memref<2x256x64xi32, #tpu.memory_space<vmem>>, vector<16xi32>,
        %shift_left3A_854 = arith.shli %get3A_853, %gather3A_802 : vector<16xi32>
        %shift_right_arithmetic3A_855 = arith.constant 24 : i32
        %shift_right_arithmetic3A_856 = vector.broadcast %shift_right_arithmetic3A_855 : i32 to vector<16xi32>
        %shift_right_arithmetic3A_857 = arith.shrsi %shift_left3A_854, %shift_right_arithmetic3A_856 : vector<16xi32>
        %convert_element_type3A_858 = arith.sitofp %shift_right_arithmetic3A_857 : vector<16xi32> to vector<16xf32>
        %mul3A_859 = arith.mulf %convert_element_type3A_858, %gather3A_798 : vector<16xf32>
        %add3A_860 = arith.constant 48 : i32
        %add3A_861 = arith.addi %mul3A_804, %add3A_860 : i32
        %swap3A_862 = arith.index_cast %rem3A_757 : i32 to index
        %swap3A_863 = arith.index_cast %add3A_861 : i32 to index
        %swap3A_864 = tpu.vector_load %arg11[%swap3A_862, %swap3A_863] {strides = array<i32>} : memref<2x16384xf32, #tpu.memory_space<vmem>>, vector<16xf32>,
        tpu.vector_store %arg11[%swap3A_862, %swap3A_863], %mul3A_859 {strides = array<i32>} : memref<2x16384xf32, #tpu.memory_space<vmem>>, vector<16xf32>,
        %scan3A_865 = arith.constant 1 : i32
        %scan3A_866 = arith.addi %scan3A_794, %scan3A_865 : i32
        %broadcast_in_dim3A_867 = vector.broadcast %scan3A_866 : i32 to vector<16xi32>
        %gather3A_868 = arith.constant 0 : i32
        %gather3A_869 = tpu.memref_slice %arg9[%rem3A_757, %gather3A_868] : memref<2x256xf32, #tpu.memory_space<vmem>> -> memref<1x256xf32, #tpu.memory_space<vmem>>
        %gather3A_870 = tpu.memref_squeeze %gather3A_869 : memref<1x256xf32, #tpu.memory_space<vmem>> -> memref<256xf32, #tpu.memory_space<vmem>>
        %gather3A_871 = tpu.vector_load_idx %gather3A_870[%broadcast_in_dim3A_867] : memref<256xf32, #tpu.memory_space<vmem>>[vector<16xi32>], vector<16xf32>,
        %gather3A_872 = arith.constant 0 : i32
        %gather3A_873 = tpu.memref_slice %arg10[%rem3A_757, %gather3A_872] : memref<2x256xi32, #tpu.memory_space<vmem>> -> memref<1x256xi32, #tpu.memory_space<vmem>>
        %gather3A_874 = tpu.memref_squeeze %gather3A_873 : memref<1x256xi32, #tpu.memory_space<vmem>> -> memref<256xi32, #tpu.memory_space<vmem>>
        %gather3A_875 = tpu.vector_load_idx %gather3A_874[%broadcast_in_dim3A_867] : memref<256xi32, #tpu.memory_space<vmem>>[vector<16xi32>], vector<16xi32>,
        %mul3A_876 = arith.constant 64 : i32
        %mul3A_877 = arith.muli %scan3A_866, %mul3A_876 : i32
        %get3A_878 = arith.index_cast %rem3A_757 : i32 to index
        %get3A_879 = arith.index_cast %scan3A_866 : i32 to index
        %get3A_880 = arith.constant 0 : index
        %get3A_881 = tpu.vector_load %arg8[%get3A_878, %get3A_879, %get3A_880] {strides = array<i32>} : memref<2x256x64xi32, #tpu.memory_space<vmem>>, vector<16xi32>,
        %shift_left3A_882 = arith.shli %get3A_881, %gather3A_875 : vector<16xi32>
        %shift_right_arithmetic3A_883 = arith.constant 24 : i32
        %shift_right_arithmetic3A_884 = vector.broadcast %shift_right_arithmetic3A_883 : i32 to vector<16xi32>
        %shift_right_arithmetic3A_885 = arith.shrsi %shift_left3A_882, %shift_right_arithmetic3A_884 : vector<16xi32>
        %convert_element_type3A_886 = arith.sitofp %shift_right_arithmetic3A_885 : vector<16xi32> to vector<16xf32>
        %mul3A_887 = arith.mulf %convert_element_type3A_886, %gather3A_871 : vector<16xf32>
        %add3A_888 = arith.constant 0 : i32
        %add3A_889 = arith.addi %mul3A_877, %add3A_888 : i32
        %swap3A_890 = arith.index_cast %rem3A_757 : i32 to index
        %swap3A_891 = arith.index_cast %add3A_889 : i32 to index
        %swap3A_892 = tpu.vector_load %arg11[%swap3A_890, %swap3A_891] {strides = array<i32>} : memref<2x16384xf32, #tpu.memory_space<vmem>>, vector<16xf32>,
        tpu.vector_store %arg11[%swap3A_890, %swap3A_891], %mul3A_887 {strides = array<i32>} : memref<2x16384xf32, #tpu.memory_space<vmem>>, vector<16xf32>,
        %get3A_893 = arith.index_cast %rem3A_757 : i32 to index
        %get3A_894 = arith.index_cast %scan3A_866 : i32 to index
        %get3A_895 = arith.constant 16 : index
        %get3A_896 = tpu.vector_load %arg8[%get3A_893, %get3A_894, %get3A_895] {strides = array<i32>} : memref<2x256x64xi32, #tpu.memory_space<vmem>>, vector<16xi32>,
        %shift_left3A_897 = arith.shli %get3A_896, %gather3A_875 : vector<16xi32>
        %shift_right_arithmetic3A_898 = arith.constant 24 : i32
        %shift_right_arithmetic3A_899 = vector.broadcast %shift_right_arithmetic3A_898 : i32 to vector<16xi32>
        %shift_right_arithmetic3A_900 = arith.shrsi %shift_left3A_897, %shift_right_arithmetic3A_899 : vector<16xi32>
        %convert_element_type3A_901 = arith.sitofp %shift_right_arithmetic3A_900 : vector<16xi32> to vector<16xf32>
        %mul3A_902 = arith.mulf %convert_element_type3A_901, %gather3A_871 : vector<16xf32>
        %add3A_903 = arith.constant 16 : i32
        %add3A_904 = arith.addi %mul3A_877, %add3A_903 : i32
        %swap3A_905 = arith.index_cast %rem3A_757 : i32 to index
        %swap3A_906 = arith.index_cast %add3A_904 : i32 to index
        %swap3A_907 = tpu.vector_load %arg11[%swap3A_905, %swap3A_906] {strides = array<i32>} : memref<2x16384xf32, #tpu.memory_space<vmem>>, vector<16xf32>,
        tpu.vector_store %arg11[%swap3A_905, %swap3A_906], %mul3A_902 {strides = array<i32>} : memref<2x16384xf32, #tpu.memory_space<vmem>>, vector<16xf32>,
        %get3A_908 = arith.index_cast %rem3A_757 : i32 to index
        %get3A_909 = arith.index_cast %scan3A_866 : i32 to index
        %get3A_910 = arith.constant 32 : index
        %get3A_911 = tpu.vector_load %arg8[%get3A_908, %get3A_909, %get3A_910] {strides = array<i32>} : memref<2x256x64xi32, #tpu.memory_space<vmem>>, vector<16xi32>,
        %shift_left3A_912 = arith.shli %get3A_911, %gather3A_875 : vector<16xi32>
        %shift_right_arithmetic3A_913 = arith.constant 24 : i32
        %shift_right_arithmetic3A_914 = vector.broadcast %shift_right_arithmetic3A_913 : i32 to vector<16xi32>
        %shift_right_arithmetic3A_915 = arith.shrsi %shift_left3A_912, %shift_right_arithmetic3A_914 : vector<16xi32>
        %convert_element_type3A_916 = arith.sitofp %shift_right_arithmetic3A_915 : vector<16xi32> to vector<16xf32>
        %mul3A_917 = arith.mulf %convert_element_type3A_916, %gather3A_871 : vector<16xf32>
        %add3A_918 = arith.constant 32 : i32
        %add3A_919 = arith.addi %mul3A_877, %add3A_918 : i32
        %swap3A_920 = arith.index_cast %rem3A_757 : i32 to index
        %swap3A_921 = arith.index_cast %add3A_919 : i32 to index
        %swap3A_922 = tpu.vector_load %arg11[%swap3A_920, %swap3A_921] {strides = array<i32>} : memref<2x16384xf32, #tpu.memory_space<vmem>>, vector<16xf32>,
        tpu.vector_store %arg11[%swap3A_920, %swap3A_921], %mul3A_917 {strides = array<i32>} : memref<2x16384xf32, #tpu.memory_space<vmem>>, vector<16xf32>,
        %get3A_923 = arith.index_cast %rem3A_757 : i32 to index
        %get3A_924 = arith.index_cast %scan3A_866 : i32 to index
        %get3A_925 = arith.constant 48 : index
        %get3A_926 = tpu.vector_load %arg8[%get3A_923, %get3A_924, %get3A_925] {strides = array<i32>} : memref<2x256x64xi32, #tpu.memory_space<vmem>>, vector<16xi32>,
        %shift_left3A_927 = arith.shli %get3A_926, %gather3A_875 : vector<16xi32>
        %shift_right_arithmetic3A_928 = arith.constant 24 : i32
        %shift_right_arithmetic3A_929 = vector.broadcast %shift_right_arithmetic3A_928 : i32 to vector<16xi32>
        %shift_right_arithmetic3A_930 = arith.shrsi %shift_left3A_927, %shift_right_arithmetic3A_929 : vector<16xi32>
        %convert_element_type3A_931 = arith.sitofp %shift_right_arithmetic3A_930 : vector<16xi32> to vector<16xf32>
        %mul3A_932 = arith.mulf %convert_element_type3A_931, %gather3A_871 : vector<16xf32>
        %add3A_933 = arith.constant 48 : i32
        %add3A_934 = arith.addi %mul3A_877, %add3A_933 : i32
        %swap3A_935 = arith.index_cast %rem3A_757 : i32 to index
        %swap3A_936 = arith.index_cast %add3A_934 : i32 to index
        %swap3A_937 = tpu.vector_load %arg11[%swap3A_935, %swap3A_936] {strides = array<i32>} : memref<2x16384xf32, #tpu.memory_space<vmem>>, vector<16xf32>,
        tpu.vector_store %arg11[%swap3A_935, %swap3A_936], %mul3A_932 {strides = array<i32>} : memref<2x16384xf32, #tpu.memory_space<vmem>>, vector<16xf32>,
        %scan3A_938 = arith.constant 2 : i32
        %scan3A_939 = arith.addi %scan3A_794, %scan3A_938 : i32
        %broadcast_in_dim3A_940 = vector.broadcast %scan3A_939 : i32 to vector<16xi32>
        %gather3A_941 = arith.constant 0 : i32
        %gather3A_942 = tpu.memref_slice %arg9[%rem3A_757, %gather3A_941] : memref<2x256xf32, #tpu.memory_space<vmem>> -> memref<1x256xf32, #tpu.memory_space<vmem>>
        %gather3A_943 = tpu.memref_squeeze %gather3A_942 : memref<1x256xf32, #tpu.memory_space<vmem>> -> memref<256xf32, #tpu.memory_space<vmem>>
        %gather3A_944 = tpu.vector_load_idx %gather3A_943[%broadcast_in_dim3A_940] : memref<256xf32, #tpu.memory_space<vmem>>[vector<16xi32>], vector<16xf32>,
        %gather3A_945 = arith.constant 0 : i32
        %gather3A_946 = tpu.memref_slice %arg10[%rem3A_757, %gather3A_945] : memref<2x256xi32, #tpu.memory_space<vmem>> -> memref<1x256xi32, #tpu.memory_space<vmem>>
        %gather3A_947 = tpu.memref_squeeze %gather3A_946 : memref<1x256xi32, #tpu.memory_space<vmem>> -> memref<256xi32, #tpu.memory_space<vmem>>
        %gather3A_948 = tpu.vector_load_idx %gather3A_947[%broadcast_in_dim3A_940] : memref<256xi32, #tpu.memory_space<vmem>>[vector<16xi32>], vector<16xi32>,
        %mul3A_949 = arith.constant 64 : i32
        %mul3A_950 = arith.muli %scan3A_939, %mul3A_949 : i32
        %get3A_951 = arith.index_cast %rem3A_757 : i32 to index
        %get3A_952 = arith.index_cast %scan3A_939 : i32 to index
        %get3A_953 = arith.constant 0 : index
        %get3A_954 = tpu.vector_load %arg8[%get3A_951, %get3A_952, %get3A_953] {strides = array<i32>} : memref<2x256x64xi32, #tpu.memory_space<vmem>>, vector<16xi32>,
        %shift_left3A_955 = arith.shli %get3A_954, %gather3A_948 : vector<16xi32>
        %shift_right_arithmetic3A_956 = arith.constant 24 : i32
        %shift_right_arithmetic3A_957 = vector.broadcast %shift_right_arithmetic3A_956 : i32 to vector<16xi32>
        %shift_right_arithmetic3A_958 = arith.shrsi %shift_left3A_955, %shift_right_arithmetic3A_957 : vector<16xi32>
        %convert_element_type3A_959 = arith.sitofp %shift_right_arithmetic3A_958 : vector<16xi32> to vector<16xf32>
        %mul3A_960 = arith.mulf %convert_element_type3A_959, %gather3A_944 : vector<16xf32>
        %add3A_961 = arith.constant 0 : i32
        %add3A_962 = arith.addi %mul3A_950, %add3A_961 : i32
        %swap3A_963 = arith.index_cast %rem3A_757 : i32 to index
        %swap3A_964 = arith.index_cast %add3A_962 : i32 to index
        %swap3A_965 = tpu.vector_load %arg11[%swap3A_963, %swap3A_964] {strides = array<i32>} : memref<2x16384xf32, #tpu.memory_space<vmem>>, vector<16xf32>,
        tpu.vector_store %arg11[%swap3A_963, %swap3A_964], %mul3A_960 {strides = array<i32>} : memref<2x16384xf32, #tpu.memory_space<vmem>>, vector<16xf32>,
        %get3A_966 = arith.index_cast %rem3A_757 : i32 to index
        %get3A_967 = arith.index_cast %scan3A_939 : i32 to index
        %get3A_968 = arith.constant 16 : index
        %get3A_969 = tpu.vector_load %arg8[%get3A_966, %get3A_967, %get3A_968] {strides = array<i32>} : memref<2x256x64xi32, #tpu.memory_space<vmem>>, vector<16xi32>,
        %shift_left3A_970 = arith.shli %get3A_969, %gather3A_948 : vector<16xi32>
        %shift_right_arithmetic3A_971 = arith.constant 24 : i32
        %shift_right_arithmetic3A_972 = vector.broadcast %shift_right_arithmetic3A_971 : i32 to vector<16xi32>
        %shift_right_arithmetic3A_973 = arith.shrsi %shift_left3A_970, %shift_right_arithmetic3A_972 : vector<16xi32>
        %convert_element_type3A_974 = arith.sitofp %shift_right_arithmetic3A_973 : vector<16xi32> to vector<16xf32>
        %mul3A_975 = arith.mulf %convert_element_type3A_974, %gather3A_944 : vector<16xf32>
        %add3A_976 = arith.constant 16 : i32
        %add3A_977 = arith.addi %mul3A_950, %add3A_976 : i32
        %swap3A_978 = arith.index_cast %rem3A_757 : i32 to index
        %swap3A_979 = arith.index_cast %add3A_977 : i32 to index
        %swap3A_980 = tpu.vector_load %arg11[%swap3A_978, %swap3A_979] {strides = array<i32>} : memref<2x16384xf32, #tpu.memory_space<vmem>>, vector<16xf32>,
        tpu.vector_store %arg11[%swap3A_978, %swap3A_979], %mul3A_975 {strides = array<i32>} : memref<2x16384xf32, #tpu.memory_space<vmem>>, vector<16xf32>,
        %get3A_981 = arith.index_cast %rem3A_757 : i32 to index
        %get3A_982 = arith.index_cast %scan3A_939 : i32 to index
        %get3A_983 = arith.constant 32 : index
        %get3A_984 = tpu.vector_load %arg8[%get3A_981, %get3A_982, %get3A_983] {strides = array<i32>} : memref<2x256x64xi32, #tpu.memory_space<vmem>>, vector<16xi32>,
        %shift_left3A_985 = arith.shli %get3A_984, %gather3A_948 : vector<16xi32>
        %shift_right_arithmetic3A_986 = arith.constant 24 : i32
        %shift_right_arithmetic3A_987 = vector.broadcast %shift_right_arithmetic3A_986 : i32 to vector<16xi32>
        %shift_right_arithmetic3A_988 = arith.shrsi %shift_left3A_985, %shift_right_arithmetic3A_987 : vector<16xi32>
        %convert_element_type3A_989 = arith.sitofp %shift_right_arithmetic3A_988 : vector<16xi32> to vector<16xf32>
        %mul3A_990 = arith.mulf %convert_element_type3A_989, %gather3A_944 : vector<16xf32>
        %add3A_991 = arith.constant 32 : i32
        %add3A_992 = arith.addi %mul3A_950, %add3A_991 : i32
        %swap3A_993 = arith.index_cast %rem3A_757 : i32 to index
        %swap3A_994 = arith.index_cast %add3A_992 : i32 to index
        %swap3A_995 = tpu.vector_load %arg11[%swap3A_993, %swap3A_994] {strides = array<i32>} : memref<2x16384xf32, #tpu.memory_space<vmem>>, vector<16xf32>,
        tpu.vector_store %arg11[%swap3A_993, %swap3A_994], %mul3A_990 {strides = array<i32>} : memref<2x16384xf32, #tpu.memory_space<vmem>>, vector<16xf32>,
        %get3A_996 = arith.index_cast %rem3A_757 : i32 to index
        %get3A_997 = arith.index_cast %scan3A_939 : i32 to index
        %get3A_998 = arith.constant 48 : index
        %get3A_999 = tpu.vector_load %arg8[%get3A_996, %get3A_997, %get3A_998] {strides = array<i32>} : memref<2x256x64xi32, #tpu.memory_space<vmem>>, vector<16xi32>,
        %shift_left3A_1000 = arith.shli %get3A_999, %gather3A_948 : vector<16xi32>
        %shift_right_arithmetic3A_1001 = arith.constant 24 : i32
        %shift_right_arithmetic3A_1002 = vector.broadcast %shift_right_arithmetic3A_1001 : i32 to vector<16xi32>
        %shift_right_arithmetic3A_1003 = arith.shrsi %shift_left3A_1000, %shift_right_arithmetic3A_1002 : vector<16xi32>
        %convert_element_type3A_1004 = arith.sitofp %shift_right_arithmetic3A_1003 : vector<16xi32> to vector<16xf32>
        %mul3A_1005 = arith.mulf %convert_element_type3A_1004, %gather3A_944 : vector<16xf32>
        %add3A_1006 = arith.constant 48 : i32
        %add3A_1007 = arith.addi %mul3A_950, %add3A_1006 : i32
        %swap3A_1008 = arith.index_cast %rem3A_757 : i32 to index
        %swap3A_1009 = arith.index_cast %add3A_1007 : i32 to index
        %swap3A_1010 = tpu.vector_load %arg11[%swap3A_1008, %swap3A_1009] {strides = array<i32>} : memref<2x16384xf32, #tpu.memory_space<vmem>>, vector<16xf32>,
        tpu.vector_store %arg11[%swap3A_1008, %swap3A_1009], %mul3A_1005 {strides = array<i32>} : memref<2x16384xf32, #tpu.memory_space<vmem>>, vector<16xf32>,
        %scan3A_1011 = arith.constant 3 : i32
        %scan3A_1012 = arith.addi %scan3A_794, %scan3A_1011 : i32
        %broadcast_in_dim3A_1013 = vector.broadcast %scan3A_1012 : i32 to vector<16xi32>
        %gather3A_1014 = arith.constant 0 : i32
        %gather3A_1015 = tpu.memref_slice %arg9[%rem3A_757, %gather3A_1014] : memref<2x256xf32, #tpu.memory_space<vmem>> -> memref<1x256xf32, #tpu.memory_space<vmem>>
        %gather3A_1016 = tpu.memref_squeeze %gather3A_1015 : memref<1x256xf32, #tpu.memory_space<vmem>> -> memref<256xf32, #tpu.memory_space<vmem>>
        %gather3A_1017 = tpu.vector_load_idx %gather3A_1016[%broadcast_in_dim3A_1013] : memref<256xf32, #tpu.memory_space<vmem>>[vector<16xi32>], vector<16xf32>,
        %gather3A_1018 = arith.constant 0 : i32
        %gather3A_1019 = tpu.memref_slice %arg10[%rem3A_757, %gather3A_1018] : memref<2x256xi32, #tpu.memory_space<vmem>> -> memref<1x256xi32, #tpu.memory_space<vmem>>
        %gather3A_1020 = tpu.memref_squeeze %gather3A_1019 : memref<1x256xi32, #tpu.memory_space<vmem>> -> memref<256xi32, #tpu.memory_space<vmem>>
        %gather3A_1021 = tpu.vector_load_idx %gather3A_1020[%broadcast_in_dim3A_1013] : memref<256xi32, #tpu.memory_space<vmem>>[vector<16xi32>], vector<16xi32>,
        %mul3A_1022 = arith.constant 64 : i32
        %mul3A_1023 = arith.muli %scan3A_1012, %mul3A_1022 : i32
        %get3A_1024 = arith.index_cast %rem3A_757 : i32 to index
        %get3A_1025 = arith.index_cast %scan3A_1012 : i32 to index
        %get3A_1026 = arith.constant 0 : index
        %get3A_1027 = tpu.vector_load %arg8[%get3A_1024, %get3A_1025, %get3A_1026] {strides = array<i32>} : memref<2x256x64xi32, #tpu.memory_space<vmem>>, vector<16xi32>,
        %shift_left3A_1028 = arith.shli %get3A_1027, %gather3A_1021 : vector<16xi32>
        %shift_right_arithmetic3A_1029 = arith.constant 24 : i32
        %shift_right_arithmetic3A_1030 = vector.broadcast %shift_right_arithmetic3A_1029 : i32 to vector<16xi32>
        %shift_right_arithmetic3A_1031 = arith.shrsi %shift_left3A_1028, %shift_right_arithmetic3A_1030 : vector<16xi32>
        %convert_element_type3A_1032 = arith.sitofp %shift_right_arithmetic3A_1031 : vector<16xi32> to vector<16xf32>
        %mul3A_1033 = arith.mulf %convert_element_type3A_1032, %gather3A_1017 : vector<16xf32>
        %add3A_1034 = arith.constant 0 : i32
        %add3A_1035 = arith.addi %mul3A_1023, %add3A_1034 : i32
        %swap3A_1036 = arith.index_cast %rem3A_757 : i32 to index
        %swap3A_1037 = arith.index_cast %add3A_1035 : i32 to index
        %swap3A_1038 = tpu.vector_load %arg11[%swap3A_1036, %swap3A_1037] {strides = array<i32>} : memref<2x16384xf32, #tpu.memory_space<vmem>>, vector<16xf32>,
        tpu.vector_store %arg11[%swap3A_1036, %swap3A_1037], %mul3A_1033 {strides = array<i32>} : memref<2x16384xf32, #tpu.memory_space<vmem>>, vector<16xf32>,
        %get3A_1039 = arith.index_cast %rem3A_757 : i32 to index
        %get3A_1040 = arith.index_cast %scan3A_1012 : i32 to index
        %get3A_1041 = arith.constant 16 : index
        %get3A_1042 = tpu.vector_load %arg8[%get3A_1039, %get3A_1040, %get3A_1041] {strides = array<i32>} : memref<2x256x64xi32, #tpu.memory_space<vmem>>, vector<16xi32>,
        %shift_left3A_1043 = arith.shli %get3A_1042, %gather3A_1021 : vector<16xi32>
        %shift_right_arithmetic3A_1044 = arith.constant 24 : i32
        %shift_right_arithmetic3A_1045 = vector.broadcast %shift_right_arithmetic3A_1044 : i32 to vector<16xi32>
        %shift_right_arithmetic3A_1046 = arith.shrsi %shift_left3A_1043, %shift_right_arithmetic3A_1045 : vector<16xi32>
        %convert_element_type3A_1047 = arith.sitofp %shift_right_arithmetic3A_1046 : vector<16xi32> to vector<16xf32>
        %mul3A_1048 = arith.mulf %convert_element_type3A_1047, %gather3A_1017 : vector<16xf32>
        %add3A_1049 = arith.constant 16 : i32
        %add3A_1050 = arith.addi %mul3A_1023, %add3A_1049 : i32
        %swap3A_1051 = arith.index_cast %rem3A_757 : i32 to index
        %swap3A_1052 = arith.index_cast %add3A_1050 : i32 to index
        %swap3A_1053 = tpu.vector_load %arg11[%swap3A_1051, %swap3A_1052] {strides = array<i32>} : memref<2x16384xf32, #tpu.memory_space<vmem>>, vector<16xf32>,
        tpu.vector_store %arg11[%swap3A_1051, %swap3A_1052], %mul3A_1048 {strides = array<i32>} : memref<2x16384xf32, #tpu.memory_space<vmem>>, vector<16xf32>,
        %get3A_1054 = arith.index_cast %rem3A_757 : i32 to index
        %get3A_1055 = arith.index_cast %scan3A_1012 : i32 to index
        %get3A_1056 = arith.constant 32 : index
        %get3A_1057 = tpu.vector_load %arg8[%get3A_1054, %get3A_1055, %get3A_1056] {strides = array<i32>} : memref<2x256x64xi32, #tpu.memory_space<vmem>>, vector<16xi32>,
        %shift_left3A_1058 = arith.shli %get3A_1057, %gather3A_1021 : vector<16xi32>
        %shift_right_arithmetic3A_1059 = arith.constant 24 : i32
        %shift_right_arithmetic3A_1060 = vector.broadcast %shift_right_arithmetic3A_1059 : i32 to vector<16xi32>
        %shift_right_arithmetic3A_1061 = arith.shrsi %shift_left3A_1058, %shift_right_arithmetic3A_1060 : vector<16xi32>
        %convert_element_type3A_1062 = arith.sitofp %shift_right_arithmetic3A_1061 : vector<16xi32> to vector<16xf32>
        %mul3A_1063 = arith.mulf %convert_element_type3A_1062, %gather3A_1017 : vector<16xf32>
        %add3A_1064 = arith.constant 32 : i32
        %add3A_1065 = arith.addi %mul3A_1023, %add3A_1064 : i32
        %swap3A_1066 = arith.index_cast %rem3A_757 : i32 to index
        %swap3A_1067 = arith.index_cast %add3A_1065 : i32 to index
        %swap3A_1068 = tpu.vector_load %arg11[%swap3A_1066, %swap3A_1067] {strides = array<i32>} : memref<2x16384xf32, #tpu.memory_space<vmem>>, vector<16xf32>,
        tpu.vector_store %arg11[%swap3A_1066, %swap3A_1067], %mul3A_1063 {strides = array<i32>} : memref<2x16384xf32, #tpu.memory_space<vmem>>, vector<16xf32>,
        %get3A_1069 = arith.index_cast %rem3A_757 : i32 to index
        %get3A_1070 = arith.index_cast %scan3A_1012 : i32 to index
        %get3A_1071 = arith.constant 48 : index
        %get3A_1072 = tpu.vector_load %arg8[%get3A_1069, %get3A_1070, %get3A_1071] {strides = array<i32>} : memref<2x256x64xi32, #tpu.memory_space<vmem>>, vector<16xi32>,
        %shift_left3A_1073 = arith.shli %get3A_1072, %gather3A_1021 : vector<16xi32>
        %shift_right_arithmetic3A_1074 = arith.constant 24 : i32
        %shift_right_arithmetic3A_1075 = vector.broadcast %shift_right_arithmetic3A_1074 : i32 to vector<16xi32>
        %shift_right_arithmetic3A_1076 = arith.shrsi %shift_left3A_1073, %shift_right_arithmetic3A_1075 : vector<16xi32>
        %convert_element_type3A_1077 = arith.sitofp %shift_right_arithmetic3A_1076 : vector<16xi32> to vector<16xf32>
        %mul3A_1078 = arith.mulf %convert_element_type3A_1077, %gather3A_1017 : vector<16xf32>
        %add3A_1079 = arith.constant 48 : i32
        %add3A_1080 = arith.addi %mul3A_1023, %add3A_1079 : i32
        %swap3A_1081 = arith.index_cast %rem3A_757 : i32 to index
        %swap3A_1082 = arith.index_cast %add3A_1080 : i32 to index
        %swap3A_1083 = tpu.vector_load %arg11[%swap3A_1081, %swap3A_1082] {strides = array<i32>} : memref<2x16384xf32, #tpu.memory_space<vmem>>, vector<16xf32>,
        tpu.vector_store %arg11[%swap3A_1081, %swap3A_1082], %mul3A_1078 {strides = array<i32>} : memref<2x16384xf32, #tpu.memory_space<vmem>>, vector<16xf32>,
      }
      %scan3A_781 = arith.constant 256 : i32
      %dma_start3A_782 = arith.constant 0 : i32
      %dma_start3A_783 = tpu.memref_slice %arg11[%rem3A_757, %dma_start3A_782] : memref<2x16384xf32, #tpu.memory_space<vmem>> -> memref<1x16384xf32, #tpu.memory_space<vmem>>
      %dma_start3A_784 = tpu.memref_squeeze %dma_start3A_783 : memref<1x16384xf32, #tpu.memory_space<vmem>> -> memref<16384xf32, #tpu.memory_space<vmem>>
      %dma_start3A_785 = arith.constant 0 : i32
      %dma_start3A_786 = tpu.memref_slice %arg5[%add3A, %scan3A_756, %dma_start3A_785] : memref<32x40x16384xf32, #tpu.memory_space<hbm>> -> memref<1x1x16384xf32, #tpu.memory_space<hbm>>
      %dma_start3A_787 = tpu.memref_squeeze %dma_start3A_786 : memref<1x1x16384xf32, #tpu.memory_space<hbm>> -> memref<16384xf32, #tpu.memory_space<hbm>>
      %dma_start3A_788 = arith.constant 0 : i32
      %dma_start3A_789 = tpu.memref_slice %arg5[%add3A, %scan3A_756, %dma_start3A_788] : memref<32x40x16384xf32, #tpu.memory_space<hbm>> -> memref<1x1x16384xf32, #tpu.memory_space<hbm>>
      %dma_start3A_790 = tpu.memref_squeeze %dma_start3A_789 : memref<1x1x16384xf32, #tpu.memory_space<hbm>> -> memref<16384xf32, #tpu.memory_space<hbm>>
      %dma_start3A_791 = arith.constant 0 : i32
      %dma_start3A_792 = tpu.memref_slice %arg11[%rem3A_757, %dma_start3A_791] : memref<2x16384xf32, #tpu.memory_space<vmem>> -> memref<1x16384xf32, #tpu.memory_space<vmem>>
      %dma_start3A_793 = tpu.memref_squeeze %dma_start3A_792 : memref<1x16384xf32, #tpu.memory_space<vmem>> -> memref<16384xf32, #tpu.memory_space<vmem>>
      tpu.enqueue_dma source(%dma_start3A_793 : memref<16384xf32, #tpu.memory_space<vmem>>) target(%dma_start3A_790 : memref<16384xf32, #tpu.memory_space<hbm>>) target_semaphore(%arg14 : memref<!tpu.dma_semaphore, #tpu.memory_space<semaphore_mem>>)
    }
    %scan3A_728 = arith.constant 40 : i32
    %dma_wait3A = arith.constant 0 : i32
    %dma_wait3A_729 = arith.constant 0 : i32
    %dma_wait3A_730 = arith.constant 0 : i32
    %dma_wait3A_731 = tpu.memref_slice %arg11[%dma_wait3A, %dma_wait3A_730] : memref<2x16384xf32, #tpu.memory_space<vmem>> -> memref<1x16384xf32, #tpu.memory_space<vmem>>
    %dma_wait3A_732 = tpu.memref_squeeze %dma_wait3A_731 : memref<1x16384xf32, #tpu.memory_space<vmem>> -> memref<16384xf32, #tpu.memory_space<vmem>>
    %dma_wait3A_733 = arith.constant 0 : i32
    %dma_wait3A_734 = tpu.memref_slice %arg5[%add3A, %dma_wait3A_729, %dma_wait3A_733] : memref<32x40x16384xf32, #tpu.memory_space<hbm>> -> memref<1x1x16384xf32, #tpu.memory_space<hbm>>
    %dma_wait3A_735 = tpu.memref_squeeze %dma_wait3A_734 : memref<1x1x16384xf32, #tpu.memory_space<hbm>> -> memref<16384xf32, #tpu.memory_space<hbm>>
    %dma_wait3A_736 = arith.constant 0 : i32
    %dma_wait3A_737 = tpu.memref_slice %arg5[%add3A, %dma_wait3A_729, %dma_wait3A_736] : memref<32x40x16384xf32, #tpu.memory_space<hbm>> -> memref<1x1x16384xf32, #tpu.memory_space<hbm>>
    %dma_wait3A_738 = tpu.memref_squeeze %dma_wait3A_737 : memref<1x1x16384xf32, #tpu.memory_space<hbm>> -> memref<16384xf32, #tpu.memory_space<hbm>>
    %dma_wait3A_739 = arith.constant 0 : i32
    %dma_wait3A_740 = tpu.memref_slice %arg11[%dma_wait3A, %dma_wait3A_739] : memref<2x16384xf32, #tpu.memory_space<vmem>> -> memref<1x16384xf32, #tpu.memory_space<vmem>>
    %dma_wait3A_741 = tpu.memref_squeeze %dma_wait3A_740 : memref<1x16384xf32, #tpu.memory_space<vmem>> -> memref<16384xf32, #tpu.memory_space<vmem>>
    tpu.wait_dma2 semaphore(%arg14 : memref<!tpu.dma_semaphore, #tpu.memory_space<semaphore_mem>>) src(%dma_wait3A_741 : memref<16384xf32, #tpu.memory_space<vmem>>) dst(%dma_wait3A_738 : memref<16384xf32, #tpu.memory_space<hbm>>)
    %dma_wait3A_742 = arith.constant 1 : i32
    %dma_wait3A_743 = arith.constant 0 : i32
    %dma_wait3A_744 = arith.constant 0 : i32
    %dma_wait3A_745 = tpu.memref_slice %arg11[%dma_wait3A_742, %dma_wait3A_744] : memref<2x16384xf32, #tpu.memory_space<vmem>> -> memref<1x16384xf32, #tpu.memory_space<vmem>>
    %dma_wait3A_746 = tpu.memref_squeeze %dma_wait3A_745 : memref<1x16384xf32, #tpu.memory_space<vmem>> -> memref<16384xf32, #tpu.memory_space<vmem>>
    %dma_wait3A_747 = arith.constant 0 : i32
    %dma_wait3A_748 = tpu.memref_slice %arg5[%add3A, %dma_wait3A_743, %dma_wait3A_747] : memref<32x40x16384xf32, #tpu.memory_space<hbm>> -> memref<1x1x16384xf32, #tpu.memory_space<hbm>>
    %dma_wait3A_749 = tpu.memref_squeeze %dma_wait3A_748 : memref<1x1x16384xf32, #tpu.memory_space<hbm>> -> memref<16384xf32, #tpu.memory_space<hbm>>
    %dma_wait3A_750 = arith.constant 0 : i32
    %dma_wait3A_751 = tpu.memref_slice %arg5[%add3A, %dma_wait3A_743, %dma_wait3A_750] : memref<32x40x16384xf32, #tpu.memory_space<hbm>> -> memref<1x1x16384xf32, #tpu.memory_space<hbm>>
    %dma_wait3A_752 = tpu.memref_squeeze %dma_wait3A_751 : memref<1x1x16384xf32, #tpu.memory_space<hbm>> -> memref<16384xf32, #tpu.memory_space<hbm>>
    %dma_wait3A_753 = arith.constant 0 : i32
    %dma_wait3A_754 = tpu.memref_slice %arg11[%dma_wait3A_742, %dma_wait3A_753] : memref<2x16384xf32, #tpu.memory_space<vmem>> -> memref<1x16384xf32, #tpu.memory_space<vmem>>
    %dma_wait3A_755 = tpu.memref_squeeze %dma_wait3A_754 : memref<1x16384xf32, #tpu.memory_space<vmem>> -> memref<16384xf32, #tpu.memory_space<vmem>>
    tpu.wait_dma2 semaphore(%arg14 : memref<!tpu.dma_semaphore, #tpu.memory_space<semaphore_mem>>) src(%dma_wait3A_755 : memref<16384xf32, #tpu.memory_space<vmem>>) dst(%dma_wait3A_752 : memref<16384xf32, #tpu.memory_space<hbm>>)
    return
  }
}

</mosaic_0001>

<sc_bundles>
// kernel: kernel.3.cloned.1.call-start
scs
__scs_entry_jumppad:
0x0: {  	(pc) =	sbr.rel $0x88, $3  }
0x1: {  	(tag) =	ssettag $0x0;
	lr =	simm.s32 $0x1  }
0x2: {  	[smem:$0x3F9E] =	sst lr;
	_ =	strace $0xD0000000  }
0x3: {  	_ = 	snop  }
0x4: {  	_ = 	snop  }
0x5: {  	_ = 	snop  }
0x6: {  	_ = 	snop  }
0x7: {  	_ = 	snop  }
__scs_overlays_trampoline_lowered:
0x8: {  	[smem:$0x3FAD] =	sst s0  }
0x9: {  	[smem:$0x3FAE] =	sst s1  }
0xa: {  	[smem:$0x3FAF] =	sst s2  }
0xb: {  	[smem:$0x3FB0] =	sst s3  }
0xc: {  	[smem:$0x3FB1] =	sst s4  }
0xd: {  	[smem:$0x3FB2] =	sst s5  }
0xe: {  	[smem:$0x3FB3] =	sst s6  }
0xf: {  	[smem:$0x3FB4] =	sst s7  }
0x10: {  	[smem:$0x3FB5] =	sst s8  }
0x11: {  	[smem:$0x3FB6] =	sst s9;
	s0 =	simm.s32 @!p0 $0x0  }
0x12: {  	s1 =	sld [smem:$0x3F9C];
	s0 =	simm.s32 @p0 $0x1  }
0x13: {  	[smem:$0x3FB7] =	sst s0;
	s0 =	simm.s32 @!p1 $0x0  }
0x14: {  	s2 =	sld [smem:$0x3F9B];
	s0 =	simm.s32 @p1 $0x1  }
0x15: {  	[smem:$0x3FB8] =	sst s0;
	s0 =	simm.s32 @!p2 $0x0  }
0x16: {  	s3 =	sld [smem:$0x3FDB];
	s0 =	simm.s32 @p2 $0x1  }
0x17: {  	s4 =	simm.s32 $0x1BF5;
	[smem:$0x3FBA] =	sst s0  }
0x18: {  	s0 =	sld [smem:$0x3F9D];
	_ =	swait.ge [sflag:s4], $0x0  }
0x19: {  	s7 =	sld [smem:$0x3F9E]  }
0x1a: {  	s8 =	sadd.s32 $0xFFFFE003, lr  }
0x1b: {  	s9 =	sadd.s32 $0xFFFFFEF7, lr;
	s5 =	simm.s32 $0xFFFFFFFF;
	p2 =	slt.u32 s8, $0xFFFFF086  }
0x1c: {  	p1 =	slt.u32 s9, $0xF7A;
	s5 =	simm.s32 @!p2 $0x0  }
0x1d: {  	s5 =	simm.s32 @p1 $0x1;
	p0 =	seq.s32 s7, s2  }
0x1e: {  	s7 =	smul.u32 @!p0 $0xF7A, s2;
	p2 =	seq.s32 @!p0 s5, $0x0  }
0x1f: {  	s9 =	smul.u32 $0xF7A, s1;
	s8 =	simm.s32 @!p0 $0x1BF5;
	p2 =	por !p2, p0  }
0x20: {  	[sflag:s8] =	ssyncset.s32 @!p0 $0xFFFFF086;
	s6 =	sadd.s32 @!p0 s3, s7;
	s7 =	simm.s32 @!p0 $0x108  }
0x21: {  	s3 =	sadd.s32 s3, s9;
	s6 =	sadd.s32 @!p0 $0x88, s6;
	s7 =	simm.s32 @p2 $0x1082  }
0x22: {  	[simem:s7], [sflag:s8] =	dma.local @!p0 [hbm:s6], $0xF7A  }
0x23: {  	s9 =	sor.u32 $0xD0000000, s2;
	s6 =	simm.s32 $0x108;
	_ =	swait.ge @!p0 [sflag:s8], $0x0  }
0x24: {  	s3 =	sadd.s32 $0x88, s3;
	s6 =	simm.s32 @!p1 $0x1082;
	[sflag:s4] =	ssyncset.s32 $0xFFFFF086  }
0x25: {  	[simem:s6], [sflag:s4] =	dma.local [hbm:s3], $0xF7A  }
0x26: {  	[smem:$0x3F9E] =	sst s1;
	(tag) =	ssettag s2;
	_ =	strace s9  }
0x27: {  	s1 =	sld [smem:$0x3FAE]  }
0x28: {  	s2 =	sld [smem:$0x3FAF]  }
0x29: {  	s4 =	sld [smem:$0x3FB1]  }
0x2a: {  	p0 =	seq.s32 s5, $0x0;
	s5 =	sld [smem:$0x3FB2]  }
0x2b: {  	s6 =	sld [smem:$0x3FB3]  }
0x2c: {  	s7 =	sld [smem:$0x3FB4]  }
0x2d: {  	s3 =	simm.s32 $0x108;
	s8 =	sld [smem:$0x3FB5]  }
0x2e: {  	s3 =	simm.s32 @!p0 $0x1082;
	s9 =	sld [smem:$0x3FB6]  }
0x2f: {  	lr =	sadd.s32 s0, s3;
	s0 =	sld [smem:$0x3FAD]  }
0x30: {  	s3 =	sld [smem:$0x3FB0]  }
0x31: {  	[smem:$0x3FB9] =	sst s10  }
0x32: {  	s10 =	sld [smem:$0x3FB7];
	_ =	sdelay $0x3  }
0x33: {  	p0 =	seq.s32 s10, $0x1;
	s10 =	sld [smem:$0x3FB9];
	_ =	sdelay $0x3  }
0x34: {  	[smem:$0x3FB9] =	sst s10  }
0x35: {  	s10 =	sld [smem:$0x3FB8];
	_ =	sdelay $0x3  }
0x36: {  	p1 =	seq.s32 s10, $0x1;
	s10 =	sld [smem:$0x3FB9];
	_ =	sdelay $0x3  }
0x37: {  	[smem:$0x3FB9] =	sst s10  }
0x38: {  	s10 =	sld [smem:$0x3FBA]  }
0x39: {  	_ = 	snop;
	(pc) =	sbr.ind lr, $3  }
0x3a: {  	_ = 	snop  }
0x3b: {  	_ = 	snop  }
0x3c: {  	p2 =	seq.s32 s10, $0x1;
	s10 =	sld [smem:$0x3FB9]  }
0x3d: {  	_ =	shalt  }
0x3e: {  	_ =	shalt  }
0x3f: {  	_ =	shalt  }
0x40: {  	_ =	shalt  }
0x41: {  	_ =	shalt  }
0x42: {  	_ =	shalt  }
0x43: {  	_ =	shalt  }
0x44: {  	_ =	shalt  }
0x45: {  	_ =	shalt  }
0x46: {  	_ =	shalt  }
0x47: {  	_ =	shalt  }
0x48: {  	_ =	shalt  }
0x49: {  	_ =	shalt  }
0x4a: {  	_ =	shalt  }
0x4b: {  	_ =	shalt  }
0x4c: {  	_ =	shalt  }
0x4d: {  	_ =	shalt  }
0x4e: {  	_ =	shalt  }
0x4f: {  	_ =	shalt  }
0x50: {  	_ =	shalt  }
0x51: {  	_ =	shalt  }
0x52: {  	_ =	shalt  }
0x53: {  	_ =	shalt  }
0x54: {  	_ =	shalt  }
0x55: {  	_ =	shalt  }
0x56: {  	_ =	shalt  }
0x57: {  	_ =	shalt  }
0x58: {  	_ =	shalt  }
0x59: {  	_ =	shalt  }
0x5a: {  	_ =	shalt  }
0x5b: {  	_ =	shalt  }
0x5c: {  	_ =	shalt  }
0x5d: {  	_ =	shalt  }
0x5e: {  	_ =	shalt  }
0x5f: {  	_ =	shalt  }
0x60: {  	_ =	shalt  }
0x61: {  	_ =	shalt  }
0x62: {  	_ =	shalt  }
0x63: {  	_ =	shalt  }
0x64: {  	_ =	shalt  }
0x65: {  	_ =	shalt  }
0x66: {  	_ =	shalt  }
0x67: {  	_ =	shalt  }
0x68: {  	_ =	shalt  }
0x69: {  	_ =	shalt  }
0x6a: {  	_ =	shalt  }
0x6b: {  	_ =	shalt  }
0x6c: {  	_ =	shalt  }
0x6d: {  	_ =	shalt  }
0x6e: {  	_ =	shalt  }
0x6f: {  	_ =	shalt  }
0x70: {  	_ =	shalt  }
0x71: {  	_ =	shalt  }
0x72: {  	_ =	shalt  }
0x73: {  	_ =	shalt  }
0x74: {  	_ =	shalt  }
0x75: {  	_ =	shalt  }
0x76: {  	_ =	shalt  }
0x77: {  	_ =	shalt  }
0x78: {  	_ =	shalt  }
0x79: {  	_ =	shalt  }
0x7a: {  	_ =	shalt  }
0x7b: {  	_ =	shalt  }
0x7c: {  	_ =	shalt  }
0x7d: {  	_ =	shalt  }
0x7e: {  	_ =	shalt  }
0x7f: {  	_ =	shalt  }
0x80: {  	_ =	shalt  }
0x81: {  	_ =	shalt  }
0x82: {  	_ =	shalt  }
0x83: {  	_ =	shalt  }
0x84: {  	_ =	shalt  }
0x85: {  	_ =	shalt  }
0x86: {  	_ =	shalt  }
0x87: {  	_ =	shalt  }
.Lfunc_end0:
.L_simem_size_0:
called_computation.1_lowered:
.L_overlay_start_0:
0x88: {  	s2 =	sld [smem:$0x3FD9]  }
0x89: {  	s3 =	sld [smem:$0x3FFE];
	_ =	sdelay $0x1  }
0x8a: {  	s1 =	srdreg.scid  }
0x8b: {  	s0 =	sand.u32 $0x1, s1  }
0x8c: {  	s17 =	sshll.u32 s0, $0xA;
	s2 =	sadd.s32 s3, s2  }
0x8d: {  	s2 =	sadd.s32 s2, s17  }
0x8e: {  	[smem:$0x3FC5] =	sst s2  }
0x8f: {  	_ = 	snop  }
0x90: {  	s2 =	sld [smem:$0x3FD0];
	(tm) =	ssettm $0x1  }
0x91: {  	s18 =	sld [smem:$0x3FFB];
	_ =	sdelay $0x3  }
0x92: {  	_ =	strace s18  }
0x93: {  	s3 =	sld [smem:$0x3FFC];
	_ =	sdelay $0x3  }
0x94: {  	_ =	strace s3  }
0x95: {  	s3 =	sld [smem:$0x3FFD];
	_ =	sdelay $0x3  }
0x96: {  	_ =	strace s3  }
0x97: {  	_ =	strace $0x8FFFFFFF  }
0x98: {  	s19 =	sld [smem:$0x3FDB];
	_ =	sdelay $0x1  }
0x99: {  	s4 =	simm.s32 $_scs_section_size  }
0x9a: {  	s5 =	simm.s32 $_size__tile_overlayer_lowered;
	s6 =	simm.s32 $_tile_overlayer_lowered  }
0x9b: {  	s22 =	simm.s32 $0x1BFF;
	s21 =	sshll.u32 s6, $0x1;
	s3 =	sadd.s32 s4, s19  }
0x9c: {  	s7 =	simm.s32 $0x0;
	s20 =	sshll.u32 s5, $0x1;
	s5 =	sadd.s32 s21, s3  }
0x9d: {  	[timem:s7], [sflag:s22] =	dma.local [hbm:s5], s20  }
0x9e: {  	_ =	swait.ge [sflag:s22], s20  }
0x9f: {  	s4 =	ssub.s32 $0x0, s20;
	[sflag:s22] =	ssyncset.done $0x0  }
0xa0: {  	[sflag:s22] =	ssyncadd.s32 s4;
	_ =	sdelay $0x1  }
0xa1: {  	s23 =	simm.s32 $0x1B8B  }
0xa2: {  	_ =	swait.ge [sflag:s23], $0x1  }
0xa3: {  	[sflag:s23] =	ssyncset.done $0x0  }
0xa4: {  	s25 =	simm.s32 $0x1B8E;
	s24 =	sld [smem:$0x3FFE];
	[sflag:s23] =	ssyncadd.s32 $0xFFFFFFFF  }
0xa5: {  	s26 =	simm.s32 $execute0_lowered;
	[smem:$0x3FD2] =	sst s25  }
0xa6: {  	s5 =	sshll.u32 s26, $0x1;
	_ =	strace $0x80000046;
	[dreg:$0x1] =	wrdreg $0xFFFFFFFF  }
0xa7: {  	s28 =	simm.s32 $_size_execute0_lowered;
	s3 =	sadd.s32 s3, s5;
	[dreg:$0x0] =	wrdreg $0x0  }
0xa8: {  	s5 =	sshll.u32 s28, $0x1;
	[dreg:$0x2] =	wrdreg s3  }
0xa9: {  	[dreg:$0x3] =	wrdreg s5  }
0xaa: {  	[dreg:$0x4] =	wrdreg $0xC0  }
0xab: {  	_ =	task [dreg:s7], $0x5FFFF  }
0xac: {  	[dreg:$0x1] =	wrdreg $0xFFFFFFFF  }
0xad: {  	[dreg:$0x0] =	wrdreg $0x60  }
0xae: {  	[dreg:$0x2] =	wrdreg s24  }
0xaf: {  	[dreg:$0x3] =	wrdreg s2  }
0xb0: {  	[dreg:$0x4] =	wrdreg $0x9  }
0xb1: {  	_ =	task.clear_ibuf [dreg:s7], $0x5FFFF;
	_ =	strace $0x90000046  }
0xb2: {  	s29 =	simm.s32 $0x9;
	_ =	strace $0x80000048  }
0xb3: {  	_ =	swait.ge [sflag:s29], $0x1  }
0xb4: {  	[sflag:s29] =	ssyncadd.s32 $0xFFFFFFFF  }
0xb5: {  	_ =	strace $0x90000048  }
0xb6: {  	_ =	sfence  }
0xb7: {  	s30 =	sld [smem:$0x0];
	_ =	sdelay $0x2  }
0xb8: {  	s31 =	sshll.u32 s1, $0xD;
	s1 =	sshrl.u32 s1, $0x2  }
0xb9: {  	s3 =	sand.u32 $0x4000, s31;
	s1 =	sadd.s32 s1, s30  }
0xba: {  	s0 =	sor.u32 s3, s0;
	s1 =	sshll.u32 s1, $0x11  }
0xbb: {  	s0 =	sor.u32 s1, s0  }
0xbc: {  	s0 =	sadd.s32 $0x8F2B, s0  }
0xbd: {  	[sflag:s0] =	ssyncadd.remote.s32 $0x1  }
0xbe: {  	_ =	sfence.sel $0xFFFF  }
0xbf: {  	[dreg:$0x0] =	wrdreg $0xFFFFFFFF;
	(pc) =	sbr.abs _section_cstart, $3  }
0xc0: {  	[dreg:$0x1] =	wrdreg $0xFFFFFFFF  }
0xc1: {  	_ =	task.clear_ibuf [dreg:s7], $0x2FFFF;
	_ =	strace $0x9FFFFFFF  }
0xc2: {  	(tm) =	ssettm $0x7FFFFFFF  }
0xc3: {  	_ =	shalt  }
tec
execute0_lowered:
.L_overlay_start_1:
0x0: {  	(tag) =	ssettag $0x1  }
0x1: {  	s5 =	rddreg [dreg:$0x0];
	s1 =	srdreg.scid  }
0x2: {  	s0 =	stileid.u32;
	s2 =	rddreg [dreg:$0x1];
	s3 =	simm.s32 $0x0  }
0x3: {  	s10 =	simm.s32 $0x3;
	s11 =	simm.s32 $0x100;
	s12 =	simm.s32 $0x2800  }
0x4: {  	s13 =	simm.s32 $0x2A00;
	s14 =	simm.s32 $0x1;
	s15 =	simm.s32 $0x2  }
0x5: {  	s6 =	sand.u32 $0x1, s1;
	s4 =	sshll.u32 s0, $0x1;
	s1 =	rddreg [dreg:$0x2]  }
0x6: {  	s16 =	simm.s32 $0x0;
	[smem:$0x7FF] =	sst s3;
	s7 =	sor.u32 s6, s4  }
0x7: {  	_ =	strace $0x80000047;
	s6 =	ssub.s32 $0x2, s6;
	s8 =	smul.u32 $0x500, s7  }
0x8: {  	s4 =	sadd.s32 $0xAA00, s5;
	s9 =	sshrl.u32 s6, $0x1;
	s7 =	smul.u32 $0xA0000, s7  }
0x9: {  	s9 =	ssub.s32 s6, s9;
	s8 =	sadd.s32 s8, s5;
	s5 =	sadd.s32 $0x1F3000, s5  }
0xa: {  	s6 =	sadd.s32 $0xA00, s8;
	s8 =	smax.u32 s9, $0x1;
	s9 =	simm.s32 $0x12E00  }
.LBB2_1:
0xb: {  	[tilespmem:s9], [sflag:$0x3] =	stream.linear.gather [hbm4b:s5+s3], $0x3D10, $0x38;
	[tilespmem:$0x16B10] =	vst v63  }
0xc: {  	_ =	swait.ge [sflag:s10], $0x3D10  }
0xd: {  	[sflag:s10] =	ssyncset.done $0x0  }
0xe: {  	[sflag:s10] =	ssyncadd.s32 $0xFFFFC2F0  }
0xf: {  	[tilespmem:s3], [sflag:$0x3] =	stream.linear.gather [hbm4b:s6+s3], $0x2800, $0x38;
	[tilespmem:$0x16B10] =	vst v63  }
0x10: {  	_ =	swait.ge [sflag:s10], $0x2800  }
0x11: {  	[sflag:s10] =	ssyncset.done $0x0  }
0x12: {  	[sflag:s10] =	ssyncadd.s32 $0xFFFFD800  }
0x13: {  	v0 =	vld [tilespmem:$0x0];
	_ =	sdelay $0x4  }
0x14: {  	v1 =	vshra.s32 v0, $0x6  }
0x15: {  	v3 =	vand.u32 $0xF, v0;
	v0 =	vxor.u32 $0xFFFFFFFF, v0;
	v2 =	vshll.u32 v1, $0x4  }
0x16: {  	v31 =	vld [tilespmem:$0x10];
	v0 =	vshrl.u32 v0, $0x1;
	v2 =	vor.u32 v3, v2  }
0x17: {  	v0 =	vand.u32 $0x18, v0;
	[tilespmem:$0x2800] =	vst v2  }
0x18: {  	[tilespmem:$0xAC00] =	vst v0  }
0x19: {  	v0 =	vld.idx.msk [tilespmem:v1+s9+$0x0], $0xffff;
	_ =	sdelay $0x1  }
0x1a: {  	v32 =	vshra.s32 v31, $0x6  }
0x1b: {  	v4 =	vand.u32 $0xF, v31;
	v33 =	vshll.u32 v32, $0x4;
	v1 =	vxor.u32 $0xFFFFFFFF, v31  }
0x1c: {  	v34 =	vor.u32 v4, v33;
	v1 =	vshrl.u32 v1, $0x1  }
0x1d: {  	v36 =	vld [tilespmem:$0x20];
	[tilespmem:$0x2810] =	vst v34;
	v35 =	vand.u32 $0x18, v1;
	v0 =	vmul.f32 $7.874015710e-03, v0  }
0x1e: {  	[tilespmem:$0xAC10] =	vst v35  }
0x1f: {  	[tilespmem:$0xAA00] =	vst v0  }
0x20: {  	v0 =	vld.idx.msk [tilespmem:v32+s9+$0x0], $0xffff;
	_ =	sdelay $0x1  }
0x21: {  	v37 =	vshra.s32 v36, $0x6  }
0x22: {  	v39 =	vand.u32 $0xF, v36;
	v38 =	vshll.u32 v37, $0x4;
	v1 =	vxor.u32 $0xFFFFFFFF, v36  }
0x23: {  	v40 =	vor.u32 v39, v38;
	v1 =	vshrl.u32 v1, $0x1  }
0x24: {  	v42 =	vld [tilespmem:$0x30];
	v41 =	vand.u32 $0x18, v1;
	[tilespmem:$0x2820] =	vst v40;
	v0 =	vmul.f32 $7.874015710e-03, v0  }
0x25: {  	[tilespmem:$0xAC20] =	vst v41  }
0x26: {  	[tilespmem:$0xAA10] =	vst v0  }
0x27: {  	v0 =	vld.idx.msk [tilespmem:v37+s9+$0x0], $0xffff;
	_ =	sdelay $0x1  }
0x28: {  	v43 =	vshra.s32 v42, $0x6  }
0x29: {  	v45 =	vand.u32 $0xF, v42;
	v44 =	vshll.u32 v43, $0x4;
	v1 =	vxor.u32 $0xFFFFFFFF, v42  }
0x2a: {  	v46 =	vor.u32 v45, v44;
	v1 =	vshrl.u32 v1, $0x1  }
0x2b: {  	v48 =	vld [tilespmem:$0x40];
	v47 =	vand.u32 $0x18, v1;
	[tilespmem:$0x2830] =	vst v46;
	v0 =	vmul.f32 $7.874015710e-03, v0  }
0x2c: {  	[tilespmem:$0xAC30] =	vst v47  }
0x2d: {  	[tilespmem:$0xAA20] =	vst v0  }
0x2e: {  	v0 =	vld.idx.msk [tilespmem:v43+s9+$0x0], $0xffff;
	_ =	sdelay $0x1  }
0x2f: {  	v49 =	vshra.s32 v48, $0x6  }
0x30: {  	v51 =	vand.u32 $0xF, v48;
	v50 =	vshll.u32 v49, $0x4;
	v1 =	vxor.u32 $0xFFFFFFFF, v48  }
0x31: {  	v52 =	vor.u32 v51, v50;
	v1 =	vshrl.u32 v1, $0x1  }
0x32: {  	v54 =	vld [tilespmem:$0x50];
	v53 =	vand.u32 $0x18, v1;
	[tilespmem:$0x2840] =	vst v52;
	v0 =	vmul.f32 $7.874015710e-03, v0  }
0x33: {  	[tilespmem:$0xAC40] =	vst v53  }
0x34: {  	[tilespmem:$0xAA30] =	vst v0  }
0x35: {  	v0 =	vld.idx.msk [tilespmem:v49+s9+$0x0], $0xffff;
	_ =	sdelay $0x1  }
0x36: {  	v55 =	vshra.s32 v54, $0x6  }
0x37: {  	v57 =	vand.u32 $0xF, v54;
	v56 =	vshll.u32 v55, $0x4;
	v1 =	vxor.u32 $0xFFFFFFFF, v54  }
0x38: {  	v58 =	vor.u32 v57, v56;
	v1 =	vshrl.u32 v1, $0x1  }
0x39: {  	v60 =	vld [tilespmem:$0x60];
	v59 =	vand.u32 $0x18, v1;
	[tilespmem:$0x2850] =	vst v58;
	v0 =	vmul.f32 $7.874015710e-03, v0  }
0x3a: {  	[tilespmem:$0xAC50] =	vst v59  }
0x3b: {  	[tilespmem:$0xAA40] =	vst v0  }
0x3c: {  	v0 =	vld.idx.msk [tilespmem:v55+s9+$0x0], $0xffff;
	_ =	sdelay $0x1  }
0x3d: {  	v61 =	vshra.s32 v60, $0x6  }
0x3e: {  	v63 =	vand.u32 $0xF, v60;
	v62 =	vshll.u32 v61, $0x4;
	v1 =	vxor.u32 $0xFFFFFFFF, v60  }
0x3f: {  	v8 =	vor.u32 v63, v62;
	v1 =	vshrl.u32 v1, $0x1  }
0x40: {  	v10 =	vld [tilespmem:$0x70];
	v9 =	vand.u32 $0x18, v1;
	[tilespmem:$0x2860] =	vst v8;
	v0 =	vmul.f32 $7.874015710e-03, v0  }
0x41: {  	[tilespmem:$0xAC60] =	vst v9  }
0x42: {  	[tilespmem:$0xAA50] =	vst v0  }
0x43: {  	v0 =	vld.idx.msk [tilespmem:v61+s9+$0x0], $0xffff;
	_ =	sdelay $0x1  }
0x44: {  	v11 =	vshra.s32 v10, $0x6  }
0x45: {  	v13 =	vand.u32 $0xF, v10;
	v12 =	vshll.u32 v11, $0x4;
	v1 =	vxor.u32 $0xFFFFFFFF, v10  }
0x46: {  	v14 =	vor.u32 v13, v12;
	v1 =	vshrl.u32 v1, $0x1  }
0x47: {  	v16 =	vld [tilespmem:$0x80];
	v15 =	vand.u32 $0x18, v1;
	[tilespmem:$0x2870] =	vst v14;
	v0 =	vmul.f32 $7.874015710e-03, v0  }
0x48: {  	[tilespmem:$0xAC70] =	vst v15  }
0x49: {  	[tilespmem:$0xAA60] =	vst v0  }
0x4a: {  	v0 =	vld.idx.msk [tilespmem:v11+s9+$0x0], $0xffff;
	_ =	sdelay $0x1  }
0x4b: {  	v17 =	vshra.s32 v16, $0x6  }
0x4c: {  	v19 =	vand.u32 $0xF, v16;
	v18 =	vshll.u32 v17, $0x4;
	v1 =	vxor.u32 $0xFFFFFFFF, v16  }
0x4d: {  	v20 =	vor.u32 v19, v18;
	v1 =	vshrl.u32 v1, $0x1  }
0x4e: {  	v22 =	vld [tilespmem:$0x90];
	v21 =	vand.u32 $0x18, v1;
	[tilespmem:$0x2880] =	vst v20;
	v0 =	vmul.f32 $7.874015710e-03, v0  }
0x4f: {  	[tilespmem:$0xAC80] =	vst v21  }
0x50: {  	[tilespmem:$0xAA70] =	vst v0  }
0x51: {  	v0 =	vld.idx.msk [tilespmem:v17+s9+$0x0], $0xffff;
	_ =	sdelay $0x1  }
0x52: {  	v23 =	vshra.s32 v22, $0x6  }
0x53: {  	v25 =	vand.u32 $0xF, v22;
	v24 =	vshll.u32 v23, $0x4;
	v1 =	vxor.u32 $0xFFFFFFFF, v22  }
0x54: {  	v26 =	vor.u32 v25, v24;
	v1 =	vshrl.u32 v1, $0x1  }
0x55: {  	v28 =	vld [tilespmem:$0xA0];
	v27 =	vand.u32 $0x18, v1;
	[tilespmem:$0x2890] =	vst v26;
	v0 =	vmul.f32 $7.874015710e-03, v0  }
0x56: {  	[tilespmem:$0xAC90] =	vst v27  }
0x57: {  	[tilespmem:$0xAA80] =	vst v0  }
0x58: {  	v0 =	vld.idx.msk [tilespmem:v23+s9+$0x0], $0xffff;
	_ =	sdelay $0x1  }
0x59: {  	v29 =	vshra.s32 v28, $0x6  }
0x5a: {  	v30 =	vshll.u32 v29, $0x4;
	v31 =	vand.u32 $0xF, v28;
	v1 =	vxor.u32 $0xFFFFFFFF, v28  }
0x5b: {  	v32 =	vor.u32 v31, v30;
	v1 =	vshrl.u32 v1, $0x1  }
0x5c: {  	v34 =	vld [tilespmem:$0xB0];
	v33 =	vand.u32 $0x18, v1;
	[tilespmem:$0x28A0] =	vst v32;
	v0 =	vmul.f32 $7.874015710e-03, v0  }
0x5d: {  	[tilespmem:$0xACA0] =	vst v33  }
0x5e: {  	[tilespmem:$0xAA90] =	vst v0  }
0x5f: {  	v0 =	vld.idx.msk [tilespmem:v29+s9+$0x0], $0xffff;
	_ =	sdelay $0x1  }
0x60: {  	v35 =	vshra.s32 v34, $0x6  }
0x61: {  	v36 =	vshll.u32 v35, $0x4;
	v37 =	vand.u32 $0xF, v34;
	v1 =	vxor.u32 $0xFFFFFFFF, v34  }
0x62: {  	v38 =	vor.u32 v37, v36;
	v1 =	vshrl.u32 v1, $0x1  }
0x63: {  	v40 =	vld [tilespmem:$0xC0];
	v39 =	vand.u32 $0x18, v1;
	[tilespmem:$0x28B0] =	vst v38;
	v0 =	vmul.f32 $7.874015710e-03, v0  }
0x64: {  	[tilespmem:$0xACB0] =	vst v39  }
0x65: {  	[tilespmem:$0xAAA0] =	vst v0  }
0x66: {  	v0 =	vld.idx.msk [tilespmem:v35+s9+$0x0], $0xffff;
	_ =	sdelay $0x1  }
0x67: {  	v41 =	vshra.s32 v40, $0x6  }
0x68: {  	v42 =	vshll.u32 v41, $0x4;
	v1 =	vxor.u32 $0xFFFFFFFF, v40;
	v43 =	vand.u32 $0xF, v40  }
0x69: {  	v1 =	vshrl.u32 v1, $0x1;
	v44 =	vor.u32 v43, v42  }
0x6a: {  	v46 =	vld [tilespmem:$0xD0];
	v45 =	vand.u32 $0x18, v1;
	[tilespmem:$0x28C0] =	vst v44;
	v0 =	vmul.f32 $7.874015710e-03, v0  }
0x6b: {  	[tilespmem:$0xACC0] =	vst v45  }
0x6c: {  	[tilespmem:$0xAAB0] =	vst v0  }
0x6d: {  	v0 =	vld.idx.msk [tilespmem:v41+s9+$0x0], $0xffff;
	_ =	sdelay $0x1  }
0x6e: {  	v47 =	vshra.s32 v46, $0x6  }
0x6f: {  	v48 =	vshll.u32 v47, $0x4;
	v1 =	vxor.u32 $0xFFFFFFFF, v46;
	v49 =	vand.u32 $0xF, v46  }
0x70: {  	v1 =	vshrl.u32 v1, $0x1;
	v50 =	vor.u32 v49, v48  }
0x71: {  	v52 =	vld [tilespmem:$0xE0];
	v51 =	vand.u32 $0x18, v1;
	[tilespmem:$0x28D0] =	vst v50;
	v0 =	vmul.f32 $7.874015710e-03, v0  }
0x72: {  	[tilespmem:$0xACD0] =	vst v51  }
0x73: {  	[tilespmem:$0xAAC0] =	vst v0  }
0x74: {  	v0 =	vld.idx.msk [tilespmem:v47+s9+$0x0], $0xffff;
	_ =	sdelay $0x1  }
0x75: {  	v53 =	vshra.s32 v52, $0x6  }
0x76: {  	v1 =	vxor.u32 $0xFFFFFFFF, v52;
	v54 =	vshll.u32 v53, $0x4;
	v55 =	vand.u32 $0xF, v52  }
0x77: {  	v1 =	vshrl.u32 v1, $0x1;
	v56 =	vor.u32 v55, v54  }
0x78: {  	v57 =	vand.u32 $0x18, v1;
	v58 =	vld [tilespmem:$0xF0];
	[tilespmem:$0x28E0] =	vst v56;
	v0 =	vmul.f32 $7.874015710e-03, v0  }
0x79: {  	[tilespmem:$0xACE0] =	vst v57  }
0x7a: {  	[tilespmem:$0xAAD0] =	vst v0  }
0x7b: {  	v0 =	vld.idx.msk [tilespmem:v53+s9+$0x0], $0xffff;
	_ =	sdelay $0x1  }
0x7c: {  	v59 =	vshra.s32 v58, $0x6  }
0x7d: {  	v1 =	vxor.u32 $0xFFFFFFFF, v58;
	v60 =	vshll.u32 v59, $0x4;
	v61 =	vand.u32 $0xF, v58  }
0x7e: {  	v1 =	vshrl.u32 v1, $0x1;
	v62 =	vor.u32 v61, v60  }
0x7f: {  	v63 =	vand.u32 $0x18, v1;
	[tilespmem:$0x28F0] =	vst v62;
	v0 =	vmul.f32 $7.874015710e-03, v0  }
0x80: {  	[tilespmem:$0xACF0] =	vst v63  }
0x81: {  	[tilespmem:$0xAAE0] =	vst v0  }
0x82: {  	v0 =	vld.idx.msk [tilespmem:v59+s9+$0x0], $0xffff;
	_ =	sdelay $0x4  }
0x83: {  	v0 =	vmul.f32 $7.874015710e-03, v0;
	_ =	sdelay $0x1  }
0x84: {  	p0 =	por $0x0, $0x0;
	s17 =	simm.s32 $0x0;
	[tilespmem:$0xAAF0] =	vst v0  }
0x85: {  	[tilespmem:s13], [sflag:$0x1] =	stream.indirect.gather [hbm4b:s4+s11], $0x40, s12, s11, $0xb8;
	[tilespmem:$0x16B10] =	vst v63  }
.LBB2_2:
0x86: {  	p1 =	seq.s32 s17, $0x27  }
.Ltmp0:
0x87: {  	_ = 	snop;
	(pc) =	sbr.rel @p1 .LBB2_4-.Ltmp0, $2  }
0x88: {  	_ =	sdelay $0x2  }
0x89: {  	s18 =	sand.u32 $0x1, s17  }
0x8a: {  	s19 =	sshll.u32 s17, $0x8  }
0x8b: {  	s21 =	sand.u32 $0x3FFFFF00, s19  }
0x8c: {  	v0 =	vld [tilespmem:s21+$0x100];
	_ =	sdelay $0x4  }
0x8d: {  	v1 =	vshra.s32 v0, $0x6  }
0x8e: {  	s30 =	sxor.u32 $0x1, s18;
	v3 =	vand.u32 $0xF, v0;
	v0 =	vxor.u32 $0xFFFFFFFF, v0;
	v2 =	vshll.u32 v1, $0x4  }
0x8f: {  	s20 =	sshll.u32 s30, $0x8;
	v0 =	vshrl.u32 v0, $0x1;
	v2 =	vor.u32 v3, v2  }
0x90: {  	v0 =	vand.u32 $0x18, v0;
	[tilespmem:s20+$0x2800] =	vst v2  }
0x91: {  	[tilespmem:s20+$0xAC00] =	vst v0  }
0x92: {  	v0 =	vld.idx.msk [tilespmem:v1+s9+$0x0], $0xffff;
	_ =	sdelay $0x4  }
0x93: {  	v0 =	vmul.f32 $7.874015710e-03, v0;
	_ =	sdelay $0x1  }
0x94: {  	[tilespmem:s20+$0xAA00] =	vst v0  }
0x95: {  	v0 =	vld [tilespmem:s21+$0x110];
	_ =	sdelay $0x4  }
0x96: {  	v19 =	vshra.s32 v0, $0x6  }
0x97: {  	v21 =	vand.u32 $0xF, v0;
	v0 =	vxor.u32 $0xFFFFFFFF, v0;
	v20 =	vshll.u32 v19, $0x4  }
0x98: {  	v0 =	vshrl.u32 v0, $0x1;
	v2 =	vor.u32 v21, v20  }
0x99: {  	v0 =	vand.u32 $0x18, v0;
	[tilespmem:s20+$0x2810] =	vst v2  }
0x9a: {  	[tilespmem:s20+$0xAC10] =	vst v0  }
0x9b: {  	v0 =	vld.idx.msk [tilespmem:v19+s9+$0x0], $0xffff;
	_ =	sdelay $0x4  }
0x9c: {  	v0 =	vmul.f32 $7.874015710e-03, v0;
	_ =	sdelay $0x1  }
0x9d: {  	[tilespmem:s20+$0xAA10] =	vst v0  }
0x9e: {  	v0 =	vld [tilespmem:s21+$0x120];
	_ =	sdelay $0x4  }
0x9f: {  	v22 =	vshra.s32 v0, $0x6  }
0xa0: {  	v24 =	vand.u32 $0xF, v0;
	v0 =	vxor.u32 $0xFFFFFFFF, v0;
	v23 =	vshll.u32 v22, $0x4  }
0xa1: {  	v0 =	vshrl.u32 v0, $0x1;
	v2 =	vor.u32 v24, v23  }
0xa2: {  	v0 =	vand.u32 $0x18, v0;
	[tilespmem:s20+$0x2820] =	vst v2  }
0xa3: {  	[tilespmem:s20+$0xAC20] =	vst v0  }
0xa4: {  	v0 =	vld.idx.msk [tilespmem:v22+s9+$0x0], $0xffff;
	_ =	sdelay $0x4  }
0xa5: {  	v0 =	vmul.f32 $7.874015710e-03, v0;
	_ =	sdelay $0x1  }
0xa6: {  	[tilespmem:s20+$0xAA20] =	vst v0  }
0xa7: {  	v0 =	vld [tilespmem:s21+$0x130];
	_ =	sdelay $0x4  }
0xa8: {  	v25 =	vshra.s32 v0, $0x6  }
0xa9: {  	v27 =	vand.u32 $0xF, v0;
	v0 =	vxor.u32 $0xFFFFFFFF, v0;
	v26 =	vshll.u32 v25, $0x4  }
0xaa: {  	v0 =	vshrl.u32 v0, $0x1;
	v2 =	vor.u32 v27, v26  }
0xab: {  	v0 =	vand.u32 $0x18, v0;
	[tilespmem:s20+$0x2830] =	vst v2  }
0xac: {  	[tilespmem:s20+$0xAC30] =	vst v0  }
0xad: {  	v0 =	vld.idx.msk [tilespmem:v25+s9+$0x0], $0xffff;
	_ =	sdelay $0x4  }
0xae: {  	v0 =	vmul.f32 $7.874015710e-03, v0;
	_ =	sdelay $0x1  }
0xaf: {  	[tilespmem:s20+$0xAA30] =	vst v0  }
0xb0: {  	v0 =	vld [tilespmem:s21+$0x140];
	_ =	sdelay $0x4  }
0xb1: {  	v28 =	vshra.s32 v0, $0x6  }
0xb2: {  	v30 =	vand.u32 $0xF, v0;
	v0 =	vxor.u32 $0xFFFFFFFF, v0;
	v29 =	vshll.u32 v28, $0x4  }
0xb3: {  	v0 =	vshrl.u32 v0, $0x1;
	v2 =	vor.u32 v30, v29  }
0xb4: {  	v0 =	vand.u32 $0x18, v0;
	[tilespmem:s20+$0x2840] =	vst v2  }
0xb5: {  	[tilespmem:s20+$0xAC40] =	vst v0  }
0xb6: {  	v0 =	vld.idx.msk [tilespmem:v28+s9+$0x0], $0xffff;
	_ =	sdelay $0x4  }
0xb7: {  	v0 =	vmul.f32 $7.874015710e-03, v0;
	_ =	sdelay $0x1  }
0xb8: {  	[tilespmem:s20+$0xAA40] =	vst v0  }
0xb9: {  	v0 =	vld [tilespmem:s21+$0x150];
	_ =	sdelay $0x4  }
0xba: {  	v31 =	vshra.s32 v0, $0x6  }
0xbb: {  	v33 =	vand.u32 $0xF, v0;
	v0 =	vxor.u32 $0xFFFFFFFF, v0;
	v32 =	vshll.u32 v31, $0x4  }
0xbc: {  	v0 =	vshrl.u32 v0, $0x1;
	v2 =	vor.u32 v33, v32  }
0xbd: {  	v0 =	vand.u32 $0x18, v0;
	[tilespmem:s20+$0x2850] =	vst v2  }
0xbe: {  	[tilespmem:s20+$0xAC50] =	vst v0  }
0xbf: {  	v0 =	vld.idx.msk [tilespmem:v31+s9+$0x0], $0xffff;
	_ =	sdelay $0x4  }
0xc0: {  	v0 =	vmul.f32 $7.874015710e-03, v0;
	_ =	sdelay $0x1  }
0xc1: {  	[tilespmem:s20+$0xAA50] =	vst v0  }
0xc2: {  	v0 =	vld [tilespmem:s21+$0x160];
	_ =	sdelay $0x4  }
0xc3: {  	v34 =	vshra.s32 v0, $0x6  }
0xc4: {  	v36 =	vand.u32 $0xF, v0;
	v0 =	vxor.u32 $0xFFFFFFFF, v0;
	v35 =	vshll.u32 v34, $0x4  }
0xc5: {  	v0 =	vshrl.u32 v0, $0x1;
	v2 =	vor.u32 v36, v35  }
0xc6: {  	v0 =	vand.u32 $0x18, v0;
	[tilespmem:s20+$0x2860] =	vst v2  }
0xc7: {  	[tilespmem:s20+$0xAC60] =	vst v0  }
0xc8: {  	v0 =	vld.idx.msk [tilespmem:v34+s9+$0x0], $0xffff;
	_ =	sdelay $0x4  }
0xc9: {  	v0 =	vmul.f32 $7.874015710e-03, v0;
	_ =	sdelay $0x1  }
0xca: {  	[tilespmem:s20+$0xAA60] =	vst v0  }
0xcb: {  	v0 =	vld [tilespmem:s21+$0x170];
	_ =	sdelay $0x4  }
0xcc: {  	v37 =	vshra.s32 v0, $0x6  }
0xcd: {  	v39 =	vand.u32 $0xF, v0;
	v0 =	vxor.u32 $0xFFFFFFFF, v0;
	v38 =	vshll.u32 v37, $0x4  }
0xce: {  	v0 =	vshrl.u32 v0, $0x1;
	v2 =	vor.u32 v39, v38  }
0xcf: {  	v0 =	vand.u32 $0x18, v0;
	[tilespmem:s20+$0x2870] =	vst v2  }
0xd0: {  	[tilespmem:s20+$0xAC70] =	vst v0  }
0xd1: {  	v0 =	vld.idx.msk [tilespmem:v37+s9+$0x0], $0xffff;
	_ =	sdelay $0x4  }
0xd2: {  	v0 =	vmul.f32 $7.874015710e-03, v0;
	_ =	sdelay $0x1  }
0xd3: {  	[tilespmem:s20+$0xAA70] =	vst v0  }
0xd4: {  	v0 =	vld [tilespmem:s21+$0x180];
	_ =	sdelay $0x4  }
0xd5: {  	v40 =	vshra.s32 v0, $0x6  }
0xd6: {  	v42 =	vand.u32 $0xF, v0;
	v0 =	vxor.u32 $0xFFFFFFFF, v0;
	v41 =	vshll.u32 v40, $0x4  }
0xd7: {  	v0 =	vshrl.u32 v0, $0x1;
	v2 =	vor.u32 v42, v41  }
0xd8: {  	v0 =	vand.u32 $0x18, v0;
	[tilespmem:s20+$0x2880] =	vst v2  }
0xd9: {  	[tilespmem:s20+$0xAC80] =	vst v0  }
0xda: {  	v0 =	vld.idx.msk [tilespmem:v40+s9+$0x0], $0xffff;
	_ =	sdelay $0x4  }
0xdb: {  	v0 =	vmul.f32 $7.874015710e-03, v0;
	_ =	sdelay $0x1  }
0xdc: {  	[tilespmem:s20+$0xAA80] =	vst v0  }
0xdd: {  	v0 =	vld [tilespmem:s21+$0x190];
	_ =	sdelay $0x4  }
0xde: {  	v43 =	vshra.s32 v0, $0x6  }
0xdf: {  	v45 =	vand.u32 $0xF, v0;
	v0 =	vxor.u32 $0xFFFFFFFF, v0;
	v44 =	vshll.u32 v43, $0x4  }
0xe0: {  	v0 =	vshrl.u32 v0, $0x1;
	v2 =	vor.u32 v45, v44  }
0xe1: {  	v0 =	vand.u32 $0x18, v0;
	[tilespmem:s20+$0x2890] =	vst v2  }
0xe2: {  	[tilespmem:s20+$0xAC90] =	vst v0  }
0xe3: {  	v0 =	vld.idx.msk [tilespmem:v43+s9+$0x0], $0xffff;
	_ =	sdelay $0x4  }
0xe4: {  	v0 =	vmul.f32 $7.874015710e-03, v0;
	_ =	sdelay $0x1  }
0xe5: {  	[tilespmem:s20+$0xAA90] =	vst v0  }
0xe6: {  	v0 =	vld [tilespmem:s21+$0x1A0];
	_ =	sdelay $0x4  }
0xe7: {  	v46 =	vshra.s32 v0, $0x6  }
0xe8: {  	v48 =	vand.u32 $0xF, v0;
	v0 =	vxor.u32 $0xFFFFFFFF, v0;
	v47 =	vshll.u32 v46, $0x4  }
0xe9: {  	v0 =	vshrl.u32 v0, $0x1;
	v2 =	vor.u32 v48, v47  }
0xea: {  	v0 =	vand.u32 $0x18, v0;
	[tilespmem:s20+$0x28A0] =	vst v2  }
0xeb: {  	[tilespmem:s20+$0xACA0] =	vst v0  }
0xec: {  	v0 =	vld.idx.msk [tilespmem:v46+s9+$0x0], $0xffff;
	_ =	sdelay $0x4  }
0xed: {  	v0 =	vmul.f32 $7.874015710e-03, v0;
	_ =	sdelay $0x1  }
0xee: {  	[tilespmem:s20+$0xAAA0] =	vst v0  }
0xef: {  	v0 =	vld [tilespmem:s21+$0x1B0];
	_ =	sdelay $0x4  }
0xf0: {  	v49 =	vshra.s32 v0, $0x6  }
0xf1: {  	v51 =	vand.u32 $0xF, v0;
	v0 =	vxor.u32 $0xFFFFFFFF, v0;
	v50 =	vshll.u32 v49, $0x4  }
0xf2: {  	v0 =	vshrl.u32 v0, $0x1;
	v2 =	vor.u32 v51, v50  }
0xf3: {  	v0 =	vand.u32 $0x18, v0;
	[tilespmem:s20+$0x28B0] =	vst v2  }
0xf4: {  	[tilespmem:s20+$0xACB0] =	vst v0  }
0xf5: {  	v0 =	vld.idx.msk [tilespmem:v49+s9+$0x0], $0xffff;
	_ =	sdelay $0x4  }
0xf6: {  	v0 =	vmul.f32 $7.874015710e-03, v0;
	_ =	sdelay $0x1  }
0xf7: {  	[tilespmem:s20+$0xAAB0] =	vst v0  }
0xf8: {  	v0 =	vld [tilespmem:s21+$0x1C0];
	_ =	sdelay $0x4  }
0xf9: {  	v52 =	vshra.s32 v0, $0x6  }
0xfa: {  	v54 =	vand.u32 $0xF, v0;
	v0 =	vxor.u32 $0xFFFFFFFF, v0;
	v53 =	vshll.u32 v52, $0x4  }
0xfb: {  	v0 =	vshrl.u32 v0, $0x1;
	v2 =	vor.u32 v54, v53  }
0xfc: {  	v0 =	vand.u32 $0x18, v0;
	[tilespmem:s20+$0x28C0] =	vst v2  }
0xfd: {  	[tilespmem:s20+$0xACC0] =	vst v0  }
0xfe: {  	v0 =	vld.idx.msk [tilespmem:v52+s9+$0x0], $0xffff;
	_ =	sdelay $0x4  }
0xff: {  	v0 =	vmul.f32 $7.874015710e-03, v0;
	_ =	sdelay $0x1  }
0x100: {  	[tilespmem:s20+$0xAAC0] =	vst v0  }
0x101: {  	v0 =	vld [tilespmem:s21+$0x1D0];
	_ =	sdelay $0x4  }
0x102: {  	v55 =	vshra.s32 v0, $0x6  }
0x103: {  	v57 =	vand.u32 $0xF, v0;
	v0 =	vxor.u32 $0xFFFFFFFF, v0;
	v56 =	vshll.u32 v55, $0x4  }
0x104: {  	v0 =	vshrl.u32 v0, $0x1;
	v2 =	vor.u32 v57, v56  }
0x105: {  	v0 =	vand.u32 $0x18, v0;
	[tilespmem:s20+$0x28D0] =	vst v2  }
0x106: {  	[tilespmem:s20+$0xACD0] =	vst v0  }
0x107: {  	v0 =	vld.idx.msk [tilespmem:v55+s9+$0x0], $0xffff;
	_ =	sdelay $0x4  }
0x108: {  	v0 =	vmul.f32 $7.874015710e-03, v0;
	_ =	sdelay $0x1  }
0x109: {  	[tilespmem:s20+$0xAAD0] =	vst v0  }
0x10a: {  	v0 =	vld [tilespmem:s21+$0x1E0];
	_ =	sdelay $0x4  }
0x10b: {  	v58 =	vshra.s32 v0, $0x6  }
0x10c: {  	v60 =	vand.u32 $0xF, v0;
	v0 =	vxor.u32 $0xFFFFFFFF, v0;
	v59 =	vshll.u32 v58, $0x4  }
0x10d: {  	v0 =	vshrl.u32 v0, $0x1;
	v2 =	vor.u32 v60, v59  }
0x10e: {  	v0 =	vand.u32 $0x18, v0;
	[tilespmem:s20+$0x28E0] =	vst v2  }
0x10f: {  	[tilespmem:s20+$0xACE0] =	vst v0  }
0x110: {  	v0 =	vld.idx.msk [tilespmem:v58+s9+$0x0], $0xffff;
	_ =	sdelay $0x4  }
0x111: {  	v0 =	vmul.f32 $7.874015710e-03, v0;
	_ =	sdelay $0x1  }
0x112: {  	[tilespmem:s20+$0xAAE0] =	vst v0  }
0x113: {  	v0 =	vld [tilespmem:s21+$0x1F0];
	_ =	sdelay $0x4  }
0x114: {  	v61 =	vshra.s32 v0, $0x6  }
0x115: {  	v63 =	vand.u32 $0xF, v0;
	v0 =	vxor.u32 $0xFFFFFFFF, v0;
	v62 =	vshll.u32 v61, $0x4  }
0x116: {  	v0 =	vshrl.u32 v0, $0x1;
	v2 =	vor.u32 v63, v62  }
0x117: {  	v0 =	vand.u32 $0x18, v0;
	[tilespmem:s20+$0x28F0] =	vst v2  }
0x118: {  	[tilespmem:s20+$0xACF0] =	vst v0  }
0x119: {  	v0 =	vld.idx.msk [tilespmem:v61+s9+$0x0], $0xffff;
	_ =	sdelay $0x4  }
0x11a: {  	v0 =	vmul.f32 $7.874015710e-03, v0  }
0x11b: {  	s19 =	sshll.u32 s30, $0xE  }
0x11c: {  	s31 =	sor.u32 $0x2800, s20;
	s19 =	sor.u32 $0x2A00, s19;
	[tilespmem:s20+$0xAAF0] =	vst v0  }
0x11d: {  	[tilespmem:s19], [sflag:$0x1] =	stream.indirect.gather [hbm4b:s4+s11], $0x40, s31, s11, $0xb8;
	[tilespmem:$0x16B10] =	vst v63  }
.LBB2_4:
0x11e: {  	s19 =	simm.s32 $0x0  }
0x11f: {  	v0 =	vmov s19  }
0x120: {  	_ =	swait.ge [sflag:s14], $0x4000;
	v0 =	vand.u32 $0xFFFFFFFC, v0  }
0x121: {  	p1 =	slt.u32 s17, $0x2;
	[sflag:s14] =	ssyncset.done $0x0;
	v0 =	vbroadcast v0, $0x0  }
0x122: {  	s20 =	simm.s32 $0x1;
	s19 =	simm.s32 @!p1 $0x2;
	[sflag:s14] =	ssyncadd.s32 $0xFFFFC000  }
0x123: {  	s20 =	simm.s32 @!p0 $0x0;
	_ =	swait.ge @!p1 [sflag:s19], $0x4000  }
0x124: {  	s23 =	sshll.u32 s20, $0xE;
	[sflag:s19] =	ssyncset.done @!p1 $0x0  }
0x125: {  	s22 =	sshll.u32 s18, $0x8;
	s21 =	sor.u32 $0x2A80, s23;
	[sflag:s19] =	ssyncadd.s32 @!p1 $0xFFFFC000  }
0x126: {  	s19 =	sor.u32 $0xAC00, s22;
	v2 =	vld [tilespmem:s21+$0xFFFFFF80]  }
0x127: {  	v1 =	vld.idx.msk [tilespmem:v0+s19+$0x0], $0xffff;
	_ =	sdelay $0x2  }
0x128: {  	s20 =	sor.u32 $0xAA00, s22  }
0x129: {  	v0 =	vld.idx.msk [tilespmem:v0+s20+$0x0], $0xffff  }
0x12a: {  	v2 =	vshll.u32 v2, v1  }
0x12b: {  	v2 =	vshra.s32 v2, $0x18  }
0x12c: {  	v2 =	vcvt.s32.f32 v2;
	_ =	sdelay $0x1  }
0x12d: {  	v2 =	vmul.f32 v2, v0  }
0x12e: {  	s22 =	sor.u32 $0xAE80, s23  }
0x12f: {  	[tilespmem:s22+$0xFFFFFF80] =	vst v2  }
0x130: {  	v2 =	vld [tilespmem:s21+$0xFFFFFF90];
	_ =	sdelay $0x4  }
0x131: {  	v2 =	vshll.u32 v2, v1  }
0x132: {  	v2 =	vshra.s32 v2, $0x18  }
0x133: {  	v2 =	vcvt.s32.f32 v2;
	_ =	sdelay $0x1  }
0x134: {  	v2 =	vmul.f32 v2, v0;
	_ =	sdelay $0x1  }
0x135: {  	[tilespmem:s22+$0xFFFFFF90] =	vst v2  }
0x136: {  	v2 =	vld [tilespmem:s21+$0xFFFFFFA0];
	_ =	sdelay $0x4  }
0x137: {  	v2 =	vshll.u32 v2, v1  }
0x138: {  	v2 =	vshra.s32 v2, $0x18  }
0x139: {  	v2 =	vcvt.s32.f32 v2;
	_ =	sdelay $0x1  }
0x13a: {  	v2 =	vmul.f32 v2, v0;
	_ =	sdelay $0x1  }
0x13b: {  	[tilespmem:s22+$0xFFFFFFA0] =	vst v2  }
0x13c: {  	v2 =	vld [tilespmem:s21+$0xFFFFFFB0];
	_ =	sdelay $0x2  }
0x13d: {  	s29 =	simm.s32 $0x1  }
0x13e: {  	v3 =	vmov s29  }
0x13f: {  	v1 =	vshll.u32 v2, v1;
	v2 =	vand.u32 $0xFFFFFFFD, v3  }
0x140: {  	v1 =	vshra.s32 v1, $0x18;
	v2 =	vbroadcast v2, $0x0  }
0x141: {  	v1 =	vcvt.s32.f32 v1;
	_ =	sdelay $0x1  }
0x142: {  	v0 =	vmul.f32 v1, v0;
	_ =	sdelay $0x1  }
0x143: {  	[tilespmem:s22+$0xFFFFFFB0] =	vst v0  }
0x144: {  	v0 =	vld.idx.msk [tilespmem:v2+s19+$0x0], $0xffff  }
0x145: {  	v1 =	vld [tilespmem:s21+$0xFFFFFFC0];
	_ =	sdelay $0x3  }
0x146: {  	v2 =	vld.idx.msk [tilespmem:v2+s20+$0x0], $0xffff  }
0x147: {  	v1 =	vshll.u32 v1, v0  }
0x148: {  	v1 =	vshra.s32 v1, $0x18  }
0x149: {  	v1 =	vcvt.s32.f32 v1;
	_ =	sdelay $0x1  }
0x14a: {  	v1 =	vmul.f32 v1, v2;
	_ =	sdelay $0x1  }
0x14b: {  	[tilespmem:s22+$0xFFFFFFC0] =	vst v1  }
0x14c: {  	v1 =	vld [tilespmem:s21+$0xFFFFFFD0];
	_ =	sdelay $0x4  }
0x14d: {  	v1 =	vshll.u32 v1, v0  }
0x14e: {  	v1 =	vshra.s32 v1, $0x18  }
0x14f: {  	v1 =	vcvt.s32.f32 v1;
	_ =	sdelay $0x1  }
0x150: {  	v1 =	vmul.f32 v1, v2;
	_ =	sdelay $0x1  }
0x151: {  	[tilespmem:s22+$0xFFFFFFD0] =	vst v1  }
0x152: {  	v1 =	vld [tilespmem:s21+$0xFFFFFFE0];
	_ =	sdelay $0x4  }
0x153: {  	v1 =	vshll.u32 v1, v0  }
0x154: {  	v1 =	vshra.s32 v1, $0x18  }
0x155: {  	v1 =	vcvt.s32.f32 v1;
	_ =	sdelay $0x1  }
0x156: {  	v1 =	vmul.f32 v1, v2;
	_ =	sdelay $0x1  }
0x157: {  	[tilespmem:s22+$0xFFFFFFE0] =	vst v1  }
0x158: {  	v1 =	vld [tilespmem:s21+$0xFFFFFFF0];
	_ =	sdelay $0x2  }
0x159: {  	s30 =	simm.s32 $0x2  }
0x15a: {  	v3 =	vmov s30  }
0x15b: {  	v0 =	vshll.u32 v1, v0;
	v1 =	vand.u32 $0xFFFFFFFE, v3  }
0x15c: {  	v0 =	vshra.s32 v0, $0x18;
	v1 =	vbroadcast v1, $0x0  }
0x15d: {  	v0 =	vcvt.s32.f32 v0;
	_ =	sdelay $0x1  }
0x15e: {  	v0 =	vmul.f32 v0, v2;
	_ =	sdelay $0x1  }
0x15f: {  	[tilespmem:s22+$0xFFFFFFF0] =	vst v0  }
0x160: {  	v0 =	vld.idx.msk [tilespmem:v1+s19+$0x0], $0xffff  }
0x161: {  	v2 =	vld [tilespmem:s21+$0x0];
	_ =	sdelay $0x3  }
0x162: {  	v1 =	vld.idx.msk [tilespmem:v1+s20+$0x0], $0xffff  }
0x163: {  	v2 =	vshll.u32 v2, v0  }
0x164: {  	v2 =	vshra.s32 v2, $0x18  }
0x165: {  	v2 =	vcvt.s32.f32 v2;
	_ =	sdelay $0x1  }
0x166: {  	v2 =	vmul.f32 v2, v1;
	_ =	sdelay $0x1  }
0x167: {  	[tilespmem:s22+$0x0] =	vst v2  }
0x168: {  	v2 =	vld [tilespmem:s21+$0x10];
	_ =	sdelay $0x4  }
0x169: {  	v2 =	vshll.u32 v2, v0  }
0x16a: {  	v2 =	vshra.s32 v2, $0x18  }
0x16b: {  	v2 =	vcvt.s32.f32 v2;
	_ =	sdelay $0x1  }
0x16c: {  	v2 =	vmul.f32 v2, v1;
	_ =	sdelay $0x1  }
0x16d: {  	[tilespmem:s22+$0x10] =	vst v2  }
0x16e: {  	v2 =	vld [tilespmem:s21+$0x20];
	_ =	sdelay $0x4  }
0x16f: {  	v2 =	vshll.u32 v2, v0  }
0x170: {  	v2 =	vshra.s32 v2, $0x18  }
0x171: {  	v2 =	vcvt.s32.f32 v2;
	_ =	sdelay $0x1  }
0x172: {  	v2 =	vmul.f32 v2, v1;
	_ =	sdelay $0x1  }
0x173: {  	[tilespmem:s22+$0x20] =	vst v2  }
0x174: {  	v2 =	vld [tilespmem:s21+$0x30];
	_ =	sdelay $0x4  }
0x175: {  	v0 =	vshll.u32 v2, v0  }
0x176: {  	s31 =	simm.s32 $0x3;
	v0 =	vshra.s32 v0, $0x18  }
0x177: {  	v2 =	vmov s31;
	v0 =	vcvt.s32.f32 v0;
	_ =	sdelay $0x1  }
0x178: {  	v0 =	vmul.f32 v0, v1;
	_ =	sdelay $0x1  }
0x179: {  	[tilespmem:s22+$0x30] =	vst v0  }
0x17a: {  	v0 =	vld.idx.msk [tilespmem:v2+s19+$0x0], $0xffff  }
0x17b: {  	v1 =	vld [tilespmem:s21+$0x40];
	_ =	sdelay $0x3  }
0x17c: {  	v2 =	vld.idx.msk [tilespmem:v2+s20+$0x0], $0xffff  }
0x17d: {  	v1 =	vshll.u32 v1, v0  }
0x17e: {  	v1 =	vshra.s32 v1, $0x18  }
0x17f: {  	v1 =	vcvt.s32.f32 v1;
	_ =	sdelay $0x1  }
0x180: {  	v1 =	vmul.f32 v1, v2;
	_ =	sdelay $0x1  }
0x181: {  	[tilespmem:s22+$0x40] =	vst v1  }
0x182: {  	v1 =	vld [tilespmem:s21+$0x50];
	_ =	sdelay $0x4  }
0x183: {  	v1 =	vshll.u32 v1, v0  }
0x184: {  	v1 =	vshra.s32 v1, $0x18  }
0x185: {  	v1 =	vcvt.s32.f32 v1;
	_ =	sdelay $0x1  }
0x186: {  	v1 =	vmul.f32 v1, v2;
	_ =	sdelay $0x1  }
0x187: {  	[tilespmem:s22+$0x50] =	vst v1  }
0x188: {  	v1 =	vld [tilespmem:s21+$0x60];
	_ =	sdelay $0x4  }
0x189: {  	v1 =	vshll.u32 v1, v0  }
0x18a: {  	v1 =	vshra.s32 v1, $0x18  }
0x18b: {  	v1 =	vcvt.s32.f32 v1;
	_ =	sdelay $0x1  }
0x18c: {  	v1 =	vmul.f32 v1, v2;
	_ =	sdelay $0x1  }
0x18d: {  	[tilespmem:s22+$0x60] =	vst v1  }
0x18e: {  	v1 =	vld [tilespmem:s21+$0x70];
	_ =	sdelay $0x4  }
0x18f: {  	s23 =	simm.s32 $0x4;
	v0 =	vshll.u32 v1, v0  }
0x190: {  	v1 =	vmov s23;
	v0 =	vshra.s32 v0, $0x18  }
0x191: {  	v3 =	vcvt.s32.f32 v0;
	v0 =	vand.u32 $0xFFFFFFFC, v1  }
0x192: {  	v0 =	vbroadcast v0, $0x0;
	_ =	sdelay $0x2  }
0x193: {  	s26 =	simm.s32 $0x8;
	v1 =	vmul.f32 v3, v2  }
.LBB2_5:
0x194: {  	s21 =	sadd.s32 $0x100, s21  }
0x195: {  	s25 =	smov.u32 s26;
	s24 =	sadd.s32 $0x4, s26;
	[tilespmem:s22+$0x70] =	vst v1;
	s22 =	sadd.s32 $0x100, s22  }
0x196: {  	p1 =	slt.u32 s26, $0xFC;
	v1 =	vld.idx.msk [tilespmem:v0+s19+$0x0], $0xffff  }
0x197: {  	v2 =	vld [tilespmem:s21+$0xFFFFFF80];
	_ =	sdelay $0x2  }
0x198: {  	v0 =	vld.idx.msk [tilespmem:v0+s20+$0x0], $0xffff;
	_ =	sdelay $0x1  }
0x199: {  	v2 =	vshll.u32 v2, v1  }
0x19a: {  	v2 =	vshra.s32 v2, $0x18  }
0x19b: {  	v2 =	vcvt.s32.f32 v2;
	_ =	sdelay $0x1  }
0x19c: {  	v2 =	vmul.f32 v2, v0;
	_ =	sdelay $0x1  }
0x19d: {  	[tilespmem:s22+$0xFFFFFF80] =	vst v2  }
0x19e: {  	v2 =	vld [tilespmem:s21+$0xFFFFFF90];
	_ =	sdelay $0x4  }
0x19f: {  	v2 =	vshll.u32 v2, v1  }
0x1a0: {  	v2 =	vshra.s32 v2, $0x18  }
0x1a1: {  	v2 =	vcvt.s32.f32 v2;
	_ =	sdelay $0x1  }
0x1a2: {  	v2 =	vmul.f32 v2, v0;
	_ =	sdelay $0x1  }
0x1a3: {  	[tilespmem:s22+$0xFFFFFF90] =	vst v2  }
0x1a4: {  	v2 =	vld [tilespmem:s21+$0xFFFFFFA0];
	_ =	sdelay $0x4  }
0x1a5: {  	v2 =	vshll.u32 v2, v1  }
0x1a6: {  	v2 =	vshra.s32 v2, $0x18  }
0x1a7: {  	v2 =	vcvt.s32.f32 v2;
	_ =	sdelay $0x1  }
0x1a8: {  	v2 =	vmul.f32 v2, v0;
	_ =	sdelay $0x1  }
0x1a9: {  	[tilespmem:s22+$0xFFFFFFA0] =	vst v2  }
0x1aa: {  	v2 =	vld [tilespmem:s21+$0xFFFFFFB0];
	_ =	sdelay $0x2  }
0x1ab: {  	s26 =	sadd.s32 $0x1, s23  }
0x1ac: {  	v3 =	vmov s26  }
0x1ad: {  	v1 =	vshll.u32 v2, v1;
	v2 =	vand.u32 $0xFFFFFFFD, v3  }
0x1ae: {  	v1 =	vshra.s32 v1, $0x18;
	v2 =	vbroadcast v2, $0x0  }
0x1af: {  	v1 =	vcvt.s32.f32 v1;
	_ =	sdelay $0x1  }
0x1b0: {  	v0 =	vmul.f32 v1, v0;
	_ =	sdelay $0x1  }
0x1b1: {  	[tilespmem:s22+$0xFFFFFFB0] =	vst v0  }
0x1b2: {  	v0 =	vld.idx.msk [tilespmem:v2+s19+$0x0], $0xffff  }
0x1b3: {  	v1 =	vld [tilespmem:s21+$0xFFFFFFC0];
	_ =	sdelay $0x2  }
0x1b4: {  	v2 =	vld.idx.msk [tilespmem:v2+s20+$0x0], $0xffff;
	_ =	sdelay $0x1  }
0x1b5: {  	v1 =	vshll.u32 v1, v0  }
0x1b6: {  	v1 =	vshra.s32 v1, $0x18  }
0x1b7: {  	v1 =	vcvt.s32.f32 v1;
	_ =	sdelay $0x1  }
0x1b8: {  	v1 =	vmul.f32 v1, v2;
	_ =	sdelay $0x1  }
0x1b9: {  	[tilespmem:s22+$0xFFFFFFC0] =	vst v1  }
0x1ba: {  	v1 =	vld [tilespmem:s21+$0xFFFFFFD0];
	_ =	sdelay $0x4  }
0x1bb: {  	v1 =	vshll.u32 v1, v0  }
0x1bc: {  	v1 =	vshra.s32 v1, $0x18  }
0x1bd: {  	v1 =	vcvt.s32.f32 v1;
	_ =	sdelay $0x1  }
0x1be: {  	v1 =	vmul.f32 v1, v2;
	_ =	sdelay $0x1  }
0x1bf: {  	[tilespmem:s22+$0xFFFFFFD0] =	vst v1  }
0x1c0: {  	v1 =	vld [tilespmem:s21+$0xFFFFFFE0];
	_ =	sdelay $0x4  }
0x1c1: {  	v1 =	vshll.u32 v1, v0  }
0x1c2: {  	v1 =	vshra.s32 v1, $0x18  }
0x1c3: {  	v1 =	vcvt.s32.f32 v1;
	_ =	sdelay $0x1  }
0x1c4: {  	v1 =	vmul.f32 v1, v2;
	_ =	sdelay $0x1  }
0x1c5: {  	[tilespmem:s22+$0xFFFFFFE0] =	vst v1  }
0x1c6: {  	v1 =	vld [tilespmem:s21+$0xFFFFFFF0];
	_ =	sdelay $0x2  }
0x1c7: {  	s26 =	sadd.s32 $0x2, s23  }
0x1c8: {  	v3 =	vmov s26  }
0x1c9: {  	v0 =	vshll.u32 v1, v0;
	v1 =	vand.u32 $0xFFFFFFFE, v3  }
0x1ca: {  	v0 =	vshra.s32 v0, $0x18;
	v1 =	vbroadcast v1, $0x0  }
0x1cb: {  	v0 =	vcvt.s32.f32 v0;
	_ =	sdelay $0x1  }
0x1cc: {  	v0 =	vmul.f32 v0, v2;
	_ =	sdelay $0x1  }
0x1cd: {  	[tilespmem:s22+$0xFFFFFFF0] =	vst v0  }
0x1ce: {  	v0 =	vld.idx.msk [tilespmem:v1+s19+$0x0], $0xffff  }
0x1cf: {  	v2 =	vld [tilespmem:s21+$0x0];
	_ =	sdelay $0x2  }
0x1d0: {  	v1 =	vld.idx.msk [tilespmem:v1+s20+$0x0], $0xffff;
	_ =	sdelay $0x1  }
0x1d1: {  	v2 =	vshll.u32 v2, v0  }
0x1d2: {  	v2 =	vshra.s32 v2, $0x18  }
0x1d3: {  	v2 =	vcvt.s32.f32 v2;
	_ =	sdelay $0x1  }
0x1d4: {  	v2 =	vmul.f32 v2, v1;
	_ =	sdelay $0x1  }
0x1d5: {  	[tilespmem:s22+$0x0] =	vst v2  }
0x1d6: {  	v2 =	vld [tilespmem:s21+$0x10];
	_ =	sdelay $0x4  }
0x1d7: {  	v2 =	vshll.u32 v2, v0  }
0x1d8: {  	v2 =	vshra.s32 v2, $0x18  }
0x1d9: {  	v2 =	vcvt.s32.f32 v2;
	_ =	sdelay $0x1  }
0x1da: {  	v2 =	vmul.f32 v2, v1;
	_ =	sdelay $0x1  }
0x1db: {  	[tilespmem:s22+$0x10] =	vst v2  }
0x1dc: {  	v2 =	vld [tilespmem:s21+$0x20];
	_ =	sdelay $0x4  }
0x1dd: {  	v2 =	vshll.u32 v2, v0  }
0x1de: {  	v2 =	vshra.s32 v2, $0x18  }
0x1df: {  	v2 =	vcvt.s32.f32 v2;
	_ =	sdelay $0x1  }
0x1e0: {  	v2 =	vmul.f32 v2, v1;
	_ =	sdelay $0x1  }
0x1e1: {  	[tilespmem:s22+$0x20] =	vst v2  }
0x1e2: {  	v2 =	vld [tilespmem:s21+$0x30];
	_ =	sdelay $0x4  }
0x1e3: {  	v0 =	vshll.u32 v2, v0  }
0x1e4: {  	s26 =	sadd.s32 $0x3, s23;
	s23 =	smov.u32 s25;
	v0 =	vshra.s32 v0, $0x18  }
0x1e5: {  	v2 =	vmov s26;
	v0 =	vcvt.s32.f32 v0;
	_ =	sdelay $0x1  }
0x1e6: {  	v0 =	vmul.f32 v0, v1;
	_ =	sdelay $0x1  }
0x1e7: {  	[tilespmem:s22+$0x30] =	vst v0  }
0x1e8: {  	v0 =	vld.idx.msk [tilespmem:v2+s19+$0x0], $0xffff  }
0x1e9: {  	v1 =	vld [tilespmem:s21+$0x40]  }
0x1ea: {  	v2 =	vld.idx.msk [tilespmem:v2+s20+$0x0], $0xffff;
	_ =	sdelay $0x3  }
0x1eb: {  	v1 =	vshll.u32 v1, v0  }
0x1ec: {  	v1 =	vshra.s32 v1, $0x18  }
0x1ed: {  	v1 =	vcvt.s32.f32 v1;
	_ =	sdelay $0x1  }
0x1ee: {  	v1 =	vmul.f32 v1, v2;
	_ =	sdelay $0x1  }
0x1ef: {  	[tilespmem:s22+$0x40] =	vst v1  }
0x1f0: {  	v1 =	vld [tilespmem:s21+$0x50];
	_ =	sdelay $0x4  }
0x1f1: {  	v1 =	vshll.u32 v1, v0  }
0x1f2: {  	v1 =	vshra.s32 v1, $0x18  }
0x1f3: {  	v1 =	vcvt.s32.f32 v1;
	_ =	sdelay $0x1  }
0x1f4: {  	v1 =	vmul.f32 v1, v2;
	_ =	sdelay $0x1  }
0x1f5: {  	[tilespmem:s22+$0x50] =	vst v1  }
0x1f6: {  	v1 =	vld [tilespmem:s21+$0x60];
	_ =	sdelay $0x4  }
0x1f7: {  	v1 =	vshll.u32 v1, v0  }
0x1f8: {  	v1 =	vshra.s32 v1, $0x18  }
0x1f9: {  	v1 =	vcvt.s32.f32 v1;
	_ =	sdelay $0x1  }
0x1fa: {  	v1 =	vmul.f32 v1, v2;
	_ =	sdelay $0x1  }
0x1fb: {  	[tilespmem:s22+$0x60] =	vst v1  }
0x1fc: {  	v1 =	vld [tilespmem:s21+$0x70];
	_ =	sdelay $0x3  }
0x1fd: {  	v3 =	vmov s23  }
.Ltmp1:
0x1fe: {  	v3 =	vand.u32 $0xFFFFFFFC, v3;
	v1 =	vshll.u32 v1, v0;
	(pc) =	sbr.rel @p1 .LBB2_5-.Ltmp1, $3  }
0x1ff: {  	v0 =	vbroadcast v3, $0x0;
	v1 =	vshra.s32 v1, $0x18  }
0x200: {  	v1 =	vcvt.s32.f32 v1;
	_ =	sdelay $0x1  }
0x201: {  	s26 =	smov.u32 s24;
	v1 =	vmul.f32 v1, v2  }
0x202: {  	_ =	sdelay $0x2  }
0x203: {  	[tilespmem:s22+$0x70] =	vst v1  }
0x204: {  	s24 =	sadd.s32 $0x100, s21;
	v1 =	vld.idx.msk [tilespmem:v0+s19+$0x0], $0xffff  }
0x205: {  	v2 =	vld [tilespmem:s24+$0xFFFFFF80];
	_ =	sdelay $0x3  }
0x206: {  	v56 =	vld.idx.msk [tilespmem:v0+s20+$0x0], $0xffff  }
0x207: {  	v2 =	vshll.u32 v2, v1  }
0x208: {  	v2 =	vshra.s32 v2, $0x18  }
0x209: {  	v2 =	vcvt.s32.f32 v2;
	_ =	sdelay $0x1  }
0x20a: {  	v2 =	vmul.f32 v2, v56  }
0x20b: {  	s26 =	sadd.s32 $0x100, s22  }
0x20c: {  	[tilespmem:s26+$0xFFFFFF80] =	vst v2  }
0x20d: {  	v2 =	vld [tilespmem:s24+$0xFFFFFF90];
	_ =	sdelay $0x4  }
0x20e: {  	v2 =	vshll.u32 v2, v1  }
0x20f: {  	v2 =	vshra.s32 v2, $0x18  }
0x210: {  	v2 =	vcvt.s32.f32 v2;
	_ =	sdelay $0x1  }
0x211: {  	v2 =	vmul.f32 v2, v56;
	_ =	sdelay $0x1  }
0x212: {  	[tilespmem:s26+$0xFFFFFF90] =	vst v2  }
0x213: {  	v2 =	vld [tilespmem:s24+$0xFFFFFFA0];
	_ =	sdelay $0x4  }
0x214: {  	v2 =	vshll.u32 v2, v1  }
0x215: {  	v2 =	vshra.s32 v2, $0x18  }
0x216: {  	v2 =	vcvt.s32.f32 v2;
	_ =	sdelay $0x1  }
0x217: {  	v2 =	vmul.f32 v2, v56;
	_ =	sdelay $0x1  }
0x218: {  	[tilespmem:s26+$0xFFFFFFA0] =	vst v2  }
0x219: {  	v2 =	vld [tilespmem:s24+$0xFFFFFFB0];
	_ =	sdelay $0x2  }
0x21a: {  	s28 =	sadd.s32 $0x1, s23  }
0x21b: {  	v3 =	vmov s28  }
0x21c: {  	v57 =	vand.u32 $0xFFFFFFFD, v3;
	v1 =	vshll.u32 v2, v1  }
0x21d: {  	v2 =	vbroadcast v57, $0x0;
	v1 =	vshra.s32 v1, $0x18  }
0x21e: {  	v1 =	vcvt.s32.f32 v1;
	_ =	sdelay $0x1  }
0x21f: {  	v0 =	vmul.f32 v1, v56;
	_ =	sdelay $0x1  }
0x220: {  	[tilespmem:s26+$0xFFFFFFB0] =	vst v0  }
0x221: {  	v0 =	vld.idx.msk [tilespmem:v2+s19+$0x0], $0xffff  }
0x222: {  	v58 =	vld [tilespmem:s24+$0xFFFFFFC0];
	_ =	sdelay $0x3  }
0x223: {  	v2 =	vld.idx.msk [tilespmem:v2+s20+$0x0], $0xffff  }
0x224: {  	v1 =	vshll.u32 v58, v0  }
0x225: {  	v1 =	vshra.s32 v1, $0x18  }
0x226: {  	v1 =	vcvt.s32.f32 v1;
	_ =	sdelay $0x1  }
0x227: {  	v1 =	vmul.f32 v1, v2;
	_ =	sdelay $0x1  }
0x228: {  	[tilespmem:s26+$0xFFFFFFC0] =	vst v1  }
0x229: {  	v1 =	vld [tilespmem:s24+$0xFFFFFFD0];
	_ =	sdelay $0x4  }
0x22a: {  	v1 =	vshll.u32 v1, v0  }
0x22b: {  	v1 =	vshra.s32 v1, $0x18  }
0x22c: {  	v1 =	vcvt.s32.f32 v1;
	_ =	sdelay $0x1  }
0x22d: {  	v1 =	vmul.f32 v1, v2;
	_ =	sdelay $0x1  }
0x22e: {  	[tilespmem:s26+$0xFFFFFFD0] =	vst v1  }
0x22f: {  	v1 =	vld [tilespmem:s24+$0xFFFFFFE0];
	_ =	sdelay $0x4  }
0x230: {  	v1 =	vshll.u32 v1, v0  }
0x231: {  	v1 =	vshra.s32 v1, $0x18  }
0x232: {  	v1 =	vcvt.s32.f32 v1;
	_ =	sdelay $0x1  }
0x233: {  	v1 =	vmul.f32 v1, v2;
	_ =	sdelay $0x1  }
0x234: {  	[tilespmem:s26+$0xFFFFFFE0] =	vst v1  }
0x235: {  	v1 =	vld [tilespmem:s24+$0xFFFFFFF0];
	_ =	sdelay $0x2  }
0x236: {  	s29 =	sadd.s32 $0x2, s23  }
0x237: {  	v59 =	vmov s29  }
0x238: {  	v60 =	vand.u32 $0xFFFFFFFE, v59;
	v0 =	vshll.u32 v1, v0  }
0x239: {  	v1 =	vbroadcast v60, $0x0;
	v0 =	vshra.s32 v0, $0x18  }
0x23a: {  	v0 =	vcvt.s32.f32 v0;
	_ =	sdelay $0x1  }
0x23b: {  	v0 =	vmul.f32 v0, v2;
	_ =	sdelay $0x1  }
0x23c: {  	[tilespmem:s26+$0xFFFFFFF0] =	vst v0  }
0x23d: {  	v0 =	vld.idx.msk [tilespmem:v1+s19+$0x0], $0xffff  }
0x23e: {  	v61 =	vld [tilespmem:s24+$0x0];
	_ =	sdelay $0x3  }
0x23f: {  	v1 =	vld.idx.msk [tilespmem:v1+s20+$0x0], $0xffff  }
0x240: {  	v2 =	vshll.u32 v61, v0  }
0x241: {  	v2 =	vshra.s32 v2, $0x18  }
0x242: {  	v2 =	vcvt.s32.f32 v2;
	_ =	sdelay $0x1  }
0x243: {  	v2 =	vmul.f32 v2, v1;
	_ =	sdelay $0x1  }
0x244: {  	[tilespmem:s26+$0x0] =	vst v2  }
0x245: {  	v2 =	vld [tilespmem:s24+$0x10];
	_ =	sdelay $0x4  }
0x246: {  	v2 =	vshll.u32 v2, v0  }
0x247: {  	v2 =	vshra.s32 v2, $0x18  }
0x248: {  	v2 =	vcvt.s32.f32 v2;
	_ =	sdelay $0x1  }
0x249: {  	v2 =	vmul.f32 v2, v1;
	_ =	sdelay $0x1  }
0x24a: {  	[tilespmem:s26+$0x10] =	vst v2  }
0x24b: {  	v2 =	vld [tilespmem:s24+$0x20];
	_ =	sdelay $0x4  }
0x24c: {  	v2 =	vshll.u32 v2, v0  }
0x24d: {  	v2 =	vshra.s32 v2, $0x18  }
0x24e: {  	v2 =	vcvt.s32.f32 v2;
	_ =	sdelay $0x1  }
0x24f: {  	v2 =	vmul.f32 v2, v1;
	_ =	sdelay $0x1  }
0x250: {  	[tilespmem:s26+$0x20] =	vst v2  }
0x251: {  	v2 =	vld [tilespmem:s24+$0x30];
	_ =	sdelay $0x4  }
0x252: {  	v0 =	vshll.u32 v2, v0  }
0x253: {  	s30 =	sadd.s32 $0x3, s23;
	v0 =	vshra.s32 v0, $0x18  }
0x254: {  	v62 =	vmov s30;
	v0 =	vcvt.s32.f32 v0;
	_ =	sdelay $0x1  }
0x255: {  	v0 =	vmul.f32 v0, v1;
	_ =	sdelay $0x1  }
0x256: {  	[tilespmem:s26+$0x30] =	vst v0  }
0x257: {  	v0 =	vld.idx.msk [tilespmem:v62+s19+$0x0], $0xffff  }
0x258: {  	v63 =	vld [tilespmem:s24+$0x40];
	_ =	sdelay $0x3  }
0x259: {  	v2 =	vld.idx.msk [tilespmem:v62+s20+$0x0], $0xffff  }
0x25a: {  	v1 =	vshll.u32 v63, v0  }
0x25b: {  	v1 =	vshra.s32 v1, $0x18  }
0x25c: {  	v1 =	vcvt.s32.f32 v1;
	_ =	sdelay $0x1  }
0x25d: {  	v1 =	vmul.f32 v1, v2;
	_ =	sdelay $0x1  }
0x25e: {  	[tilespmem:s26+$0x40] =	vst v1  }
0x25f: {  	v1 =	vld [tilespmem:s24+$0x50];
	_ =	sdelay $0x4  }
0x260: {  	v1 =	vshll.u32 v1, v0  }
0x261: {  	v1 =	vshra.s32 v1, $0x18  }
0x262: {  	v1 =	vcvt.s32.f32 v1;
	_ =	sdelay $0x1  }
0x263: {  	v1 =	vmul.f32 v1, v2;
	_ =	sdelay $0x1  }
0x264: {  	[tilespmem:s26+$0x50] =	vst v1  }
0x265: {  	v1 =	vld [tilespmem:s24+$0x60];
	_ =	sdelay $0x4  }
0x266: {  	v1 =	vshll.u32 v1, v0  }
0x267: {  	v1 =	vshra.s32 v1, $0x18  }
0x268: {  	v1 =	vcvt.s32.f32 v1;
	_ =	sdelay $0x1  }
0x269: {  	v1 =	vmul.f32 v1, v2;
	_ =	sdelay $0x1  }
0x26a: {  	[tilespmem:s26+$0x60] =	vst v1  }
0x26b: {  	v1 =	vld [tilespmem:s24+$0x70];
	_ =	sdelay $0x4  }
0x26c: {  	v0 =	vshll.u32 v1, v0  }
0x26d: {  	s31 =	sshll.u32 s17, $0xE;
	s17 =	sadd.s32 $0x1, s17;
	v0 =	vshra.s32 v0, $0x18  }
0x26e: {  	p1 =	sne.s32 s17, $0x28;
	v0 =	vcvt.s32.f32 v0  }
.Ltmp2:
0x26f: {  	_ = 	snop;
	(pc) =	sbr.rel @p1 .LBB2_2-.Ltmp2, $4  }
0x270: {  	s19 =	sadd.s32 s7, s31;
	v0 =	vmul.f32 v0, v2  }
0x271: {  	s18 =	sshll.u32 s18, $0xE;
	s19 =	sshrl.u32 s19, $0x3  }
0x272: {  	p0 =	por !p0, !p0;
	s18 =	sor.u32 $0xAE00, s18;
	s19 =	sadd.s32 s2, s19;
	[tilespmem:s26+$0x70] =	vst v0  }
0x273: {  	[hbm4b:s19+s3] =	stream.linear.scatter [tilespmem:s18], [sflag:$0x2], $0x4000, $0x38;
	[tilespmem:$0x16B10] =	vst v63  }
0x274: {  	s16 =	sadd.s32 $0x1, s16  }
0x275: {  	_ =	swait.ge [sflag:s15], $0x4000;
	p0 =	sne.s32 s16, s8  }
.Ltmp3:
0x276: {  	[sflag:s15] =	ssyncset.done $0x0;
	(pc) =	sbr.rel @p0 .LBB2_1-.Ltmp3, $4  }
0x277: {  	[sflag:s15] =	ssyncadd.s32 $0xFFFFC000  }
0x278: {  	_ =	swait.ge [sflag:s15], $0x4000  }
0x279: {  	[sflag:s15] =	ssyncset.done $0x0  }
0x27a: {  	[sflag:s15] =	ssyncadd.s32 $0xFFFFC000  }
0x27b: {  	_ =	sfence.sel $0x180000  }
0x27c: {  	[bflag:$0x0] =	sbarrier.arrive $0xFFFF  }
0x27d: {  	p0 =	sne.s32 s0, $0x0;
	_ =	strace $0x90000047  }
0x27e: {  	s0 =	sadd.s32 @!p0 $0x100000, s1;
	[bflag:$0x2] =	sbarrier.arrive $0xFFFF  }
0x27f: {  	[sflag:s0] =	ssyncadd.tile.s32 @!p0 $0x1;
	_ =	shalt  }
.Lfunc_end2:
_tile_overlayer_lowered:
.L_overlay_start_2:
0x280: {  	(tag) =	ssettag $0x2  }
0x281: {  	s0 =	rddreg [dreg:$0x0];
	s2 =	stileid.u32  }
0x282: {  	s1 =	rddreg [dreg:$0x1];
	p0 =	sne.s32 s2, $0x0  }
0x283: {  	s3 =	rddreg [dreg:$0x2];
	[bflag:$0x3] =	sbarrier.arrive $0xFFFF;
	s2 =	simm.s32 @!p0 $0x1C03  }
0x284: {  	[timem:s3], [sflag:s2] =	dma.local @!p0 [hbm:s0], s1  }
0x285: {  	s0 =	simm.s32 @!p0 $0x3  }
0x286: {  	_ =	swait.ge @!p0 [sflag:s0], s1  }
0x287: {  	s1 =	ssub.s32 @!p0 $0x0, s1;
	[sflag:s0] =	ssyncset.done @!p0 $0x0  }
0x288: {  	[sflag:s0] =	ssyncadd.s32 @!p0 s1  }
0x289: {  	[bflag:$0x3] =	sbarrier.arrive $0xFFFF  }
0x28a: {  	_ =	shalt  }

// kernel: sparse-core-data-format-call.cloned.1.call-start
scs
called_computation_lowered:
.L_overlay_start_0:
0x0: {  	s2 =	sld [smem:$0x3FD9]  }
0x1: {  	s3 =	sld [smem:$0x3FFE];
	_ =	sdelay $0x1  }
0x2: {  	s1 =	srdreg.scid  }
0x3: {  	s0 =	sand.u32 $0x1, s1  }
0x4: {  	s18 =	sshll.u32 s0, $0xA;
	s2 =	sadd.s32 s3, s2  }
0x5: {  	s2 =	sadd.s32 s2, s18  }
0x6: {  	[smem:$0x3FC5] =	sst s2  }
0x7: {  	_ = 	snop  }
0x8: {  	s2 =	sld [smem:$0x3FD0];
	(tm) =	ssettm $0x1  }
0x9: {  	s19 =	sld [smem:$0x3FFB];
	_ =	sdelay $0x3  }
0xa: {  	_ =	strace s19  }
0xb: {  	s3 =	sld [smem:$0x3FFC];
	_ =	sdelay $0x3  }
0xc: {  	_ =	strace s3  }
0xd: {  	s3 =	sld [smem:$0x3FFD];
	_ =	sdelay $0x3  }
0xe: {  	_ =	strace s3  }
0xf: {  	_ =	strace $0x8FFFFFFF  }
0x10: {  	s20 =	sld [smem:$0x3FDB];
	_ =	sdelay $0x1  }
0x11: {  	s4 =	simm.s32 $_scs_section_size  }
0x12: {  	s5 =	simm.s32 $_size__tile_overlayer_lowered;
	s6 =	simm.s32 $_tile_overlayer_lowered  }
0x13: {  	s23 =	simm.s32 $0x1BFF;
	s22 =	sshll.u32 s6, $0x1;
	s3 =	sadd.s32 s4, s20  }
0x14: {  	s7 =	simm.s32 $0x0;
	s21 =	sshll.u32 s5, $0x1;
	s5 =	sadd.s32 s22, s3  }
0x15: {  	[timem:s7], [sflag:s23] =	dma.local [hbm:s5], s21  }
0x16: {  	_ =	swait.ge [sflag:s23], s21  }
0x17: {  	s4 =	ssub.s32 $0x0, s21;
	[sflag:s23] =	ssyncset.done $0x0  }
0x18: {  	[sflag:s23] =	ssyncadd.s32 s4;
	_ =	sdelay $0x1  }
0x19: {  	s24 =	simm.s32 $0x1B8B  }
0x1a: {  	_ =	swait.ge [sflag:s24], $0x1  }
0x1b: {  	[sflag:s24] =	ssyncset.done $0x0  }
0x1c: {  	s26 =	simm.s32 $0x1B8E;
	s25 =	sld [smem:$0x3FFE];
	[sflag:s24] =	ssyncadd.s32 $0xFFFFFFFF  }
0x1d: {  	s27 =	simm.s32 $execute0_lowered;
	[smem:$0x3FD2] =	sst s26  }
0x1e: {  	s5 =	sshll.u32 s27, $0x1;
	_ =	strace $0x80000049;
	[dreg:$0x1] =	wrdreg $0xFFFFFFFF  }
0x1f: {  	s28 =	simm.s32 $_size_execute0_lowered;
	s3 =	sadd.s32 s3, s5;
	[dreg:$0x0] =	wrdreg $0x0  }
0x20: {  	s5 =	sshll.u32 s28, $0x1;
	[dreg:$0x2] =	wrdreg s3  }
0x21: {  	[dreg:$0x3] =	wrdreg s5  }
0x22: {  	[dreg:$0x4] =	wrdreg $0xC0  }
0x23: {  	_ =	task [dreg:s7], $0x5FFFF  }
0x24: {  	[dreg:$0x1] =	wrdreg $0xFFFFFFFF  }
0x25: {  	[dreg:$0x0] =	wrdreg $0x60  }
0x26: {  	[dreg:$0x2] =	wrdreg s25  }
0x27: {  	[dreg:$0x3] =	wrdreg s2  }
0x28: {  	[dreg:$0x4] =	wrdreg $0x9  }
0x29: {  	_ =	task.clear_ibuf [dreg:s7], $0x5FFFF;
	_ =	strace $0x90000049  }
0x2a: {  	s29 =	simm.s32 $0x9;
	_ =	strace $0x8000004B  }
0x2b: {  	_ =	swait.ge [sflag:s29], $0x1  }
0x2c: {  	[sflag:s29] =	ssyncadd.s32 $0xFFFFFFFF  }
0x2d: {  	_ =	strace $0x9000004B  }
0x2e: {  	_ =	sfence  }
0x2f: {  	s30 =	sld [smem:$0x0];
	_ =	sdelay $0x2  }
0x30: {  	s31 =	sshll.u32 s1, $0xD;
	s1 =	sshrl.u32 s1, $0x2  }
0x31: {  	s3 =	sand.u32 $0x4000, s31;
	s1 =	sadd.s32 s1, s30  }
0x32: {  	s0 =	sor.u32 s3, s0;
	s1 =	sshll.u32 s1, $0x11  }
0x33: {  	s0 =	sor.u32 s1, s0  }
0x34: {  	s0 =	sadd.s32 $0x8F2B, s0  }
0x35: {  	[sflag:s0] =	ssyncadd.remote.s32 $0x1  }
0x36: {  	_ =	sfence.sel $0xFFFF  }
0x37: {  	[dreg:$0x0] =	wrdreg $0xFFFFFFFF;
	(pc) =	sbr.abs _section_cstart, $3  }
0x38: {  	[dreg:$0x1] =	wrdreg $0xFFFFFFFF  }
0x39: {  	_ =	task.clear_ibuf [dreg:s7], $0x2FFFF;
	_ =	strace $0x9FFFFFFF  }
0x3a: {  	(tm) =	ssettm $0x7FFFFFFF  }
0x3b: {  	_ =	shalt  }
tec
execute0_lowered:
.L_overlay_start_1:
0x0: {  	(tag) =	ssettag $0x1  }
0x1: {  	s0 =	srdreg.scid  }
0x2: {  	s1 =	sshll.u32 s0, $0x4  }
0x3: {  	s0 =	stileid.u32;
	s1 =	sand.u32 $0x10, s1  }
0x4: {  	s1 =	sor.u32 s0, s1  }
0x5: {  	s6 =	rddreg [dreg:$0x0];
	s4 =	simm.s32 $0x1;
	s2 =	sshll.u32 s1, $0x7  }
0x6: {  	s7 =	simm.s32 $0x2;
	s12 =	simm.s32 $0x0;
	s1 =	ssub.s32 $0x4000, s2  }
0x7: {  	s8 =	simm.s32 $0x20000;
	s13 =	simm.s32 $0x0;
	s3 =	sand.u32 $0xF80, s1  }
0x8: {  	s9 =	simm.s32 $0x0;
	s5 =	sshrl.u32 s1, $0xC;
	p0 =	sne.s32 s3, $0x0  }
.Ltmp0:
0x9: {  	s1 =	rddreg [dreg:$0x2];
	s4 =	simm.s32 @!p0 $0x0;
	(pc) =	sbr.rel .LBB1_1-.Ltmp0, $4  }
0xa: {  	s11 =	simm.s32 $0x0;
	s3 =	rddreg [dreg:$0x1];
	s5 =	sadd.s32 s4, s5  }
0xb: {  	_ =	strace $0x8000004A;
	s4 =	simm.s32 $0x1;
	s5 =	smul.u32 $0x14, s5  }
0xc: {  	s6 =	sadd.s32 $0xA00, s6;
	s10 =	smov.u32 s2;
	[sflag:s4] =	ssyncpa.u1 $0x0  }
0xd: {  	p0 =	por $0x0, $0x0;
	[sflag:s7] =	ssyncpa.u1 $0x0;
	s7 =	sor.u32 $0x1, s5  }
.LBB1_4:
0xe: {  	s16 =	sshll.u32 s13, $0x3;
	s17 =	sand.u32 $0x78, s13  }
0xf: {  	s30 =	sand.u32 $0x1F800, s13;
	s12 =	sshll.u32 s12, $0x11;
	s16 =	sand.u32 $0x3C00, s16  }
0x10: {  	[tilespmem:s15+$0x810 ss:$0x81] =	vst.msk $0xffff, v2;
	s31 =	sand.u32 $0x7, s13;
	s16 =	sor.u32 s17, s16;
	s17 =	sadd.s32 s3, s30  }
0x11: {  	[tilespmem:s15+$0x1020 ss:$0x81] =	vst.msk $0xffff, v0;
	s13 =	sshll.u32 s31, $0x12;
	s12 =	sadd.s32 s12, s17;
	s16 =	sshrl.u32 s16, $0x3  }
0x12: {  	[tilespmem:s15+$0x0 ss:$0x81] =	vst.msk $0xffff, v1;
	s13 =	sor.u32 $0x400, s13;
	s12 =	sadd.s32 s16, s12  }
0x13: {  	[hbm4b:s12+s13] =	stream.strided.scatter [tilespmem:s14], [sflag:$0x2], $0x2000, s8, s13, $0x20;
	[tilespmem:$0x8080] =	vst v63  }
.LBB1_5:
0x14: {  	s14 =	sadd.s32 $0x1, s9  }
0x15: {  	s12 =	sadd.s32 $0x1000, s10;
	s16 =	smov.u32 s10;
	p2 =	sgt.s32 s14, $0x13  }
0x16: {  	s16 =	smov.u32 @p2 s12  }
0x17: {  	s14 =	simm.s32 @p2 $0x0;
	p2 =	sgt.s32 s16, $0x3FFF  }
0x18: {  	s16 =	smov.u32 @p2 s2;
	p2 =	sne.s32 s11, s7  }
.Ltmp1:
0x19: {  	p1 =	slt.u32 s11, $0x2;
	(pc) =	sbr.rel @!p2 .LBB1_6-.Ltmp1, $4  }
0x1a: {  	s15 =	simm.s32 @!p1 $0x2  }
0x1b: {  	s13 =	smov.u32 s10;
	p0 =	por !p0, !p0;
	_ =	swait.ge @!p1 [sflag:s15], $0x2000  }
0x1c: {  	s12 =	smov.u32 s9;
	[sflag:s15] =	ssyncset.done @!p1 $0x0;
	s9 =	smov.u32 s14  }
0x1d: {  	s11 =	sadd.s32 $0x1, s11;
	[sflag:s15] =	ssyncadd.s32 @!p1 $0xFFFFE000;
	s10 =	smov.u32 s16  }
.LBB1_1:
0x1e: {  	p1 =	sge.u32 s11, s5  }
0x1f: {  	s14 =	sand.u32 @!p1 $0x1FFFFFF, s9  }
0x20: {  	s15 =	smulhi.u32 @!p1 $0xAAAAAAB, s14;
	_ =	sdelay $0x1  }
0x21: {  	s15 =	smul.u32 @!p1 $0x18, s15  }
0x22: {  	s16 =	sxor.u32 @!p1 $0xFFFFFFFF, s11;
	s17 =	smul.u32 @!p1 $0x180, s10  }
0x23: {  	s31 =	sadd.s32 $0xFFFFFFFF, s11;
	s16 =	sshll.u32 @!p1 s16, $0xD;
	s14 =	ssub.s32 @!p1 s14, s15  }
0x24: {  	s15 =	sand.u32 @!p1 $0x2000, s16;
	s16 =	sadd.s32 @!p1 s6, s17;
	s14 =	sshll.u32 @!p1 s14, $0x4  }
0x25: {  	s17 =	simm.s32 @!p1 $0xC00;
	s14 =	sadd.s32 @!p1 s14, s16;
	s16 =	simm.s32 @!p1 $0x40  }
0x26: {  	[tilespmem:s15], [sflag:$0x1] =	stream.strided.gather @!p1 [hbm4b:s14+s16], $0x2000, s17, s16, $0x38;
	[tilespmem:$0x8080] =	vst v63  }
0x27: {  	p1 =	sge.u32 s31, s5  }
.Ltmp2:
0x28: {  	_ = 	snop;
	(pc) =	sbr.rel @p1 .LBB1_5-.Ltmp2, $1  }
0x29: {  	_ =	sdelay $0x3  }
0x2a: {  	s14 =	simm.s32 $0x1  }
0x2b: {  	_ =	swait.ge [sflag:s4], $0x2000;
	s14 =	simm.s32 @!p0 $0x0  }
0x2c: {  	[sflag:s4] =	ssyncset.done $0x0;
	s15 =	sshll.u32 s14, $0xD  }
0x2d: {  	[sflag:s4] =	ssyncadd.s32 $0xFFFFE000;
	s18 =	sor.u32 $0x20, s15  }
0x2e: {  	s14 =	smul.u32 $0x8100, s14;
	v3 =	vld [tilespmem:s18+$0x10]  }
0x2f: {  	s30 =	sand.u32 $0x1, s11;
	v2 =	vld [tilespmem:s18+$0xFFFFFFF0]  }
0x30: {  	s15 =	smul.u32 $0x8100, s30;
	s14 =	sshrl.u32 s14, $0x2;
	v0 =	vld [tilespmem:s18+$0x0]  }
0x31: {  	v1 =	vld [tilespmem:s18+$0xFFFFFFE0];
	s16 =	sor.u32 $0x4000, s14  }
0x32: {  	s31 =	sshrl.u32 s15, $0x2;
	s15 =	sadd.s32 $0x0, s16  }
0x33: {  	s17 =	simm.s32 $0x4;
	s18 =	sadd.s32 $0x40, s18;
	s14 =	sor.u32 $0x4000, s31;
	[tilespmem:s15+$0x1830 ss:$0x81] =	vst.msk $0xffff, v3  }
.LBB1_3:
0x34: {  	v3 =	vld [tilespmem:s18+$0x10];
	p1 =	sne.s32 s17, $0x1FC;
	[tilespmem:s15+$0x810 ss:$0x81] =	vst.msk $0xffff, v2;
	s19 =	smov.u32 s17;
	s17 =	sadd.s32 $0x4, s17  }
.Ltmp3:
0x35: {  	v2 =	vld [tilespmem:s18+$0xFFFFFFF0];
	[tilespmem:s15+$0x1020 ss:$0x81] =	vst.msk $0xffff, v0;
	(pc) =	sbr.rel @p1 .LBB1_3-.Ltmp3, $4  }
0x36: {  	v0 =	vld [tilespmem:s18+$0x0];
	[tilespmem:s15+$0x0 ss:$0x81] =	vst.msk $0xffff, v1  }
0x37: {  	s15 =	sshra.s32 s19, $0x2;
	v1 =	vld [tilespmem:s18+$0xFFFFFFE0]  }
0x38: {  	s15 =	sadd.s32 s15, s16  }
0x39: {  	s18 =	sadd.s32 $0x40, s18;
	[tilespmem:s15+$0x1830 ss:$0x81] =	vst.msk $0xffff, v3  }
.Ltmp4:
0x3a: {  	_ = 	snop;
	(pc) =	sbr.rel .LBB1_4-.Ltmp4, $1  }
0x3b: {  	_ =	sdelay $0x3  }
.LBB1_6:
0x3c: {  	_ =	sfence.sel $0x180000  }
0x3d: {  	s2 =	simm.s32 $0x1;
	[bflag:$0x0] =	sbarrier.arrive $0xFFFF  }
0x3e: {  	s31 =	simm.s32 $0x2;
	[sflag:s2] =	ssyncpa.u1 $0x1  }
0x3f: {  	[sflag:s31] =	ssyncpa.u1 $0x1  }
0x40: {  	p0 =	sne.s32 s0, $0x0;
	_ =	strace $0x9000004A  }
0x41: {  	s0 =	sadd.s32 @!p0 $0x100000, s1;
	[bflag:$0x2] =	sbarrier.arrive $0xFFFF  }
0x42: {  	[sflag:s0] =	ssyncadd.tile.s32 @!p0 $0x1;
	_ =	shalt  }
.Lfunc_end1:
_tile_overlayer_lowered:
.L_overlay_start_2:
0x43: {  	(tag) =	ssettag $0x2  }
0x44: {  	s0 =	rddreg [dreg:$0x0];
	s2 =	stileid.u32  }
0x45: {  	s1 =	rddreg [dreg:$0x1];
	p0 =	sne.s32 s2, $0x0  }
0x46: {  	s3 =	rddreg [dreg:$0x2];
	[bflag:$0x3] =	sbarrier.arrive $0xFFFF;
	s2 =	simm.s32 @!p0 $0x1C01  }
0x47: {  	[timem:s3], [sflag:s2] =	dma.local @!p0 [hbm:s0], s1  }
0x48: {  	s0 =	simm.s32 @!p0 $0x1  }
0x49: {  	_ =	swait.ge @!p0 [sflag:s0], s1  }
0x4a: {  	s1 =	ssub.s32 @!p0 $0x0, s1;
	[sflag:s0] =	ssyncset.done @!p0 $0x0  }
0x4b: {  	[sflag:s0] =	ssyncadd.s32 @!p0 s1  }
0x4c: {  	[bflag:$0x3] =	sbarrier.arrive $0xFFFF  }
0x4d: {  	_ =	shalt  }

</sc_bundles>
